<compile_context>
chip_gen: v7x
topology: tpu7x:2x2x1
jax: 0.10.2.dev20260603
libtpu: 0.0.44.dev20260713+nightly
codegen_flags: <defaults>
</compile_context>

<pallas_src>
import functools

import jax
import jax.numpy as jnp
from jax import lax
from jax.experimental import pallas as pl
from jax.experimental.pallas import tpu as pltpu
from jax.experimental.pallas import tpu_sc as plsc

_NC = 2
_NS = 16
_NW = _NC * _NS
_SUB = 128
_PACK = 4
_QROWS = 262144
_ROWS_PAD = _PACK * _QROWS


def _make_tc_pack_table(N, D):
    blk = 8192
    nblk = _QROWS // blk
    grid = (nblk,)

    def body(t0_ref, t1_ref, t2_ref, t3_ref, out_ref):
        eye = jnp.eye(D, dtype=jnp.float32)
        for j, t_ref in enumerate((t0_ref, t1_ref, t2_ref, t3_ref)):
            out_ref[:, pl.ds(j * D, D)] = lax.dot_general(
                t_ref[...], eye, (((0,), (0,)), ((), ())),
                preferred_element_type=jnp.float32)

    max_blk = (N + blk - 1) // blk - 1

    def in_spec(j):
        return pl.BlockSpec(
            (D, blk), lambda i, j=j: (0, jnp.minimum(nblk * j + i, max_blk)))

    return pl.pallas_call(
        body,
        grid=grid,
        in_specs=[in_spec(j) for j in range(_PACK)],
        out_specs=pl.BlockSpec((blk, _PACK * D), lambda i: (i, 0)),
        out_shape=jax.ShapeDtypeStruct((_QROWS, _PACK * D), jnp.float32),
    )


def _make_sc_pooled_gather(B, L, D):
    b_per_w = B // _NW
    nsub = b_per_w // _SUB
    mesh = plsc.VectorSubcoreMesh(
        core_axis_name="c", subcore_axis_name="s",
        num_cores=_NC, num_subcores=_NS)

    @functools.partial(
        pl.kernel,
        out_type=tuple(jax.ShapeDtypeStruct((B, D), jnp.float32)
                       for _ in range(4)),
        mesh=mesh,
        scratch_types=[
            pltpu.VMEM((L, nsub, _SUB), jnp.int32),
            pltpu.VMEM((L, nsub, _SUB), jnp.int32),
            pltpu.VMEM((b_per_w, D), jnp.float32),
            pltpu.VMEM((b_per_w, D), jnp.float32),
            pltpu.VMEM((b_per_w, D), jnp.float32),
            pltpu.VMEM((b_per_w, D), jnp.float32),
            pltpu.SemaphoreType.DMA,
            pltpu.SemaphoreType.DMA,
        ],
        compiler_params=pltpu.CompilerParams(use_tc_tiling_on_sc=False,
                                             needs_layout_passes=False),
    )
    def sc_kernel(enc1t, enc2t, emb_hbm, e1e_out, e1o_out, e2e_out, e2o_out,
                  idx1_v, idx2_v, a1e_v, a1o_v, a2e_v, a2o_v, sem_e, sem_o):
        wid = lax.axis_index("s") * _NC + lax.axis_index("c")
        base = wid * b_per_w

        pltpu.sync_copy(enc1t.at[:, pl.ds(wid * nsub, nsub), :], idx1_v)
        pltpu.sync_copy(enc2t.at[:, pl.ds(wid * nsub, nsub), :], idx2_v)

        def remap(l):
            for idx_v in (idx1_v, idx2_v):
                for c in range(nsub):
                    for g in range(_SUB // 16):
                        v = idx_v[l, c, pl.ds(g * 16, 16)]
                        idx_v[l, c, pl.ds(g * 16, 16)] = (
                            (v & (_QROWS - 1)) * _PACK + (v >> 18))

        def remap_body(l, carry):
            remap(l)
            return carry

        lax.fori_loop(0, L, remap_body, 0)

        def fire(l, accs, sem, add):
            ds = []
            for idx_v, acc_v in ((idx1_v, accs[0]), (idx2_v, accs[1])):
                for c in range(nsub):
                    ds.append(pltpu.async_copy(
                        emb_hbm.at[idx_v.at[l, c]],
                        acc_v.at[pl.ds(c * _SUB, _SUB)],
                        sem, add=add))
            return ds

        def drain(accs, sem):
            for acc_v in accs:
                for c in range(nsub):
                    pltpu.make_async_copy(
                        emb_hbm.at[pl.ds(0, _SUB)],
                        acc_v.at[pl.ds(c * _SUB, _SUB)], sem).wait()

        even = (a1e_v, a2e_v)
        odd = (a1o_v, a2o_v)

        fire(0, even, sem_e, False)
        fire(1, odd, sem_o, False)

        def body(k, carry):
            drain(even, sem_e)
            fire(2 * k, even, sem_e, True)
            drain(odd, sem_o)
            fire(2 * k + 1, odd, sem_o, True)
            return carry

        lax.fori_loop(1, L // 2, body, 0)
        drain(even, sem_e)
        drain(odd, sem_o)

        pltpu.sync_copy(a1e_v, e1e_out.at[pl.ds(base, b_per_w)])
        pltpu.sync_copy(a1o_v, e1o_out.at[pl.ds(base, b_per_w)])
        pltpu.sync_copy(a2e_v, e2e_out.at[pl.ds(base, b_per_w)])
        pltpu.sync_copy(a2o_v, e2o_out.at[pl.ds(base, b_per_w)])

    return sc_kernel


def _make_tc_mlp(B, L, D, n_types, nhid, nclasses):
    blk = 2048
    grid = (B // blk,)

    def body(e1e_ref, e1o_ref, e2e_ref, e2o_ref, c1_ref, c2_ref,
             w1_ref, b1_ref, w2_ref, b2_ref, out_ref):
        n1 = jnp.sum((c1_ref[...] != n_types).astype(jnp.float32), axis=0,
                     keepdims=True).T
        n2 = jnp.sum((c2_ref[...] != n_types).astype(jnp.float32), axis=0,
                     keepdims=True).T
        e1 = (e1e_ref[...] + e1o_ref[...]) / n1
        e2 = (e2e_ref[...] + e2o_ref[...]) / n2
        feat = jnp.concatenate([e1, e2, e1 * e2, jnp.abs(e1 - e2)], axis=1)
        h = lax.dot_general(feat, w1_ref[...], (((1,), (1,)), ((), ())),
                            preferred_element_type=jnp.float32) + b1_ref[...]
        h = jax.nn.sigmoid(h)
        out_ref[...] = lax.dot_general(h, w2_ref[...], (((1,), (1,)), ((), ())),
                                       preferred_element_type=jnp.float32
                                       ) + b2_ref[...]

    return pl.pallas_call(
        body,
        grid=grid,
        in_specs=[
            pl.BlockSpec((blk, D), lambda i: (i, 0)),
            pl.BlockSpec((blk, D), lambda i: (i, 0)),
            pl.BlockSpec((blk, D), lambda i: (i, 0)),
            pl.BlockSpec((blk, D), lambda i: (i, 0)),
            pl.BlockSpec((L, blk), lambda i: (0, i)),
            pl.BlockSpec((L, blk), lambda i: (0, i)),
            pl.BlockSpec((nhid, 4 * D), lambda i: (0, 0)),
            pl.BlockSpec((1, nhid), lambda i: (0, 0)),
            pl.BlockSpec((nclasses, nhid), lambda i: (0, 0)),
            pl.BlockSpec((1, nclasses), lambda i: (0, 0)),
        ],
        out_specs=pl.BlockSpec((blk, nclasses), lambda i: (i, 0)),
        out_shape=jax.ShapeDtypeStruct((B, nclasses), jnp.float32),
    )


def kernel(enc1, enc2, emb, W1, b1, W2, b2):
    B, L = enc1.shape
    N, D = emb.shape
    n_types = N - 1
    nhid = W1.shape[0]
    nclasses = W2.shape[0]

    enc1t = enc1.T.reshape(L, B // _SUB, _SUB)
    enc2t = enc2.T.reshape(L, B // _SUB, _SUB)
    embT = emb.T
    emb_flat = _make_tc_pack_table(N, D)(embT, embT, embT, embT)
    emb_sc = emb_flat.reshape(_ROWS_PAD, D)

    e1e, e1o, e2e, e2o = _make_sc_pooled_gather(B, L, D)(enc1t, enc2t, emb_sc)
    return _make_tc_mlp(B, L, D, n_types, nhid, nclasses)(
        e1e, e1o, e2e, e2o, enc1.T, enc2.T, W1, b1.reshape(1, nhid),
        W2, b2.reshape(1, nclasses))

# --- scband reference (transcript-rebuilt; emitter-appended) ---
"""Pipeline reference for scband-emb-mlp-50749333570226 (READ-ONLY COPY).

The authoritative reference and input builder live on the scoring server;
editing this copy changes nothing except your own understanding.
"""

import jax, jax.numpy as jnp
import numpy as np

N_TYPES = 1000000
INPUTDIM = 32
NHID = 256
NCLASSES = 2
B = 16384
L = 50

def setup_inputs(seed: int = 0) -> dict:
    key = jax.random.key(seed)
    k1, k2, k3, k4, k5, k6, k7 = jax.random.split(key, 7)
    enc1 = jax.random.randint(k1, (B, L), 0, N_TYPES, dtype=jnp.int64 if jax.config.jax_enable_x64 else jnp.int32)
    enc2 = jax.random.randint(k2, (B, L), 0, N_TYPES, dtype=jnp.int64 if jax.config.jax_enable_x64 else jnp.int32)
    emb = jax.random.normal(k3, (N_TYPES + 1, INPUTDIM), dtype=jnp.float32) * 0.02
    emb = emb.at[N_TYPES].set(0.0)  # padding_idx row
    W1 = jax.random.normal(k4, (NHID, INPUTDIM * 4), dtype=jnp.float32) * (1.0 / np.sqrt(INPUTDIM * 4))
    b1 = jax.random.normal(k5, (NHID,), dtype=jnp.float32) * 0.01
    W2 = jax.random.normal(k6, (NCLASSES, NHID), dtype=jnp.float32) * (1.0 / np.sqrt(NHID))
    b2 = jax.random.normal(k7, (NCLASSES,), dtype=jnp.float32) * 0.01
    return {"enc1": enc1, "enc2": enc2, "emb": emb, "W1": W1, "b1": b1, "W2": W2, "b2": b2}

def reference(enc1, enc2, emb, W1, b1, W2, b2):
    n_types = emb.shape[0] - 1
    n1 = jnp.sum(enc1 != n_types, axis=1).astype(jnp.float32)
    n2 = jnp.sum(enc2 != n_types, axis=1).astype(jnp.float32)
    te1 = jnp.take(emb, enc1, axis=0)  # [B, L, D]
    te2 = jnp.take(emb, enc2, axis=0)
    e1 = jnp.sum(te1, axis=1) / n1[:, None]
    e2 = jnp.sum(te2, axis=1) / n2[:, None]
    final_emb = jnp.concatenate((e1, e2, e1 * e2, jnp.abs(e1 - e2)), axis=1)
    out = final_emb @ W1.T + b1
    out = jax.nn.sigmoid(out)  # dropout p=0.0 is identity
    out = out @ W2.T + b2
    return out

if __name__ == "__main__":
    import jax
    _d = setup_inputs()
    print(jax.jit(kernel)(*tuple(_d.values())))

</pallas_src>

<mosaic_0001>
#map = affine_map<(d0, d1) -> (0, 0, 0)>
#map1 = affine_map<(d0, d1) -> (0, 0)>
module attributes {stable_mosaic.version = 14 : i64} {
  func.func @sc_kernel(%arg0: i32, %arg1: i32, %arg2: memref<50x128x128xi32, #tpu.memory_space<hbm>>, %arg3: memref<50x128x128xi32, #tpu.memory_space<hbm>>, %arg4: memref<1048576x32xf32, #tpu.memory_space<hbm>>, %arg5: memref<16384x32xf32, #tpu.memory_space<hbm>>, %arg6: memref<16384x32xf32, #tpu.memory_space<hbm>>, %arg7: memref<16384x32xf32, #tpu.memory_space<hbm>>, %arg8: memref<16384x32xf32, #tpu.memory_space<hbm>>, %arg9: memref<50x4x128xi32, #tpu.memory_space<vmem>>, %arg10: memref<50x4x128xi32, #tpu.memory_space<vmem>>, %arg11: memref<512x32xf32, #tpu.memory_space<vmem>>, %arg12: memref<512x32xf32, #tpu.memory_space<vmem>>, %arg13: memref<512x32xf32, #tpu.memory_space<vmem>>, %arg14: memref<512x32xf32, #tpu.memory_space<vmem>>, %arg15: memref<!tpu.dma_semaphore, #tpu.memory_space<semaphore_mem>>, %arg16: memref<!tpu.dma_semaphore, #tpu.memory_space<semaphore_mem>>) attributes {dimension_semantics = [#tpu.dimension_semantics<core_parallel>, #tpu.dimension_semantics<subcore_parallel>], iteration_bounds = array<i64: 2, 16>, scalar_prefetch = 0 : i64, scratch_operands = 8 : i64, tpu.core_type = #tpu.core_type<sc_vector_subcore>, window_params = [{transform_indices = #map}, {transform_indices = #map}, {transform_indices = #map1}, {transform_indices = #map1}, {transform_indices = #map1}, {transform_indices = #map1}, {transform_indices = #map1}]} {
    %mul3A = arith.constant 2 : i32
    %mul3A_0 = arith.muli %arg1, %mul3A : i32
    %add3A = arith.addi %mul3A_0, %arg0 : i32
    %mul3A_1 = arith.constant 512 : i32
    %mul3A_2 = arith.muli %add3A, %mul3A_1 : i32
    %mul3A_3 = arith.constant 4 : i32
    %mul3A_4 = arith.muli %add3A, %mul3A_3 : i32
    "tpu.region"() ({
      %run_scoped3A = tpu.sem_alloc : memref<!tpu.dma_semaphore, #tpu.memory_space<semaphore_mem>>
      %dma_start3A_384 = arith.constant 0 : i32
      %dma_start3A_385 = arith.constant 0 : i32
      %dma_start3A_386 = tpu.memref_slice %arg2[%dma_start3A_384, %mul3A_4, %dma_start3A_385] : memref<50x128x128xi32, #tpu.memory_space<hbm>> -> memref<50x4x128xi32, #tpu.memory_space<hbm>>
      %dma_start3A_387 = arith.constant 0 : i32
      %dma_start3A_388 = arith.constant 0 : i32
      %dma_start3A_389 = tpu.memref_slice %arg2[%dma_start3A_387, %mul3A_4, %dma_start3A_388] : memref<50x128x128xi32, #tpu.memory_space<hbm>> -> memref<50x4x128xi32, #tpu.memory_space<hbm>>
      tpu.enqueue_dma source(%dma_start3A_389 : memref<50x4x128xi32, #tpu.memory_space<hbm>>) target(%arg9 : memref<50x4x128xi32, #tpu.memory_space<vmem>>) target_semaphore(%run_scoped3A : memref<!tpu.dma_semaphore, #tpu.memory_space<semaphore_mem>>)
      %dma_wait3A_390 = arith.constant 0 : i32
      %dma_wait3A_391 = arith.constant 0 : i32
      %dma_wait3A_392 = tpu.memref_slice %arg2[%dma_wait3A_390, %mul3A_4, %dma_wait3A_391] : memref<50x128x128xi32, #tpu.memory_space<hbm>> -> memref<50x4x128xi32, #tpu.memory_space<hbm>>
      %dma_wait3A_393 = arith.constant 0 : i32
      %dma_wait3A_394 = arith.constant 0 : i32
      %dma_wait3A_395 = tpu.memref_slice %arg2[%dma_wait3A_393, %mul3A_4, %dma_wait3A_394] : memref<50x128x128xi32, #tpu.memory_space<hbm>> -> memref<50x4x128xi32, #tpu.memory_space<hbm>>
      tpu.wait_dma2 semaphore(%run_scoped3A : memref<!tpu.dma_semaphore, #tpu.memory_space<semaphore_mem>>) src(%dma_wait3A_395 : memref<50x4x128xi32, #tpu.memory_space<hbm>>) dst(%arg9 : memref<50x4x128xi32, #tpu.memory_space<vmem>>)
      tpu.yield
    }) : () -> ()
    %mul3A_5 = arith.constant 4 : i32
    %mul3A_6 = arith.muli %add3A, %mul3A_5 : i32
    "tpu.region"() ({
      %run_scoped3A = tpu.sem_alloc : memref<!tpu.dma_semaphore, #tpu.memory_space<semaphore_mem>>
      %dma_start3A_384 = arith.constant 0 : i32
      %dma_start3A_385 = arith.constant 0 : i32
      %dma_start3A_386 = tpu.memref_slice %arg3[%dma_start3A_384, %mul3A_6, %dma_start3A_385] : memref<50x128x128xi32, #tpu.memory_space<hbm>> -> memref<50x4x128xi32, #tpu.memory_space<hbm>>
      %dma_start3A_387 = arith.constant 0 : i32
      %dma_start3A_388 = arith.constant 0 : i32
      %dma_start3A_389 = tpu.memref_slice %arg3[%dma_start3A_387, %mul3A_6, %dma_start3A_388] : memref<50x128x128xi32, #tpu.memory_space<hbm>> -> memref<50x4x128xi32, #tpu.memory_space<hbm>>
      tpu.enqueue_dma source(%dma_start3A_389 : memref<50x4x128xi32, #tpu.memory_space<hbm>>) target(%arg10 : memref<50x4x128xi32, #tpu.memory_space<vmem>>) target_semaphore(%run_scoped3A : memref<!tpu.dma_semaphore, #tpu.memory_space<semaphore_mem>>)
      %dma_wait3A_390 = arith.constant 0 : i32
      %dma_wait3A_391 = arith.constant 0 : i32
      %dma_wait3A_392 = tpu.memref_slice %arg3[%dma_wait3A_390, %mul3A_6, %dma_wait3A_391] : memref<50x128x128xi32, #tpu.memory_space<hbm>> -> memref<50x4x128xi32, #tpu.memory_space<hbm>>
      %dma_wait3A_393 = arith.constant 0 : i32
      %dma_wait3A_394 = arith.constant 0 : i32
      %dma_wait3A_395 = tpu.memref_slice %arg3[%dma_wait3A_393, %mul3A_6, %dma_wait3A_394] : memref<50x128x128xi32, #tpu.memory_space<hbm>> -> memref<50x4x128xi32, #tpu.memory_space<hbm>>
      tpu.wait_dma2 semaphore(%run_scoped3A : memref<!tpu.dma_semaphore, #tpu.memory_space<semaphore_mem>>) src(%dma_wait3A_395 : memref<50x4x128xi32, #tpu.memory_space<hbm>>) dst(%arg10 : memref<50x4x128xi32, #tpu.memory_space<vmem>>)
      tpu.yield
    }) : () -> ()
    %scan3A = arith.constant 0 : i32
    %scan3A_7 = arith.constant 0 : i32
    %scan3A_8 = arith.constant 50 : i32
    %scan3A_9 = arith.addi %scan3A_7, %scan3A_8 : i32
    %scan3A_10 = arith.constant 1 : i32
    scf.for %scan3A_384 = %scan3A_7 to %scan3A_9 step %scan3A_10  : i32 {
      %get3A = arith.constant 0 : i32
      %get3A_385 = arith.index_cast %scan3A_384 : i32 to index
      %get3A_386 = arith.index_cast %get3A : i32 to index
      %get3A_387 = arith.constant 0 : index
      %get3A_388 = tpu.vector_load %arg9[%get3A_385, %get3A_386, %get3A_387] {strides = array<i32>} : memref<50x4x128xi32, #tpu.memory_space<vmem>>, vector<16xi32>,
      %and3A = arith.constant 262143 : i32
      %and3A_389 = vector.broadcast %and3A : i32 to vector<16xi32>
      %and3A_390 = arith.andi %get3A_388, %and3A_389 : vector<16xi32>
      %mul3A_391 = arith.constant 4 : i32
      %mul3A_392 = vector.broadcast %mul3A_391 : i32 to vector<16xi32>
      %mul3A_393 = arith.muli %and3A_390, %mul3A_392 : vector<16xi32>
      %shift_right_arithmetic3A = arith.constant 18 : i32
      %shift_right_arithmetic3A_394 = vector.broadcast %shift_right_arithmetic3A : i32 to vector<16xi32>
      %shift_right_arithmetic3A_395 = arith.shrsi %get3A_388, %shift_right_arithmetic3A_394 : vector<16xi32>
      %add3A_396 = arith.addi %mul3A_393, %shift_right_arithmetic3A_395 : vector<16xi32>
      %swap3A = arith.constant 0 : i32
      %swap3A_397 = arith.index_cast %scan3A_384 : i32 to index
      %swap3A_398 = arith.index_cast %swap3A : i32 to index
      %swap3A_399 = arith.constant 0 : index
      %swap3A_400 = tpu.vector_load %arg9[%swap3A_397, %swap3A_398, %swap3A_399] {strides = array<i32>} : memref<50x4x128xi32, #tpu.memory_space<vmem>>, vector<16xi32>,
      tpu.vector_store %arg9[%swap3A_397, %swap3A_398, %swap3A_399], %add3A_396 {strides = array<i32>} : memref<50x4x128xi32, #tpu.memory_space<vmem>>, vector<16xi32>,
      %get3A_401 = arith.constant 0 : i32
      %get3A_402 = arith.index_cast %scan3A_384 : i32 to index
      %get3A_403 = arith.index_cast %get3A_401 : i32 to index
      %get3A_404 = arith.constant 16 : index
      %get3A_405 = tpu.vector_load %arg9[%get3A_402, %get3A_403, %get3A_404] {strides = array<i32>} : memref<50x4x128xi32, #tpu.memory_space<vmem>>, vector<16xi32>,
      %and3A_406 = arith.constant 262143 : i32
      %and3A_407 = vector.broadcast %and3A_406 : i32 to vector<16xi32>
      %and3A_408 = arith.andi %get3A_405, %and3A_407 : vector<16xi32>
      %mul3A_409 = arith.constant 4 : i32
      %mul3A_410 = vector.broadcast %mul3A_409 : i32 to vector<16xi32>
      %mul3A_411 = arith.muli %and3A_408, %mul3A_410 : vector<16xi32>
      %shift_right_arithmetic3A_412 = arith.constant 18 : i32
      %shift_right_arithmetic3A_413 = vector.broadcast %shift_right_arithmetic3A_412 : i32 to vector<16xi32>
      %shift_right_arithmetic3A_414 = arith.shrsi %get3A_405, %shift_right_arithmetic3A_413 : vector<16xi32>
      %add3A_415 = arith.addi %mul3A_411, %shift_right_arithmetic3A_414 : vector<16xi32>
      %swap3A_416 = arith.constant 0 : i32
      %swap3A_417 = arith.index_cast %scan3A_384 : i32 to index
      %swap3A_418 = arith.index_cast %swap3A_416 : i32 to index
      %swap3A_419 = arith.constant 16 : index
      %swap3A_420 = tpu.vector_load %arg9[%swap3A_417, %swap3A_418, %swap3A_419] {strides = array<i32>} : memref<50x4x128xi32, #tpu.memory_space<vmem>>, vector<16xi32>,
      tpu.vector_store %arg9[%swap3A_417, %swap3A_418, %swap3A_419], %add3A_415 {strides = array<i32>} : memref<50x4x128xi32, #tpu.memory_space<vmem>>, vector<16xi32>,
      %get3A_421 = arith.constant 0 : i32
      %get3A_422 = arith.index_cast %scan3A_384 : i32 to index
      %get3A_423 = arith.index_cast %get3A_421 : i32 to index
      %get3A_424 = arith.constant 32 : index
      %get3A_425 = tpu.vector_load %arg9[%get3A_422, %get3A_423, %get3A_424] {strides = array<i32>} : memref<50x4x128xi32, #tpu.memory_space<vmem>>, vector<16xi32>,
      %and3A_426 = arith.constant 262143 : i32
      %and3A_427 = vector.broadcast %and3A_426 : i32 to vector<16xi32>
      %and3A_428 = arith.andi %get3A_425, %and3A_427 : vector<16xi32>
      %mul3A_429 = arith.constant 4 : i32
      %mul3A_430 = vector.broadcast %mul3A_429 : i32 to vector<16xi32>
      %mul3A_431 = arith.muli %and3A_428, %mul3A_430 : vector<16xi32>
      %shift_right_arithmetic3A_432 = arith.constant 18 : i32
      %shift_right_arithmetic3A_433 = vector.broadcast %shift_right_arithmetic3A_432 : i32 to vector<16xi32>
      %shift_right_arithmetic3A_434 = arith.shrsi %get3A_425, %shift_right_arithmetic3A_433 : vector<16xi32>
      %add3A_435 = arith.addi %mul3A_431, %shift_right_arithmetic3A_434 : vector<16xi32>
      %swap3A_436 = arith.constant 0 : i32
      %swap3A_437 = arith.index_cast %scan3A_384 : i32 to index
      %swap3A_438 = arith.index_cast %swap3A_436 : i32 to index
      %swap3A_439 = arith.constant 32 : index
      %swap3A_440 = tpu.vector_load %arg9[%swap3A_437, %swap3A_438, %swap3A_439] {strides = array<i32>} : memref<50x4x128xi32, #tpu.memory_space<vmem>>, vector<16xi32>,
      tpu.vector_store %arg9[%swap3A_437, %swap3A_438, %swap3A_439], %add3A_435 {strides = array<i32>} : memref<50x4x128xi32, #tpu.memory_space<vmem>>, vector<16xi32>,
      %get3A_441 = arith.constant 0 : i32
      %get3A_442 = arith.index_cast %scan3A_384 : i32 to index
      %get3A_443 = arith.index_cast %get3A_441 : i32 to index
      %get3A_444 = arith.constant 48 : index
      %get3A_445 = tpu.vector_load %arg9[%get3A_442, %get3A_443, %get3A_444] {strides = array<i32>} : memref<50x4x128xi32, #tpu.memory_space<vmem>>, vector<16xi32>,
      %and3A_446 = arith.constant 262143 : i32
      %and3A_447 = vector.broadcast %and3A_446 : i32 to vector<16xi32>
      %and3A_448 = arith.andi %get3A_445, %and3A_447 : vector<16xi32>
      %mul3A_449 = arith.constant 4 : i32
      %mul3A_450 = vector.broadcast %mul3A_449 : i32 to vector<16xi32>
      %mul3A_451 = arith.muli %and3A_448, %mul3A_450 : vector<16xi32>
      %shift_right_arithmetic3A_452 = arith.constant 18 : i32
      %shift_right_arithmetic3A_453 = vector.broadcast %shift_right_arithmetic3A_452 : i32 to vector<16xi32>
      %shift_right_arithmetic3A_454 = arith.shrsi %get3A_445, %shift_right_arithmetic3A_453 : vector<16xi32>
      %add3A_455 = arith.addi %mul3A_451, %shift_right_arithmetic3A_454 : vector<16xi32>
      %swap3A_456 = arith.constant 0 : i32
      %swap3A_457 = arith.index_cast %scan3A_384 : i32 to index
      %swap3A_458 = arith.index_cast %swap3A_456 : i32 to index
      %swap3A_459 = arith.constant 48 : index
      %swap3A_460 = tpu.vector_load %arg9[%swap3A_457, %swap3A_458, %swap3A_459] {strides = array<i32>} : memref<50x4x128xi32, #tpu.memory_space<vmem>>, vector<16xi32>,
      tpu.vector_store %arg9[%swap3A_457, %swap3A_458, %swap3A_459], %add3A_455 {strides = array<i32>} : memref<50x4x128xi32, #tpu.memory_space<vmem>>, vector<16xi32>,
      %get3A_461 = arith.constant 0 : i32
      %get3A_462 = arith.index_cast %scan3A_384 : i32 to index
      %get3A_463 = arith.index_cast %get3A_461 : i32 to index
      %get3A_464 = arith.constant 64 : index
      %get3A_465 = tpu.vector_load %arg9[%get3A_462, %get3A_463, %get3A_464] {strides = array<i32>} : memref<50x4x128xi32, #tpu.memory_space<vmem>>, vector<16xi32>,
      %and3A_466 = arith.constant 262143 : i32
      %and3A_467 = vector.broadcast %and3A_466 : i32 to vector<16xi32>
      %and3A_468 = arith.andi %get3A_465, %and3A_467 : vector<16xi32>
      %mul3A_469 = arith.constant 4 : i32
      %mul3A_470 = vector.broadcast %mul3A_469 : i32 to vector<16xi32>
      %mul3A_471 = arith.muli %and3A_468, %mul3A_470 : vector<16xi32>
      %shift_right_arithmetic3A_472 = arith.constant 18 : i32
      %shift_right_arithmetic3A_473 = vector.broadcast %shift_right_arithmetic3A_472 : i32 to vector<16xi32>
      %shift_right_arithmetic3A_474 = arith.shrsi %get3A_465, %shift_right_arithmetic3A_473 : vector<16xi32>
      %add3A_475 = arith.addi %mul3A_471, %shift_right_arithmetic3A_474 : vector<16xi32>
      %swap3A_476 = arith.constant 0 : i32
      %swap3A_477 = arith.index_cast %scan3A_384 : i32 to index
      %swap3A_478 = arith.index_cast %swap3A_476 : i32 to index
      %swap3A_479 = arith.constant 64 : index
      %swap3A_480 = tpu.vector_load %arg9[%swap3A_477, %swap3A_478, %swap3A_479] {strides = array<i32>} : memref<50x4x128xi32, #tpu.memory_space<vmem>>, vector<16xi32>,
      tpu.vector_store %arg9[%swap3A_477, %swap3A_478, %swap3A_479], %add3A_475 {strides = array<i32>} : memref<50x4x128xi32, #tpu.memory_space<vmem>>, vector<16xi32>,
      %get3A_481 = arith.constant 0 : i32
      %get3A_482 = arith.index_cast %scan3A_384 : i32 to index
      %get3A_483 = arith.index_cast %get3A_481 : i32 to index
      %get3A_484 = arith.constant 80 : index
      %get3A_485 = tpu.vector_load %arg9[%get3A_482, %get3A_483, %get3A_484] {strides = array<i32>} : memref<50x4x128xi32, #tpu.memory_space<vmem>>, vector<16xi32>,
      %and3A_486 = arith.constant 262143 : i32
      %and3A_487 = vector.broadcast %and3A_486 : i32 to vector<16xi32>
      %and3A_488 = arith.andi %get3A_485, %and3A_487 : vector<16xi32>
      %mul3A_489 = arith.constant 4 : i32
      %mul3A_490 = vector.broadcast %mul3A_489 : i32 to vector<16xi32>
      %mul3A_491 = arith.muli %and3A_488, %mul3A_490 : vector<16xi32>
      %shift_right_arithmetic3A_492 = arith.constant 18 : i32
      %shift_right_arithmetic3A_493 = vector.broadcast %shift_right_arithmetic3A_492 : i32 to vector<16xi32>
      %shift_right_arithmetic3A_494 = arith.shrsi %get3A_485, %shift_right_arithmetic3A_493 : vector<16xi32>
      %add3A_495 = arith.addi %mul3A_491, %shift_right_arithmetic3A_494 : vector<16xi32>
      %swap3A_496 = arith.constant 0 : i32
      %swap3A_497 = arith.index_cast %scan3A_384 : i32 to index
      %swap3A_498 = arith.index_cast %swap3A_496 : i32 to index
      %swap3A_499 = arith.constant 80 : index
      %swap3A_500 = tpu.vector_load %arg9[%swap3A_497, %swap3A_498, %swap3A_499] {strides = array<i32>} : memref<50x4x128xi32, #tpu.memory_space<vmem>>, vector<16xi32>,
      tpu.vector_store %arg9[%swap3A_497, %swap3A_498, %swap3A_499], %add3A_495 {strides = array<i32>} : memref<50x4x128xi32, #tpu.memory_space<vmem>>, vector<16xi32>,
      %get3A_501 = arith.constant 0 : i32
      %get3A_502 = arith.index_cast %scan3A_384 : i32 to index
      %get3A_503 = arith.index_cast %get3A_501 : i32 to index
      %get3A_504 = arith.constant 96 : index
      %get3A_505 = tpu.vector_load %arg9[%get3A_502, %get3A_503, %get3A_504] {strides = array<i32>} : memref<50x4x128xi32, #tpu.memory_space<vmem>>, vector<16xi32>,
      %and3A_506 = arith.constant 262143 : i32
      %and3A_507 = vector.broadcast %and3A_506 : i32 to vector<16xi32>
      %and3A_508 = arith.andi %get3A_505, %and3A_507 : vector<16xi32>
      %mul3A_509 = arith.constant 4 : i32
      %mul3A_510 = vector.broadcast %mul3A_509 : i32 to vector<16xi32>
      %mul3A_511 = arith.muli %and3A_508, %mul3A_510 : vector<16xi32>
      %shift_right_arithmetic3A_512 = arith.constant 18 : i32
      %shift_right_arithmetic3A_513 = vector.broadcast %shift_right_arithmetic3A_512 : i32 to vector<16xi32>
      %shift_right_arithmetic3A_514 = arith.shrsi %get3A_505, %shift_right_arithmetic3A_513 : vector<16xi32>
      %add3A_515 = arith.addi %mul3A_511, %shift_right_arithmetic3A_514 : vector<16xi32>
      %swap3A_516 = arith.constant 0 : i32
      %swap3A_517 = arith.index_cast %scan3A_384 : i32 to index
      %swap3A_518 = arith.index_cast %swap3A_516 : i32 to index
      %swap3A_519 = arith.constant 96 : index
      %swap3A_520 = tpu.vector_load %arg9[%swap3A_517, %swap3A_518, %swap3A_519] {strides = array<i32>} : memref<50x4x128xi32, #tpu.memory_space<vmem>>, vector<16xi32>,
      tpu.vector_store %arg9[%swap3A_517, %swap3A_518, %swap3A_519], %add3A_515 {strides = array<i32>} : memref<50x4x128xi32, #tpu.memory_space<vmem>>, vector<16xi32>,
      %get3A_521 = arith.constant 0 : i32
      %get3A_522 = arith.index_cast %scan3A_384 : i32 to index
      %get3A_523 = arith.index_cast %get3A_521 : i32 to index
      %get3A_524 = arith.constant 112 : index
      %get3A_525 = tpu.vector_load %arg9[%get3A_522, %get3A_523, %get3A_524] {strides = array<i32>} : memref<50x4x128xi32, #tpu.memory_space<vmem>>, vector<16xi32>,
      %and3A_526 = arith.constant 262143 : i32
      %and3A_527 = vector.broadcast %and3A_526 : i32 to vector<16xi32>
      %and3A_528 = arith.andi %get3A_525, %and3A_527 : vector<16xi32>
      %mul3A_529 = arith.constant 4 : i32
      %mul3A_530 = vector.broadcast %mul3A_529 : i32 to vector<16xi32>
      %mul3A_531 = arith.muli %and3A_528, %mul3A_530 : vector<16xi32>
      %shift_right_arithmetic3A_532 = arith.constant 18 : i32
      %shift_right_arithmetic3A_533 = vector.broadcast %shift_right_arithmetic3A_532 : i32 to vector<16xi32>
      %shift_right_arithmetic3A_534 = arith.shrsi %get3A_525, %shift_right_arithmetic3A_533 : vector<16xi32>
      %add3A_535 = arith.addi %mul3A_531, %shift_right_arithmetic3A_534 : vector<16xi32>
      %swap3A_536 = arith.constant 0 : i32
      %swap3A_537 = arith.index_cast %scan3A_384 : i32 to index
      %swap3A_538 = arith.index_cast %swap3A_536 : i32 to index
      %swap3A_539 = arith.constant 112 : index
      %swap3A_540 = tpu.vector_load %arg9[%swap3A_537, %swap3A_538, %swap3A_539] {strides = array<i32>} : memref<50x4x128xi32, #tpu.memory_space<vmem>>, vector<16xi32>,
      tpu.vector_store %arg9[%swap3A_537, %swap3A_538, %swap3A_539], %add3A_535 {strides = array<i32>} : memref<50x4x128xi32, #tpu.memory_space<vmem>>, vector<16xi32>,
      %get3A_541 = arith.constant 1 : i32
      %get3A_542 = arith.index_cast %scan3A_384 : i32 to index
      %get3A_543 = arith.index_cast %get3A_541 : i32 to index
      %get3A_544 = arith.constant 0 : index
      %get3A_545 = tpu.vector_load %arg9[%get3A_542, %get3A_543, %get3A_544] {strides = array<i32>} : memref<50x4x128xi32, #tpu.memory_space<vmem>>, vector<16xi32>,
      %and3A_546 = arith.constant 262143 : i32
      %and3A_547 = vector.broadcast %and3A_546 : i32 to vector<16xi32>
      %and3A_548 = arith.andi %get3A_545, %and3A_547 : vector<16xi32>
      %mul3A_549 = arith.constant 4 : i32
      %mul3A_550 = vector.broadcast %mul3A_549 : i32 to vector<16xi32>
      %mul3A_551 = arith.muli %and3A_548, %mul3A_550 : vector<16xi32>
      %shift_right_arithmetic3A_552 = arith.constant 18 : i32
      %shift_right_arithmetic3A_553 = vector.broadcast %shift_right_arithmetic3A_552 : i32 to vector<16xi32>
      %shift_right_arithmetic3A_554 = arith.shrsi %get3A_545, %shift_right_arithmetic3A_553 : vector<16xi32>
      %add3A_555 = arith.addi %mul3A_551, %shift_right_arithmetic3A_554 : vector<16xi32>
      %swap3A_556 = arith.constant 1 : i32
      %swap3A_557 = arith.index_cast %scan3A_384 : i32 to index
      %swap3A_558 = arith.index_cast %swap3A_556 : i32 to index
      %swap3A_559 = arith.constant 0 : index
      %swap3A_560 = tpu.vector_load %arg9[%swap3A_557, %swap3A_558, %swap3A_559] {strides = array<i32>} : memref<50x4x128xi32, #tpu.memory_space<vmem>>, vector<16xi32>,
      tpu.vector_store %arg9[%swap3A_557, %swap3A_558, %swap3A_559], %add3A_555 {strides = array<i32>} : memref<50x4x128xi32, #tpu.memory_space<vmem>>, vector<16xi32>,
      %get3A_561 = arith.constant 1 : i32
      %get3A_562 = arith.index_cast %scan3A_384 : i32 to index
      %get3A_563 = arith.index_cast %get3A_561 : i32 to index
      %get3A_564 = arith.constant 16 : index
      %get3A_565 = tpu.vector_load %arg9[%get3A_562, %get3A_563, %get3A_564] {strides = array<i32>} : memref<50x4x128xi32, #tpu.memory_space<vmem>>, vector<16xi32>,
      %and3A_566 = arith.constant 262143 : i32
      %and3A_567 = vector.broadcast %and3A_566 : i32 to vector<16xi32>
      %and3A_568 = arith.andi %get3A_565, %and3A_567 : vector<16xi32>
      %mul3A_569 = arith.constant 4 : i32
      %mul3A_570 = vector.broadcast %mul3A_569 : i32 to vector<16xi32>
      %mul3A_571 = arith.muli %and3A_568, %mul3A_570 : vector<16xi32>
      %shift_right_arithmetic3A_572 = arith.constant 18 : i32
      %shift_right_arithmetic3A_573 = vector.broadcast %shift_right_arithmetic3A_572 : i32 to vector<16xi32>
      %shift_right_arithmetic3A_574 = arith.shrsi %get3A_565, %shift_right_arithmetic3A_573 : vector<16xi32>
      %add3A_575 = arith.addi %mul3A_571, %shift_right_arithmetic3A_574 : vector<16xi32>
      %swap3A_576 = arith.constant 1 : i32
      %swap3A_577 = arith.index_cast %scan3A_384 : i32 to index
      %swap3A_578 = arith.index_cast %swap3A_576 : i32 to index
      %swap3A_579 = arith.constant 16 : index
      %swap3A_580 = tpu.vector_load %arg9[%swap3A_577, %swap3A_578, %swap3A_579] {strides = array<i32>} : memref<50x4x128xi32, #tpu.memory_space<vmem>>, vector<16xi32>,
      tpu.vector_store %arg9[%swap3A_577, %swap3A_578, %swap3A_579], %add3A_575 {strides = array<i32>} : memref<50x4x128xi32, #tpu.memory_space<vmem>>, vector<16xi32>,
      %get3A_581 = arith.constant 1 : i32
      %get3A_582 = arith.index_cast %scan3A_384 : i32 to index
      %get3A_583 = arith.index_cast %get3A_581 : i32 to index
      %get3A_584 = arith.constant 32 : index
      %get3A_585 = tpu.vector_load %arg9[%get3A_582, %get3A_583, %get3A_584] {strides = array<i32>} : memref<50x4x128xi32, #tpu.memory_space<vmem>>, vector<16xi32>,
      %and3A_586 = arith.constant 262143 : i32
      %and3A_587 = vector.broadcast %and3A_586 : i32 to vector<16xi32>
      %and3A_588 = arith.andi %get3A_585, %and3A_587 : vector<16xi32>
      %mul3A_589 = arith.constant 4 : i32
      %mul3A_590 = vector.broadcast %mul3A_589 : i32 to vector<16xi32>
      %mul3A_591 = arith.muli %and3A_588, %mul3A_590 : vector<16xi32>
      %shift_right_arithmetic3A_592 = arith.constant 18 : i32
      %shift_right_arithmetic3A_593 = vector.broadcast %shift_right_arithmetic3A_592 : i32 to vector<16xi32>
      %shift_right_arithmetic3A_594 = arith.shrsi %get3A_585, %shift_right_arithmetic3A_593 : vector<16xi32>
      %add3A_595 = arith.addi %mul3A_591, %shift_right_arithmetic3A_594 : vector<16xi32>
      %swap3A_596 = arith.constant 1 : i32
      %swap3A_597 = arith.index_cast %scan3A_384 : i32 to index
      %swap3A_598 = arith.index_cast %swap3A_596 : i32 to index
      %swap3A_599 = arith.constant 32 : index
      %swap3A_600 = tpu.vector_load %arg9[%swap3A_597, %swap3A_598, %swap3A_599] {strides = array<i32>} : memref<50x4x128xi32, #tpu.memory_space<vmem>>, vector<16xi32>,
      tpu.vector_store %arg9[%swap3A_597, %swap3A_598, %swap3A_599], %add3A_595 {strides = array<i32>} : memref<50x4x128xi32, #tpu.memory_space<vmem>>, vector<16xi32>,
      %get3A_601 = arith.constant 1 : i32
      %get3A_602 = arith.index_cast %scan3A_384 : i32 to index
      %get3A_603 = arith.index_cast %get3A_601 : i32 to index
      %get3A_604 = arith.constant 48 : index
      %get3A_605 = tpu.vector_load %arg9[%get3A_602, %get3A_603, %get3A_604] {strides = array<i32>} : memref<50x4x128xi32, #tpu.memory_space<vmem>>, vector<16xi32>,
      %and3A_606 = arith.constant 262143 : i32
      %and3A_607 = vector.broadcast %and3A_606 : i32 to vector<16xi32>
      %and3A_608 = arith.andi %get3A_605, %and3A_607 : vector<16xi32>
      %mul3A_609 = arith.constant 4 : i32
      %mul3A_610 = vector.broadcast %mul3A_609 : i32 to vector<16xi32>
      %mul3A_611 = arith.muli %and3A_608, %mul3A_610 : vector<16xi32>
      %shift_right_arithmetic3A_612 = arith.constant 18 : i32
      %shift_right_arithmetic3A_613 = vector.broadcast %shift_right_arithmetic3A_612 : i32 to vector<16xi32>
      %shift_right_arithmetic3A_614 = arith.shrsi %get3A_605, %shift_right_arithmetic3A_613 : vector<16xi32>
      %add3A_615 = arith.addi %mul3A_611, %shift_right_arithmetic3A_614 : vector<16xi32>
      %swap3A_616 = arith.constant 1 : i32
      %swap3A_617 = arith.index_cast %scan3A_384 : i32 to index
      %swap3A_618 = arith.index_cast %swap3A_616 : i32 to index
      %swap3A_619 = arith.constant 48 : index
      %swap3A_620 = tpu.vector_load %arg9[%swap3A_617, %swap3A_618, %swap3A_619] {strides = array<i32>} : memref<50x4x128xi32, #tpu.memory_space<vmem>>, vector<16xi32>,
      tpu.vector_store %arg9[%swap3A_617, %swap3A_618, %swap3A_619], %add3A_615 {strides = array<i32>} : memref<50x4x128xi32, #tpu.memory_space<vmem>>, vector<16xi32>,
      %get3A_621 = arith.constant 1 : i32
      %get3A_622 = arith.index_cast %scan3A_384 : i32 to index
      %get3A_623 = arith.index_cast %get3A_621 : i32 to index
      %get3A_624 = arith.constant 64 : index
      %get3A_625 = tpu.vector_load %arg9[%get3A_622, %get3A_623, %get3A_624] {strides = array<i32>} : memref<50x4x128xi32, #tpu.memory_space<vmem>>, vector<16xi32>,
      %and3A_626 = arith.constant 262143 : i32
      %and3A_627 = vector.broadcast %and3A_626 : i32 to vector<16xi32>
      %and3A_628 = arith.andi %get3A_625, %and3A_627 : vector<16xi32>
      %mul3A_629 = arith.constant 4 : i32
      %mul3A_630 = vector.broadcast %mul3A_629 : i32 to vector<16xi32>
      %mul3A_631 = arith.muli %and3A_628, %mul3A_630 : vector<16xi32>
      %shift_right_arithmetic3A_632 = arith.constant 18 : i32
      %shift_right_arithmetic3A_633 = vector.broadcast %shift_right_arithmetic3A_632 : i32 to vector<16xi32>
      %shift_right_arithmetic3A_634 = arith.shrsi %get3A_625, %shift_right_arithmetic3A_633 : vector<16xi32>
      %add3A_635 = arith.addi %mul3A_631, %shift_right_arithmetic3A_634 : vector<16xi32>
      %swap3A_636 = arith.constant 1 : i32
      %swap3A_637 = arith.index_cast %scan3A_384 : i32 to index
      %swap3A_638 = arith.index_cast %swap3A_636 : i32 to index
      %swap3A_639 = arith.constant 64 : index
      %swap3A_640 = tpu.vector_load %arg9[%swap3A_637, %swap3A_638, %swap3A_639] {strides = array<i32>} : memref<50x4x128xi32, #tpu.memory_space<vmem>>, vector<16xi32>,
      tpu.vector_store %arg9[%swap3A_637, %swap3A_638, %swap3A_639], %add3A_635 {strides = array<i32>} : memref<50x4x128xi32, #tpu.memory_space<vmem>>, vector<16xi32>,
      %get3A_641 = arith.constant 1 : i32
      %get3A_642 = arith.index_cast %scan3A_384 : i32 to index
      %get3A_643 = arith.index_cast %get3A_641 : i32 to index
      %get3A_644 = arith.constant 80 : index
      %get3A_645 = tpu.vector_load %arg9[%get3A_642, %get3A_643, %get3A_644] {strides = array<i32>} : memref<50x4x128xi32, #tpu.memory_space<vmem>>, vector<16xi32>,
      %and3A_646 = arith.constant 262143 : i32
      %and3A_647 = vector.broadcast %and3A_646 : i32 to vector<16xi32>
      %and3A_648 = arith.andi %get3A_645, %and3A_647 : vector<16xi32>
      %mul3A_649 = arith.constant 4 : i32
      %mul3A_650 = vector.broadcast %mul3A_649 : i32 to vector<16xi32>
      %mul3A_651 = arith.muli %and3A_648, %mul3A_650 : vector<16xi32>
      %shift_right_arithmetic3A_652 = arith.constant 18 : i32
      %shift_right_arithmetic3A_653 = vector.broadcast %shift_right_arithmetic3A_652 : i32 to vector<16xi32>
      %shift_right_arithmetic3A_654 = arith.shrsi %get3A_645, %shift_right_arithmetic3A_653 : vector<16xi32>
      %add3A_655 = arith.addi %mul3A_651, %shift_right_arithmetic3A_654 : vector<16xi32>
      %swap3A_656 = arith.constant 1 : i32
      %swap3A_657 = arith.index_cast %scan3A_384 : i32 to index
      %swap3A_658 = arith.index_cast %swap3A_656 : i32 to index
      %swap3A_659 = arith.constant 80 : index
      %swap3A_660 = tpu.vector_load %arg9[%swap3A_657, %swap3A_658, %swap3A_659] {strides = array<i32>} : memref<50x4x128xi32, #tpu.memory_space<vmem>>, vector<16xi32>,
      tpu.vector_store %arg9[%swap3A_657, %swap3A_658, %swap3A_659], %add3A_655 {strides = array<i32>} : memref<50x4x128xi32, #tpu.memory_space<vmem>>, vector<16xi32>,
      %get3A_661 = arith.constant 1 : i32
      %get3A_662 = arith.index_cast %scan3A_384 : i32 to index
      %get3A_663 = arith.index_cast %get3A_661 : i32 to index
      %get3A_664 = arith.constant 96 : index
      %get3A_665 = tpu.vector_load %arg9[%get3A_662, %get3A_663, %get3A_664] {strides = array<i32>} : memref<50x4x128xi32, #tpu.memory_space<vmem>>, vector<16xi32>,
      %and3A_666 = arith.constant 262143 : i32
      %and3A_667 = vector.broadcast %and3A_666 : i32 to vector<16xi32>
      %and3A_668 = arith.andi %get3A_665, %and3A_667 : vector<16xi32>
      %mul3A_669 = arith.constant 4 : i32
      %mul3A_670 = vector.broadcast %mul3A_669 : i32 to vector<16xi32>
      %mul3A_671 = arith.muli %and3A_668, %mul3A_670 : vector<16xi32>
      %shift_right_arithmetic3A_672 = arith.constant 18 : i32
      %shift_right_arithmetic3A_673 = vector.broadcast %shift_right_arithmetic3A_672 : i32 to vector<16xi32>
      %shift_right_arithmetic3A_674 = arith.shrsi %get3A_665, %shift_right_arithmetic3A_673 : vector<16xi32>
      %add3A_675 = arith.addi %mul3A_671, %shift_right_arithmetic3A_674 : vector<16xi32>
      %swap3A_676 = arith.constant 1 : i32
      %swap3A_677 = arith.index_cast %scan3A_384 : i32 to index
      %swap3A_678 = arith.index_cast %swap3A_676 : i32 to index
      %swap3A_679 = arith.constant 96 : index
      %swap3A_680 = tpu.vector_load %arg9[%swap3A_677, %swap3A_678, %swap3A_679] {strides = array<i32>} : memref<50x4x128xi32, #tpu.memory_space<vmem>>, vector<16xi32>,
      tpu.vector_store %arg9[%swap3A_677, %swap3A_678, %swap3A_679], %add3A_675 {strides = array<i32>} : memref<50x4x128xi32, #tpu.memory_space<vmem>>, vector<16xi32>,
      %get3A_681 = arith.constant 1 : i32
      %get3A_682 = arith.index_cast %scan3A_384 : i32 to index
      %get3A_683 = arith.index_cast %get3A_681 : i32 to index
      %get3A_684 = arith.constant 112 : index
      %get3A_685 = tpu.vector_load %arg9[%get3A_682, %get3A_683, %get3A_684] {strides = array<i32>} : memref<50x4x128xi32, #tpu.memory_space<vmem>>, vector<16xi32>,
      %and3A_686 = arith.constant 262143 : i32
      %and3A_687 = vector.broadcast %and3A_686 : i32 to vector<16xi32>
      %and3A_688 = arith.andi %get3A_685, %and3A_687 : vector<16xi32>
      %mul3A_689 = arith.constant 4 : i32
      %mul3A_690 = vector.broadcast %mul3A_689 : i32 to vector<16xi32>
      %mul3A_691 = arith.muli %and3A_688, %mul3A_690 : vector<16xi32>
      %shift_right_arithmetic3A_692 = arith.constant 18 : i32
      %shift_right_arithmetic3A_693 = vector.broadcast %shift_right_arithmetic3A_692 : i32 to vector<16xi32>
      %shift_right_arithmetic3A_694 = arith.shrsi %get3A_685, %shift_right_arithmetic3A_693 : vector<16xi32>
      %add3A_695 = arith.addi %mul3A_691, %shift_right_arithmetic3A_694 : vector<16xi32>
      %swap3A_696 = arith.constant 1 : i32
      %swap3A_697 = arith.index_cast %scan3A_384 : i32 to index
      %swap3A_698 = arith.index_cast %swap3A_696 : i32 to index
      %swap3A_699 = arith.constant 112 : index
      %swap3A_700 = tpu.vector_load %arg9[%swap3A_697, %swap3A_698, %swap3A_699] {strides = array<i32>} : memref<50x4x128xi32, #tpu.memory_space<vmem>>, vector<16xi32>,
      tpu.vector_store %arg9[%swap3A_697, %swap3A_698, %swap3A_699], %add3A_695 {strides = array<i32>} : memref<50x4x128xi32, #tpu.memory_space<vmem>>, vector<16xi32>,
      %get3A_701 = arith.constant 2 : i32
      %get3A_702 = arith.index_cast %scan3A_384 : i32 to index
      %get3A_703 = arith.index_cast %get3A_701 : i32 to index
      %get3A_704 = arith.constant 0 : index
      %get3A_705 = tpu.vector_load %arg9[%get3A_702, %get3A_703, %get3A_704] {strides = array<i32>} : memref<50x4x128xi32, #tpu.memory_space<vmem>>, vector<16xi32>,
      %and3A_706 = arith.constant 262143 : i32
      %and3A_707 = vector.broadcast %and3A_706 : i32 to vector<16xi32>
      %and3A_708 = arith.andi %get3A_705, %and3A_707 : vector<16xi32>
      %mul3A_709 = arith.constant 4 : i32
      %mul3A_710 = vector.broadcast %mul3A_709 : i32 to vector<16xi32>
      %mul3A_711 = arith.muli %and3A_708, %mul3A_710 : vector<16xi32>
      %shift_right_arithmetic3A_712 = arith.constant 18 : i32
      %shift_right_arithmetic3A_713 = vector.broadcast %shift_right_arithmetic3A_712 : i32 to vector<16xi32>
      %shift_right_arithmetic3A_714 = arith.shrsi %get3A_705, %shift_right_arithmetic3A_713 : vector<16xi32>
      %add3A_715 = arith.addi %mul3A_711, %shift_right_arithmetic3A_714 : vector<16xi32>
      %swap3A_716 = arith.constant 2 : i32
      %swap3A_717 = arith.index_cast %scan3A_384 : i32 to index
      %swap3A_718 = arith.index_cast %swap3A_716 : i32 to index
      %swap3A_719 = arith.constant 0 : index
      %swap3A_720 = tpu.vector_load %arg9[%swap3A_717, %swap3A_718, %swap3A_719] {strides = array<i32>} : memref<50x4x128xi32, #tpu.memory_space<vmem>>, vector<16xi32>,
      tpu.vector_store %arg9[%swap3A_717, %swap3A_718, %swap3A_719], %add3A_715 {strides = array<i32>} : memref<50x4x128xi32, #tpu.memory_space<vmem>>, vector<16xi32>,
      %get3A_721 = arith.constant 2 : i32
      %get3A_722 = arith.index_cast %scan3A_384 : i32 to index
      %get3A_723 = arith.index_cast %get3A_721 : i32 to index
      %get3A_724 = arith.constant 16 : index
      %get3A_725 = tpu.vector_load %arg9[%get3A_722, %get3A_723, %get3A_724] {strides = array<i32>} : memref<50x4x128xi32, #tpu.memory_space<vmem>>, vector<16xi32>,
      %and3A_726 = arith.constant 262143 : i32
      %and3A_727 = vector.broadcast %and3A_726 : i32 to vector<16xi32>
      %and3A_728 = arith.andi %get3A_725, %and3A_727 : vector<16xi32>
      %mul3A_729 = arith.constant 4 : i32
      %mul3A_730 = vector.broadcast %mul3A_729 : i32 to vector<16xi32>
      %mul3A_731 = arith.muli %and3A_728, %mul3A_730 : vector<16xi32>
      %shift_right_arithmetic3A_732 = arith.constant 18 : i32
      %shift_right_arithmetic3A_733 = vector.broadcast %shift_right_arithmetic3A_732 : i32 to vector<16xi32>
      %shift_right_arithmetic3A_734 = arith.shrsi %get3A_725, %shift_right_arithmetic3A_733 : vector<16xi32>
      %add3A_735 = arith.addi %mul3A_731, %shift_right_arithmetic3A_734 : vector<16xi32>
      %swap3A_736 = arith.constant 2 : i32
      %swap3A_737 = arith.index_cast %scan3A_384 : i32 to index
      %swap3A_738 = arith.index_cast %swap3A_736 : i32 to index
      %swap3A_739 = arith.constant 16 : index
      %swap3A_740 = tpu.vector_load %arg9[%swap3A_737, %swap3A_738, %swap3A_739] {strides = array<i32>} : memref<50x4x128xi32, #tpu.memory_space<vmem>>, vector<16xi32>,
      tpu.vector_store %arg9[%swap3A_737, %swap3A_738, %swap3A_739], %add3A_735 {strides = array<i32>} : memref<50x4x128xi32, #tpu.memory_space<vmem>>, vector<16xi32>,
      %get3A_741 = arith.constant 2 : i32
      %get3A_742 = arith.index_cast %scan3A_384 : i32 to index
      %get3A_743 = arith.index_cast %get3A_741 : i32 to index
      %get3A_744 = arith.constant 32 : index
      %get3A_745 = tpu.vector_load %arg9[%get3A_742, %get3A_743, %get3A_744] {strides = array<i32>} : memref<50x4x128xi32, #tpu.memory_space<vmem>>, vector<16xi32>,
      %and3A_746 = arith.constant 262143 : i32
      %and3A_747 = vector.broadcast %and3A_746 : i32 to vector<16xi32>
      %and3A_748 = arith.andi %get3A_745, %and3A_747 : vector<16xi32>
      %mul3A_749 = arith.constant 4 : i32
      %mul3A_750 = vector.broadcast %mul3A_749 : i32 to vector<16xi32>
      %mul3A_751 = arith.muli %and3A_748, %mul3A_750 : vector<16xi32>
      %shift_right_arithmetic3A_752 = arith.constant 18 : i32
      %shift_right_arithmetic3A_753 = vector.broadcast %shift_right_arithmetic3A_752 : i32 to vector<16xi32>
      %shift_right_arithmetic3A_754 = arith.shrsi %get3A_745, %shift_right_arithmetic3A_753 : vector<16xi32>
      %add3A_755 = arith.addi %mul3A_751, %shift_right_arithmetic3A_754 : vector<16xi32>
      %swap3A_756 = arith.constant 2 : i32
      %swap3A_757 = arith.index_cast %scan3A_384 : i32 to index
      %swap3A_758 = arith.index_cast %swap3A_756 : i32 to index
      %swap3A_759 = arith.constant 32 : index
      %swap3A_760 = tpu.vector_load %arg9[%swap3A_757, %swap3A_758, %swap3A_759] {strides = array<i32>} : memref<50x4x128xi32, #tpu.memory_space<vmem>>, vector<16xi32>,
      tpu.vector_store %arg9[%swap3A_757, %swap3A_758, %swap3A_759], %add3A_755 {strides = array<i32>} : memref<50x4x128xi32, #tpu.memory_space<vmem>>, vector<16xi32>,
      %get3A_761 = arith.constant 2 : i32
      %get3A_762 = arith.index_cast %scan3A_384 : i32 to index
      %get3A_763 = arith.index_cast %get3A_761 : i32 to index
      %get3A_764 = arith.constant 48 : index
      %get3A_765 = tpu.vector_load %arg9[%get3A_762, %get3A_763, %get3A_764] {strides = array<i32>} : memref<50x4x128xi32, #tpu.memory_space<vmem>>, vector<16xi32>,
      %and3A_766 = arith.constant 262143 : i32
      %and3A_767 = vector.broadcast %and3A_766 : i32 to vector<16xi32>
      %and3A_768 = arith.andi %get3A_765, %and3A_767 : vector<16xi32>
      %mul3A_769 = arith.constant 4 : i32
      %mul3A_770 = vector.broadcast %mul3A_769 : i32 to vector<16xi32>
      %mul3A_771 = arith.muli %and3A_768, %mul3A_770 : vector<16xi32>
      %shift_right_arithmetic3A_772 = arith.constant 18 : i32
      %shift_right_arithmetic3A_773 = vector.broadcast %shift_right_arithmetic3A_772 : i32 to vector<16xi32>
      %shift_right_arithmetic3A_774 = arith.shrsi %get3A_765, %shift_right_arithmetic3A_773 : vector<16xi32>
      %add3A_775 = arith.addi %mul3A_771, %shift_right_arithmetic3A_774 : vector<16xi32>
      %swap3A_776 = arith.constant 2 : i32
      %swap3A_777 = arith.index_cast %scan3A_384 : i32 to index
      %swap3A_778 = arith.index_cast %swap3A_776 : i32 to index
      %swap3A_779 = arith.constant 48 : index
      %swap3A_780 = tpu.vector_load %arg9[%swap3A_777, %swap3A_778, %swap3A_779] {strides = array<i32>} : memref<50x4x128xi32, #tpu.memory_space<vmem>>, vector<16xi32>,
      tpu.vector_store %arg9[%swap3A_777, %swap3A_778, %swap3A_779], %add3A_775 {strides = array<i32>} : memref<50x4x128xi32, #tpu.memory_space<vmem>>, vector<16xi32>,
      %get3A_781 = arith.constant 2 : i32
      %get3A_782 = arith.index_cast %scan3A_384 : i32 to index
      %get3A_783 = arith.index_cast %get3A_781 : i32 to index
      %get3A_784 = arith.constant 64 : index
      %get3A_785 = tpu.vector_load %arg9[%get3A_782, %get3A_783, %get3A_784] {strides = array<i32>} : memref<50x4x128xi32, #tpu.memory_space<vmem>>, vector<16xi32>,
      %and3A_786 = arith.constant 262143 : i32
      %and3A_787 = vector.broadcast %and3A_786 : i32 to vector<16xi32>
      %and3A_788 = arith.andi %get3A_785, %and3A_787 : vector<16xi32>
      %mul3A_789 = arith.constant 4 : i32
      %mul3A_790 = vector.broadcast %mul3A_789 : i32 to vector<16xi32>
      %mul3A_791 = arith.muli %and3A_788, %mul3A_790 : vector<16xi32>
      %shift_right_arithmetic3A_792 = arith.constant 18 : i32
      %shift_right_arithmetic3A_793 = vector.broadcast %shift_right_arithmetic3A_792 : i32 to vector<16xi32>
      %shift_right_arithmetic3A_794 = arith.shrsi %get3A_785, %shift_right_arithmetic3A_793 : vector<16xi32>
      %add3A_795 = arith.addi %mul3A_791, %shift_right_arithmetic3A_794 : vector<16xi32>
      %swap3A_796 = arith.constant 2 : i32
      %swap3A_797 = arith.index_cast %scan3A_384 : i32 to index
      %swap3A_798 = arith.index_cast %swap3A_796 : i32 to index
      %swap3A_799 = arith.constant 64 : index
      %swap3A_800 = tpu.vector_load %arg9[%swap3A_797, %swap3A_798, %swap3A_799] {strides = array<i32>} : memref<50x4x128xi32, #tpu.memory_space<vmem>>, vector<16xi32>,
      tpu.vector_store %arg9[%swap3A_797, %swap3A_798, %swap3A_799], %add3A_795 {strides = array<i32>} : memref<50x4x128xi32, #tpu.memory_space<vmem>>, vector<16xi32>,
      %get3A_801 = arith.constant 2 : i32
      %get3A_802 = arith.index_cast %scan3A_384 : i32 to index
      %get3A_803 = arith.index_cast %get3A_801 : i32 to index
      %get3A_804 = arith.constant 80 : index
      %get3A_805 = tpu.vector_load %arg9[%get3A_802, %get3A_803, %get3A_804] {strides = array<i32>} : memref<50x4x128xi32, #tpu.memory_space<vmem>>, vector<16xi32>,
      %and3A_806 = arith.constant 262143 : i32
      %and3A_807 = vector.broadcast %and3A_806 : i32 to vector<16xi32>
      %and3A_808 = arith.andi %get3A_805, %and3A_807 : vector<16xi32>
      %mul3A_809 = arith.constant 4 : i32
      %mul3A_810 = vector.broadcast %mul3A_809 : i32 to vector<16xi32>
      %mul3A_811 = arith.muli %and3A_808, %mul3A_810 : vector<16xi32>
      %shift_right_arithmetic3A_812 = arith.constant 18 : i32
      %shift_right_arithmetic3A_813 = vector.broadcast %shift_right_arithmetic3A_812 : i32 to vector<16xi32>
      %shift_right_arithmetic3A_814 = arith.shrsi %get3A_805, %shift_right_arithmetic3A_813 : vector<16xi32>
      %add3A_815 = arith.addi %mul3A_811, %shift_right_arithmetic3A_814 : vector<16xi32>
      %swap3A_816 = arith.constant 2 : i32
      %swap3A_817 = arith.index_cast %scan3A_384 : i32 to index
      %swap3A_818 = arith.index_cast %swap3A_816 : i32 to index
      %swap3A_819 = arith.constant 80 : index
      %swap3A_820 = tpu.vector_load %arg9[%swap3A_817, %swap3A_818, %swap3A_819] {strides = array<i32>} : memref<50x4x128xi32, #tpu.memory_space<vmem>>, vector<16xi32>,
      tpu.vector_store %arg9[%swap3A_817, %swap3A_818, %swap3A_819], %add3A_815 {strides = array<i32>} : memref<50x4x128xi32, #tpu.memory_space<vmem>>, vector<16xi32>,
      %get3A_821 = arith.constant 2 : i32
      %get3A_822 = arith.index_cast %scan3A_384 : i32 to index
      %get3A_823 = arith.index_cast %get3A_821 : i32 to index
      %get3A_824 = arith.constant 96 : index
      %get3A_825 = tpu.vector_load %arg9[%get3A_822, %get3A_823, %get3A_824] {strides = array<i32>} : memref<50x4x128xi32, #tpu.memory_space<vmem>>, vector<16xi32>,
      %and3A_826 = arith.constant 262143 : i32
      %and3A_827 = vector.broadcast %and3A_826 : i32 to vector<16xi32>
      %and3A_828 = arith.andi %get3A_825, %and3A_827 : vector<16xi32>
      %mul3A_829 = arith.constant 4 : i32
      %mul3A_830 = vector.broadcast %mul3A_829 : i32 to vector<16xi32>
      %mul3A_831 = arith.muli %and3A_828, %mul3A_830 : vector<16xi32>
      %shift_right_arithmetic3A_832 = arith.constant 18 : i32
      %shift_right_arithmetic3A_833 = vector.broadcast %shift_right_arithmetic3A_832 : i32 to vector<16xi32>
      %shift_right_arithmetic3A_834 = arith.shrsi %get3A_825, %shift_right_arithmetic3A_833 : vector<16xi32>
      %add3A_835 = arith.addi %mul3A_831, %shift_right_arithmetic3A_834 : vector<16xi32>
      %swap3A_836 = arith.constant 2 : i32
      %swap3A_837 = arith.index_cast %scan3A_384 : i32 to index
      %swap3A_838 = arith.index_cast %swap3A_836 : i32 to index
      %swap3A_839 = arith.constant 96 : index
      %swap3A_840 = tpu.vector_load %arg9[%swap3A_837, %swap3A_838, %swap3A_839] {strides = array<i32>} : memref<50x4x128xi32, #tpu.memory_space<vmem>>, vector<16xi32>,
      tpu.vector_store %arg9[%swap3A_837, %swap3A_838, %swap3A_839], %add3A_835 {strides = array<i32>} : memref<50x4x128xi32, #tpu.memory_space<vmem>>, vector<16xi32>,
      %get3A_841 = arith.constant 2 : i32
      %get3A_842 = arith.index_cast %scan3A_384 : i32 to index
      %get3A_843 = arith.index_cast %get3A_841 : i32 to index
      %get3A_844 = arith.constant 112 : index
      %get3A_845 = tpu.vector_load %arg9[%get3A_842, %get3A_843, %get3A_844] {strides = array<i32>} : memref<50x4x128xi32, #tpu.memory_space<vmem>>, vector<16xi32>,
      %and3A_846 = arith.constant 262143 : i32
      %and3A_847 = vector.broadcast %and3A_846 : i32 to vector<16xi32>
      %and3A_848 = arith.andi %get3A_845, %and3A_847 : vector<16xi32>
      %mul3A_849 = arith.constant 4 : i32
      %mul3A_850 = vector.broadcast %mul3A_849 : i32 to vector<16xi32>
      %mul3A_851 = arith.muli %and3A_848, %mul3A_850 : vector<16xi32>
      %shift_right_arithmetic3A_852 = arith.constant 18 : i32
      %shift_right_arithmetic3A_853 = vector.broadcast %shift_right_arithmetic3A_852 : i32 to vector<16xi32>
      %shift_right_arithmetic3A_854 = arith.shrsi %get3A_845, %shift_right_arithmetic3A_853 : vector<16xi32>
      %add3A_855 = arith.addi %mul3A_851, %shift_right_arithmetic3A_854 : vector<16xi32>
      %swap3A_856 = arith.constant 2 : i32
      %swap3A_857 = arith.index_cast %scan3A_384 : i32 to index
      %swap3A_858 = arith.index_cast %swap3A_856 : i32 to index
      %swap3A_859 = arith.constant 112 : index
      %swap3A_860 = tpu.vector_load %arg9[%swap3A_857, %swap3A_858, %swap3A_859] {strides = array<i32>} : memref<50x4x128xi32, #tpu.memory_space<vmem>>, vector<16xi32>,
      tpu.vector_store %arg9[%swap3A_857, %swap3A_858, %swap3A_859], %add3A_855 {strides = array<i32>} : memref<50x4x128xi32, #tpu.memory_space<vmem>>, vector<16xi32>,
      %get3A_861 = arith.constant 3 : i32
      %get3A_862 = arith.index_cast %scan3A_384 : i32 to index
      %get3A_863 = arith.index_cast %get3A_861 : i32 to index
      %get3A_864 = arith.constant 0 : index
      %get3A_865 = tpu.vector_load %arg9[%get3A_862, %get3A_863, %get3A_864] {strides = array<i32>} : memref<50x4x128xi32, #tpu.memory_space<vmem>>, vector<16xi32>,
      %and3A_866 = arith.constant 262143 : i32
      %and3A_867 = vector.broadcast %and3A_866 : i32 to vector<16xi32>
      %and3A_868 = arith.andi %get3A_865, %and3A_867 : vector<16xi32>
      %mul3A_869 = arith.constant 4 : i32
      %mul3A_870 = vector.broadcast %mul3A_869 : i32 to vector<16xi32>
      %mul3A_871 = arith.muli %and3A_868, %mul3A_870 : vector<16xi32>
      %shift_right_arithmetic3A_872 = arith.constant 18 : i32
      %shift_right_arithmetic3A_873 = vector.broadcast %shift_right_arithmetic3A_872 : i32 to vector<16xi32>
      %shift_right_arithmetic3A_874 = arith.shrsi %get3A_865, %shift_right_arithmetic3A_873 : vector<16xi32>
      %add3A_875 = arith.addi %mul3A_871, %shift_right_arithmetic3A_874 : vector<16xi32>
      %swap3A_876 = arith.constant 3 : i32
      %swap3A_877 = arith.index_cast %scan3A_384 : i32 to index
      %swap3A_878 = arith.index_cast %swap3A_876 : i32 to index
      %swap3A_879 = arith.constant 0 : index
      %swap3A_880 = tpu.vector_load %arg9[%swap3A_877, %swap3A_878, %swap3A_879] {strides = array<i32>} : memref<50x4x128xi32, #tpu.memory_space<vmem>>, vector<16xi32>,
      tpu.vector_store %arg9[%swap3A_877, %swap3A_878, %swap3A_879], %add3A_875 {strides = array<i32>} : memref<50x4x128xi32, #tpu.memory_space<vmem>>, vector<16xi32>,
      %get3A_881 = arith.constant 3 : i32
      %get3A_882 = arith.index_cast %scan3A_384 : i32 to index
      %get3A_883 = arith.index_cast %get3A_881 : i32 to index
      %get3A_884 = arith.constant 16 : index
      %get3A_885 = tpu.vector_load %arg9[%get3A_882, %get3A_883, %get3A_884] {strides = array<i32>} : memref<50x4x128xi32, #tpu.memory_space<vmem>>, vector<16xi32>,
      %and3A_886 = arith.constant 262143 : i32
      %and3A_887 = vector.broadcast %and3A_886 : i32 to vector<16xi32>
      %and3A_888 = arith.andi %get3A_885, %and3A_887 : vector<16xi32>
      %mul3A_889 = arith.constant 4 : i32
      %mul3A_890 = vector.broadcast %mul3A_889 : i32 to vector<16xi32>
      %mul3A_891 = arith.muli %and3A_888, %mul3A_890 : vector<16xi32>
      %shift_right_arithmetic3A_892 = arith.constant 18 : i32
      %shift_right_arithmetic3A_893 = vector.broadcast %shift_right_arithmetic3A_892 : i32 to vector<16xi32>
      %shift_right_arithmetic3A_894 = arith.shrsi %get3A_885, %shift_right_arithmetic3A_893 : vector<16xi32>
      %add3A_895 = arith.addi %mul3A_891, %shift_right_arithmetic3A_894 : vector<16xi32>
      %swap3A_896 = arith.constant 3 : i32
      %swap3A_897 = arith.index_cast %scan3A_384 : i32 to index
      %swap3A_898 = arith.index_cast %swap3A_896 : i32 to index
      %swap3A_899 = arith.constant 16 : index
      %swap3A_900 = tpu.vector_load %arg9[%swap3A_897, %swap3A_898, %swap3A_899] {strides = array<i32>} : memref<50x4x128xi32, #tpu.memory_space<vmem>>, vector<16xi32>,
      tpu.vector_store %arg9[%swap3A_897, %swap3A_898, %swap3A_899], %add3A_895 {strides = array<i32>} : memref<50x4x128xi32, #tpu.memory_space<vmem>>, vector<16xi32>,
      %get3A_901 = arith.constant 3 : i32
      %get3A_902 = arith.index_cast %scan3A_384 : i32 to index
      %get3A_903 = arith.index_cast %get3A_901 : i32 to index
      %get3A_904 = arith.constant 32 : index
      %get3A_905 = tpu.vector_load %arg9[%get3A_902, %get3A_903, %get3A_904] {strides = array<i32>} : memref<50x4x128xi32, #tpu.memory_space<vmem>>, vector<16xi32>,
      %and3A_906 = arith.constant 262143 : i32
      %and3A_907 = vector.broadcast %and3A_906 : i32 to vector<16xi32>
      %and3A_908 = arith.andi %get3A_905, %and3A_907 : vector<16xi32>
      %mul3A_909 = arith.constant 4 : i32
      %mul3A_910 = vector.broadcast %mul3A_909 : i32 to vector<16xi32>
      %mul3A_911 = arith.muli %and3A_908, %mul3A_910 : vector<16xi32>
      %shift_right_arithmetic3A_912 = arith.constant 18 : i32
      %shift_right_arithmetic3A_913 = vector.broadcast %shift_right_arithmetic3A_912 : i32 to vector<16xi32>
      %shift_right_arithmetic3A_914 = arith.shrsi %get3A_905, %shift_right_arithmetic3A_913 : vector<16xi32>
      %add3A_915 = arith.addi %mul3A_911, %shift_right_arithmetic3A_914 : vector<16xi32>
      %swap3A_916 = arith.constant 3 : i32
      %swap3A_917 = arith.index_cast %scan3A_384 : i32 to index
      %swap3A_918 = arith.index_cast %swap3A_916 : i32 to index
      %swap3A_919 = arith.constant 32 : index
      %swap3A_920 = tpu.vector_load %arg9[%swap3A_917, %swap3A_918, %swap3A_919] {strides = array<i32>} : memref<50x4x128xi32, #tpu.memory_space<vmem>>, vector<16xi32>,
      tpu.vector_store %arg9[%swap3A_917, %swap3A_918, %swap3A_919], %add3A_915 {strides = array<i32>} : memref<50x4x128xi32, #tpu.memory_space<vmem>>, vector<16xi32>,
      %get3A_921 = arith.constant 3 : i32
      %get3A_922 = arith.index_cast %scan3A_384 : i32 to index
      %get3A_923 = arith.index_cast %get3A_921 : i32 to index
      %get3A_924 = arith.constant 48 : index
      %get3A_925 = tpu.vector_load %arg9[%get3A_922, %get3A_923, %get3A_924] {strides = array<i32>} : memref<50x4x128xi32, #tpu.memory_space<vmem>>, vector<16xi32>,
      %and3A_926 = arith.constant 262143 : i32
      %and3A_927 = vector.broadcast %and3A_926 : i32 to vector<16xi32>
      %and3A_928 = arith.andi %get3A_925, %and3A_927 : vector<16xi32>
      %mul3A_929 = arith.constant 4 : i32
      %mul3A_930 = vector.broadcast %mul3A_929 : i32 to vector<16xi32>
      %mul3A_931 = arith.muli %and3A_928, %mul3A_930 : vector<16xi32>
      %shift_right_arithmetic3A_932 = arith.constant 18 : i32
      %shift_right_arithmetic3A_933 = vector.broadcast %shift_right_arithmetic3A_932 : i32 to vector<16xi32>
      %shift_right_arithmetic3A_934 = arith.shrsi %get3A_925, %shift_right_arithmetic3A_933 : vector<16xi32>
      %add3A_935 = arith.addi %mul3A_931, %shift_right_arithmetic3A_934 : vector<16xi32>
      %swap3A_936 = arith.constant 3 : i32
      %swap3A_937 = arith.index_cast %scan3A_384 : i32 to index
      %swap3A_938 = arith.index_cast %swap3A_936 : i32 to index
      %swap3A_939 = arith.constant 48 : index
      %swap3A_940 = tpu.vector_load %arg9[%swap3A_937, %swap3A_938, %swap3A_939] {strides = array<i32>} : memref<50x4x128xi32, #tpu.memory_space<vmem>>, vector<16xi32>,
      tpu.vector_store %arg9[%swap3A_937, %swap3A_938, %swap3A_939], %add3A_935 {strides = array<i32>} : memref<50x4x128xi32, #tpu.memory_space<vmem>>, vector<16xi32>,
      %get3A_941 = arith.constant 3 : i32
      %get3A_942 = arith.index_cast %scan3A_384 : i32 to index
      %get3A_943 = arith.index_cast %get3A_941 : i32 to index
      %get3A_944 = arith.constant 64 : index
      %get3A_945 = tpu.vector_load %arg9[%get3A_942, %get3A_943, %get3A_944] {strides = array<i32>} : memref<50x4x128xi32, #tpu.memory_space<vmem>>, vector<16xi32>,
      %and3A_946 = arith.constant 262143 : i32
      %and3A_947 = vector.broadcast %and3A_946 : i32 to vector<16xi32>
      %and3A_948 = arith.andi %get3A_945, %and3A_947 : vector<16xi32>
      %mul3A_949 = arith.constant 4 : i32
      %mul3A_950 = vector.broadcast %mul3A_949 : i32 to vector<16xi32>
      %mul3A_951 = arith.muli %and3A_948, %mul3A_950 : vector<16xi32>
      %shift_right_arithmetic3A_952 = arith.constant 18 : i32
      %shift_right_arithmetic3A_953 = vector.broadcast %shift_right_arithmetic3A_952 : i32 to vector<16xi32>
      %shift_right_arithmetic3A_954 = arith.shrsi %get3A_945, %shift_right_arithmetic3A_953 : vector<16xi32>
      %add3A_955 = arith.addi %mul3A_951, %shift_right_arithmetic3A_954 : vector<16xi32>
      %swap3A_956 = arith.constant 3 : i32
      %swap3A_957 = arith.index_cast %scan3A_384 : i32 to index
      %swap3A_958 = arith.index_cast %swap3A_956 : i32 to index
      %swap3A_959 = arith.constant 64 : index
      %swap3A_960 = tpu.vector_load %arg9[%swap3A_957, %swap3A_958, %swap3A_959] {strides = array<i32>} : memref<50x4x128xi32, #tpu.memory_space<vmem>>, vector<16xi32>,
      tpu.vector_store %arg9[%swap3A_957, %swap3A_958, %swap3A_959], %add3A_955 {strides = array<i32>} : memref<50x4x128xi32, #tpu.memory_space<vmem>>, vector<16xi32>,
      %get3A_961 = arith.constant 3 : i32
      %get3A_962 = arith.index_cast %scan3A_384 : i32 to index
      %get3A_963 = arith.index_cast %get3A_961 : i32 to index
      %get3A_964 = arith.constant 80 : index
      %get3A_965 = tpu.vector_load %arg9[%get3A_962, %get3A_963, %get3A_964] {strides = array<i32>} : memref<50x4x128xi32, #tpu.memory_space<vmem>>, vector<16xi32>,
      %and3A_966 = arith.constant 262143 : i32
      %and3A_967 = vector.broadcast %and3A_966 : i32 to vector<16xi32>
      %and3A_968 = arith.andi %get3A_965, %and3A_967 : vector<16xi32>
      %mul3A_969 = arith.constant 4 : i32
      %mul3A_970 = vector.broadcast %mul3A_969 : i32 to vector<16xi32>
      %mul3A_971 = arith.muli %and3A_968, %mul3A_970 : vector<16xi32>
      %shift_right_arithmetic3A_972 = arith.constant 18 : i32
      %shift_right_arithmetic3A_973 = vector.broadcast %shift_right_arithmetic3A_972 : i32 to vector<16xi32>
      %shift_right_arithmetic3A_974 = arith.shrsi %get3A_965, %shift_right_arithmetic3A_973 : vector<16xi32>
      %add3A_975 = arith.addi %mul3A_971, %shift_right_arithmetic3A_974 : vector<16xi32>
      %swap3A_976 = arith.constant 3 : i32
      %swap3A_977 = arith.index_cast %scan3A_384 : i32 to index
      %swap3A_978 = arith.index_cast %swap3A_976 : i32 to index
      %swap3A_979 = arith.constant 80 : index
      %swap3A_980 = tpu.vector_load %arg9[%swap3A_977, %swap3A_978, %swap3A_979] {strides = array<i32>} : memref<50x4x128xi32, #tpu.memory_space<vmem>>, vector<16xi32>,
      tpu.vector_store %arg9[%swap3A_977, %swap3A_978, %swap3A_979], %add3A_975 {strides = array<i32>} : memref<50x4x128xi32, #tpu.memory_space<vmem>>, vector<16xi32>,
      %get3A_981 = arith.constant 3 : i32
      %get3A_982 = arith.index_cast %scan3A_384 : i32 to index
      %get3A_983 = arith.index_cast %get3A_981 : i32 to index
      %get3A_984 = arith.constant 96 : index
      %get3A_985 = tpu.vector_load %arg9[%get3A_982, %get3A_983, %get3A_984] {strides = array<i32>} : memref<50x4x128xi32, #tpu.memory_space<vmem>>, vector<16xi32>,
      %and3A_986 = arith.constant 262143 : i32
      %and3A_987 = vector.broadcast %and3A_986 : i32 to vector<16xi32>
      %and3A_988 = arith.andi %get3A_985, %and3A_987 : vector<16xi32>
      %mul3A_989 = arith.constant 4 : i32
      %mul3A_990 = vector.broadcast %mul3A_989 : i32 to vector<16xi32>
      %mul3A_991 = arith.muli %and3A_988, %mul3A_990 : vector<16xi32>
      %shift_right_arithmetic3A_992 = arith.constant 18 : i32
      %shift_right_arithmetic3A_993 = vector.broadcast %shift_right_arithmetic3A_992 : i32 to vector<16xi32>
      %shift_right_arithmetic3A_994 = arith.shrsi %get3A_985, %shift_right_arithmetic3A_993 : vector<16xi32>
      %add3A_995 = arith.addi %mul3A_991, %shift_right_arithmetic3A_994 : vector<16xi32>
      %swap3A_996 = arith.constant 3 : i32
      %swap3A_997 = arith.index_cast %scan3A_384 : i32 to index
      %swap3A_998 = arith.index_cast %swap3A_996 : i32 to index
      %swap3A_999 = arith.constant 96 : index
      %swap3A_1000 = tpu.vector_load %arg9[%swap3A_997, %swap3A_998, %swap3A_999] {strides = array<i32>} : memref<50x4x128xi32, #tpu.memory_space<vmem>>, vector<16xi32>,
      tpu.vector_store %arg9[%swap3A_997, %swap3A_998, %swap3A_999], %add3A_995 {strides = array<i32>} : memref<50x4x128xi32, #tpu.memory_space<vmem>>, vector<16xi32>,
      %get3A_1001 = arith.constant 3 : i32
      %get3A_1002 = arith.index_cast %scan3A_384 : i32 to index
      %get3A_1003 = arith.index_cast %get3A_1001 : i32 to index
      %get3A_1004 = arith.constant 112 : index
      %get3A_1005 = tpu.vector_load %arg9[%get3A_1002, %get3A_1003, %get3A_1004] {strides = array<i32>} : memref<50x4x128xi32, #tpu.memory_space<vmem>>, vector<16xi32>,
      %and3A_1006 = arith.constant 262143 : i32
      %and3A_1007 = vector.broadcast %and3A_1006 : i32 to vector<16xi32>
      %and3A_1008 = arith.andi %get3A_1005, %and3A_1007 : vector<16xi32>
      %mul3A_1009 = arith.constant 4 : i32
      %mul3A_1010 = vector.broadcast %mul3A_1009 : i32 to vector<16xi32>
      %mul3A_1011 = arith.muli %and3A_1008, %mul3A_1010 : vector<16xi32>
      %shift_right_arithmetic3A_1012 = arith.constant 18 : i32
      %shift_right_arithmetic3A_1013 = vector.broadcast %shift_right_arithmetic3A_1012 : i32 to vector<16xi32>
      %shift_right_arithmetic3A_1014 = arith.shrsi %get3A_1005, %shift_right_arithmetic3A_1013 : vector<16xi32>
      %add3A_1015 = arith.addi %mul3A_1011, %shift_right_arithmetic3A_1014 : vector<16xi32>
      %swap3A_1016 = arith.constant 3 : i32
      %swap3A_1017 = arith.index_cast %scan3A_384 : i32 to index
      %swap3A_1018 = arith.index_cast %swap3A_1016 : i32 to index
      %swap3A_1019 = arith.constant 112 : index
      %swap3A_1020 = tpu.vector_load %arg9[%swap3A_1017, %swap3A_1018, %swap3A_1019] {strides = array<i32>} : memref<50x4x128xi32, #tpu.memory_space<vmem>>, vector<16xi32>,
      tpu.vector_store %arg9[%swap3A_1017, %swap3A_1018, %swap3A_1019], %add3A_1015 {strides = array<i32>} : memref<50x4x128xi32, #tpu.memory_space<vmem>>, vector<16xi32>,
      %get3A_1021 = arith.constant 0 : i32
      %get3A_1022 = arith.index_cast %scan3A_384 : i32 to index
      %get3A_1023 = arith.index_cast %get3A_1021 : i32 to index
      %get3A_1024 = arith.constant 0 : index
      %get3A_1025 = tpu.vector_load %arg10[%get3A_1022, %get3A_1023, %get3A_1024] {strides = array<i32>} : memref<50x4x128xi32, #tpu.memory_space<vmem>>, vector<16xi32>,
      %and3A_1026 = arith.constant 262143 : i32
      %and3A_1027 = vector.broadcast %and3A_1026 : i32 to vector<16xi32>
      %and3A_1028 = arith.andi %get3A_1025, %and3A_1027 : vector<16xi32>
      %mul3A_1029 = arith.constant 4 : i32
      %mul3A_1030 = vector.broadcast %mul3A_1029 : i32 to vector<16xi32>
      %mul3A_1031 = arith.muli %and3A_1028, %mul3A_1030 : vector<16xi32>
      %shift_right_arithmetic3A_1032 = arith.constant 18 : i32
      %shift_right_arithmetic3A_1033 = vector.broadcast %shift_right_arithmetic3A_1032 : i32 to vector<16xi32>
      %shift_right_arithmetic3A_1034 = arith.shrsi %get3A_1025, %shift_right_arithmetic3A_1033 : vector<16xi32>
      %add3A_1035 = arith.addi %mul3A_1031, %shift_right_arithmetic3A_1034 : vector<16xi32>
      %swap3A_1036 = arith.constant 0 : i32
      %swap3A_1037 = arith.index_cast %scan3A_384 : i32 to index
      %swap3A_1038 = arith.index_cast %swap3A_1036 : i32 to index
      %swap3A_1039 = arith.constant 0 : index
      %swap3A_1040 = tpu.vector_load %arg10[%swap3A_1037, %swap3A_1038, %swap3A_1039] {strides = array<i32>} : memref<50x4x128xi32, #tpu.memory_space<vmem>>, vector<16xi32>,
      tpu.vector_store %arg10[%swap3A_1037, %swap3A_1038, %swap3A_1039], %add3A_1035 {strides = array<i32>} : memref<50x4x128xi32, #tpu.memory_space<vmem>>, vector<16xi32>,
      %get3A_1041 = arith.constant 0 : i32
      %get3A_1042 = arith.index_cast %scan3A_384 : i32 to index
      %get3A_1043 = arith.index_cast %get3A_1041 : i32 to index
      %get3A_1044 = arith.constant 16 : index
      %get3A_1045 = tpu.vector_load %arg10[%get3A_1042, %get3A_1043, %get3A_1044] {strides = array<i32>} : memref<50x4x128xi32, #tpu.memory_space<vmem>>, vector<16xi32>,
      %and3A_1046 = arith.constant 262143 : i32
      %and3A_1047 = vector.broadcast %and3A_1046 : i32 to vector<16xi32>
      %and3A_1048 = arith.andi %get3A_1045, %and3A_1047 : vector<16xi32>
      %mul3A_1049 = arith.constant 4 : i32
      %mul3A_1050 = vector.broadcast %mul3A_1049 : i32 to vector<16xi32>
      %mul3A_1051 = arith.muli %and3A_1048, %mul3A_1050 : vector<16xi32>
      %shift_right_arithmetic3A_1052 = arith.constant 18 : i32
      %shift_right_arithmetic3A_1053 = vector.broadcast %shift_right_arithmetic3A_1052 : i32 to vector<16xi32>
      %shift_right_arithmetic3A_1054 = arith.shrsi %get3A_1045, %shift_right_arithmetic3A_1053 : vector<16xi32>
      %add3A_1055 = arith.addi %mul3A_1051, %shift_right_arithmetic3A_1054 : vector<16xi32>
      %swap3A_1056 = arith.constant 0 : i32
      %swap3A_1057 = arith.index_cast %scan3A_384 : i32 to index
      %swap3A_1058 = arith.index_cast %swap3A_1056 : i32 to index
      %swap3A_1059 = arith.constant 16 : index
      %swap3A_1060 = tpu.vector_load %arg10[%swap3A_1057, %swap3A_1058, %swap3A_1059] {strides = array<i32>} : memref<50x4x128xi32, #tpu.memory_space<vmem>>, vector<16xi32>,
      tpu.vector_store %arg10[%swap3A_1057, %swap3A_1058, %swap3A_1059], %add3A_1055 {strides = array<i32>} : memref<50x4x128xi32, #tpu.memory_space<vmem>>, vector<16xi32>,
      %get3A_1061 = arith.constant 0 : i32
      %get3A_1062 = arith.index_cast %scan3A_384 : i32 to index
      %get3A_1063 = arith.index_cast %get3A_1061 : i32 to index
      %get3A_1064 = arith.constant 32 : index
      %get3A_1065 = tpu.vector_load %arg10[%get3A_1062, %get3A_1063, %get3A_1064] {strides = array<i32>} : memref<50x4x128xi32, #tpu.memory_space<vmem>>, vector<16xi32>,
      %and3A_1066 = arith.constant 262143 : i32
      %and3A_1067 = vector.broadcast %and3A_1066 : i32 to vector<16xi32>
      %and3A_1068 = arith.andi %get3A_1065, %and3A_1067 : vector<16xi32>
      %mul3A_1069 = arith.constant 4 : i32
      %mul3A_1070 = vector.broadcast %mul3A_1069 : i32 to vector<16xi32>
      %mul3A_1071 = arith.muli %and3A_1068, %mul3A_1070 : vector<16xi32>
      %shift_right_arithmetic3A_1072 = arith.constant 18 : i32
      %shift_right_arithmetic3A_1073 = vector.broadcast %shift_right_arithmetic3A_1072 : i32 to vector<16xi32>
      %shift_right_arithmetic3A_1074 = arith.shrsi %get3A_1065, %shift_right_arithmetic3A_1073 : vector<16xi32>
      %add3A_1075 = arith.addi %mul3A_1071, %shift_right_arithmetic3A_1074 : vector<16xi32>
      %swap3A_1076 = arith.constant 0 : i32
      %swap3A_1077 = arith.index_cast %scan3A_384 : i32 to index
      %swap3A_1078 = arith.index_cast %swap3A_1076 : i32 to index
      %swap3A_1079 = arith.constant 32 : index
      %swap3A_1080 = tpu.vector_load %arg10[%swap3A_1077, %swap3A_1078, %swap3A_1079] {strides = array<i32>} : memref<50x4x128xi32, #tpu.memory_space<vmem>>, vector<16xi32>,
      tpu.vector_store %arg10[%swap3A_1077, %swap3A_1078, %swap3A_1079], %add3A_1075 {strides = array<i32>} : memref<50x4x128xi32, #tpu.memory_space<vmem>>, vector<16xi32>,
      %get3A_1081 = arith.constant 0 : i32
      %get3A_1082 = arith.index_cast %scan3A_384 : i32 to index
      %get3A_1083 = arith.index_cast %get3A_1081 : i32 to index
      %get3A_1084 = arith.constant 48 : index
      %get3A_1085 = tpu.vector_load %arg10[%get3A_1082, %get3A_1083, %get3A_1084] {strides = array<i32>} : memref<50x4x128xi32, #tpu.memory_space<vmem>>, vector<16xi32>,
      %and3A_1086 = arith.constant 262143 : i32
      %and3A_1087 = vector.broadcast %and3A_1086 : i32 to vector<16xi32>
      %and3A_1088 = arith.andi %get3A_1085, %and3A_1087 : vector<16xi32>
      %mul3A_1089 = arith.constant 4 : i32
      %mul3A_1090 = vector.broadcast %mul3A_1089 : i32 to vector<16xi32>
      %mul3A_1091 = arith.muli %and3A_1088, %mul3A_1090 : vector<16xi32>
      %shift_right_arithmetic3A_1092 = arith.constant 18 : i32
      %shift_right_arithmetic3A_1093 = vector.broadcast %shift_right_arithmetic3A_1092 : i32 to vector<16xi32>
      %shift_right_arithmetic3A_1094 = arith.shrsi %get3A_1085, %shift_right_arithmetic3A_1093 : vector<16xi32>
      %add3A_1095 = arith.addi %mul3A_1091, %shift_right_arithmetic3A_1094 : vector<16xi32>
      %swap3A_1096 = arith.constant 0 : i32
      %swap3A_1097 = arith.index_cast %scan3A_384 : i32 to index
      %swap3A_1098 = arith.index_cast %swap3A_1096 : i32 to index
      %swap3A_1099 = arith.constant 48 : index
      %swap3A_1100 = tpu.vector_load %arg10[%swap3A_1097, %swap3A_1098, %swap3A_1099] {strides = array<i32>} : memref<50x4x128xi32, #tpu.memory_space<vmem>>, vector<16xi32>,
      tpu.vector_store %arg10[%swap3A_1097, %swap3A_1098, %swap3A_1099], %add3A_1095 {strides = array<i32>} : memref<50x4x128xi32, #tpu.memory_space<vmem>>, vector<16xi32>,
      %get3A_1101 = arith.constant 0 : i32
      %get3A_1102 = arith.index_cast %scan3A_384 : i32 to index
      %get3A_1103 = arith.index_cast %get3A_1101 : i32 to index
      %get3A_1104 = arith.constant 64 : index
      %get3A_1105 = tpu.vector_load %arg10[%get3A_1102, %get3A_1103, %get3A_1104] {strides = array<i32>} : memref<50x4x128xi32, #tpu.memory_space<vmem>>, vector<16xi32>,
      %and3A_1106 = arith.constant 262143 : i32
      %and3A_1107 = vector.broadcast %and3A_1106 : i32 to vector<16xi32>
      %and3A_1108 = arith.andi %get3A_1105, %and3A_1107 : vector<16xi32>
      %mul3A_1109 = arith.constant 4 : i32
      %mul3A_1110 = vector.broadcast %mul3A_1109 : i32 to vector<16xi32>
      %mul3A_1111 = arith.muli %and3A_1108, %mul3A_1110 : vector<16xi32>
      %shift_right_arithmetic3A_1112 = arith.constant 18 : i32
      %shift_right_arithmetic3A_1113 = vector.broadcast %shift_right_arithmetic3A_1112 : i32 to vector<16xi32>
      %shift_right_arithmetic3A_1114 = arith.shrsi %get3A_1105, %shift_right_arithmetic3A_1113 : vector<16xi32>
      %add3A_1115 = arith.addi %mul3A_1111, %shift_right_arithmetic3A_1114 : vector<16xi32>
      %swap3A_1116 = arith.constant 0 : i32
      %swap3A_1117 = arith.index_cast %scan3A_384 : i32 to index
      %swap3A_1118 = arith.index_cast %swap3A_1116 : i32 to index
      %swap3A_1119 = arith.constant 64 : index
      %swap3A_1120 = tpu.vector_load %arg10[%swap3A_1117, %swap3A_1118, %swap3A_1119] {strides = array<i32>} : memref<50x4x128xi32, #tpu.memory_space<vmem>>, vector<16xi32>,
      tpu.vector_store %arg10[%swap3A_1117, %swap3A_1118, %swap3A_1119], %add3A_1115 {strides = array<i32>} : memref<50x4x128xi32, #tpu.memory_space<vmem>>, vector<16xi32>,
      %get3A_1121 = arith.constant 0 : i32
      %get3A_1122 = arith.index_cast %scan3A_384 : i32 to index
      %get3A_1123 = arith.index_cast %get3A_1121 : i32 to index
      %get3A_1124 = arith.constant 80 : index
      %get3A_1125 = tpu.vector_load %arg10[%get3A_1122, %get3A_1123, %get3A_1124] {strides = array<i32>} : memref<50x4x128xi32, #tpu.memory_space<vmem>>, vector<16xi32>,
      %and3A_1126 = arith.constant 262143 : i32
      %and3A_1127 = vector.broadcast %and3A_1126 : i32 to vector<16xi32>
      %and3A_1128 = arith.andi %get3A_1125, %and3A_1127 : vector<16xi32>
      %mul3A_1129 = arith.constant 4 : i32
      %mul3A_1130 = vector.broadcast %mul3A_1129 : i32 to vector<16xi32>
      %mul3A_1131 = arith.muli %and3A_1128, %mul3A_1130 : vector<16xi32>
      %shift_right_arithmetic3A_1132 = arith.constant 18 : i32
      %shift_right_arithmetic3A_1133 = vector.broadcast %shift_right_arithmetic3A_1132 : i32 to vector<16xi32>
      %shift_right_arithmetic3A_1134 = arith.shrsi %get3A_1125, %shift_right_arithmetic3A_1133 : vector<16xi32>
      %add3A_1135 = arith.addi %mul3A_1131, %shift_right_arithmetic3A_1134 : vector<16xi32>
      %swap3A_1136 = arith.constant 0 : i32
      %swap3A_1137 = arith.index_cast %scan3A_384 : i32 to index
      %swap3A_1138 = arith.index_cast %swap3A_1136 : i32 to index
      %swap3A_1139 = arith.constant 80 : index
      %swap3A_1140 = tpu.vector_load %arg10[%swap3A_1137, %swap3A_1138, %swap3A_1139] {strides = array<i32>} : memref<50x4x128xi32, #tpu.memory_space<vmem>>, vector<16xi32>,
      tpu.vector_store %arg10[%swap3A_1137, %swap3A_1138, %swap3A_1139], %add3A_1135 {strides = array<i32>} : memref<50x4x128xi32, #tpu.memory_space<vmem>>, vector<16xi32>,
      %get3A_1141 = arith.constant 0 : i32
      %get3A_1142 = arith.index_cast %scan3A_384 : i32 to index
      %get3A_1143 = arith.index_cast %get3A_1141 : i32 to index
      %get3A_1144 = arith.constant 96 : index
      %get3A_1145 = tpu.vector_load %arg10[%get3A_1142, %get3A_1143, %get3A_1144] {strides = array<i32>} : memref<50x4x128xi32, #tpu.memory_space<vmem>>, vector<16xi32>,
      %and3A_1146 = arith.constant 262143 : i32
      %and3A_1147 = vector.broadcast %and3A_1146 : i32 to vector<16xi32>
      %and3A_1148 = arith.andi %get3A_1145, %and3A_1147 : vector<16xi32>
      %mul3A_1149 = arith.constant 4 : i32
      %mul3A_1150 = vector.broadcast %mul3A_1149 : i32 to vector<16xi32>
      %mul3A_1151 = arith.muli %and3A_1148, %mul3A_1150 : vector<16xi32>
      %shift_right_arithmetic3A_1152 = arith.constant 18 : i32
      %shift_right_arithmetic3A_1153 = vector.broadcast %shift_right_arithmetic3A_1152 : i32 to vector<16xi32>
      %shift_right_arithmetic3A_1154 = arith.shrsi %get3A_1145, %shift_right_arithmetic3A_1153 : vector<16xi32>
      %add3A_1155 = arith.addi %mul3A_1151, %shift_right_arithmetic3A_1154 : vector<16xi32>
      %swap3A_1156 = arith.constant 0 : i32
      %swap3A_1157 = arith.index_cast %scan3A_384 : i32 to index
      %swap3A_1158 = arith.index_cast %swap3A_1156 : i32 to index
      %swap3A_1159 = arith.constant 96 : index
      %swap3A_1160 = tpu.vector_load %arg10[%swap3A_1157, %swap3A_1158, %swap3A_1159] {strides = array<i32>} : memref<50x4x128xi32, #tpu.memory_space<vmem>>, vector<16xi32>,
      tpu.vector_store %arg10[%swap3A_1157, %swap3A_1158, %swap3A_1159], %add3A_1155 {strides = array<i32>} : memref<50x4x128xi32, #tpu.memory_space<vmem>>, vector<16xi32>,
      %get3A_1161 = arith.constant 0 : i32
      %get3A_1162 = arith.index_cast %scan3A_384 : i32 to index
      %get3A_1163 = arith.index_cast %get3A_1161 : i32 to index
      %get3A_1164 = arith.constant 112 : index
      %get3A_1165 = tpu.vector_load %arg10[%get3A_1162, %get3A_1163, %get3A_1164] {strides = array<i32>} : memref<50x4x128xi32, #tpu.memory_space<vmem>>, vector<16xi32>,
      %and3A_1166 = arith.constant 262143 : i32
      %and3A_1167 = vector.broadcast %and3A_1166 : i32 to vector<16xi32>
      %and3A_1168 = arith.andi %get3A_1165, %and3A_1167 : vector<16xi32>
      %mul3A_1169 = arith.constant 4 : i32
      %mul3A_1170 = vector.broadcast %mul3A_1169 : i32 to vector<16xi32>
      %mul3A_1171 = arith.muli %and3A_1168, %mul3A_1170 : vector<16xi32>
      %shift_right_arithmetic3A_1172 = arith.constant 18 : i32
      %shift_right_arithmetic3A_1173 = vector.broadcast %shift_right_arithmetic3A_1172 : i32 to vector<16xi32>
      %shift_right_arithmetic3A_1174 = arith.shrsi %get3A_1165, %shift_right_arithmetic3A_1173 : vector<16xi32>
      %add3A_1175 = arith.addi %mul3A_1171, %shift_right_arithmetic3A_1174 : vector<16xi32>
      %swap3A_1176 = arith.constant 0 : i32
      %swap3A_1177 = arith.index_cast %scan3A_384 : i32 to index
      %swap3A_1178 = arith.index_cast %swap3A_1176 : i32 to index
      %swap3A_1179 = arith.constant 112 : index
      %swap3A_1180 = tpu.vector_load %arg10[%swap3A_1177, %swap3A_1178, %swap3A_1179] {strides = array<i32>} : memref<50x4x128xi32, #tpu.memory_space<vmem>>, vector<16xi32>,
      tpu.vector_store %arg10[%swap3A_1177, %swap3A_1178, %swap3A_1179], %add3A_1175 {strides = array<i32>} : memref<50x4x128xi32, #tpu.memory_space<vmem>>, vector<16xi32>,
      %get3A_1181 = arith.constant 1 : i32
      %get3A_1182 = arith.index_cast %scan3A_384 : i32 to index
      %get3A_1183 = arith.index_cast %get3A_1181 : i32 to index
      %get3A_1184 = arith.constant 0 : index
      %get3A_1185 = tpu.vector_load %arg10[%get3A_1182, %get3A_1183, %get3A_1184] {strides = array<i32>} : memref<50x4x128xi32, #tpu.memory_space<vmem>>, vector<16xi32>,
      %and3A_1186 = arith.constant 262143 : i32
      %and3A_1187 = vector.broadcast %and3A_1186 : i32 to vector<16xi32>
      %and3A_1188 = arith.andi %get3A_1185, %and3A_1187 : vector<16xi32>
      %mul3A_1189 = arith.constant 4 : i32
      %mul3A_1190 = vector.broadcast %mul3A_1189 : i32 to vector<16xi32>
      %mul3A_1191 = arith.muli %and3A_1188, %mul3A_1190 : vector<16xi32>
      %shift_right_arithmetic3A_1192 = arith.constant 18 : i32
      %shift_right_arithmetic3A_1193 = vector.broadcast %shift_right_arithmetic3A_1192 : i32 to vector<16xi32>
      %shift_right_arithmetic3A_1194 = arith.shrsi %get3A_1185, %shift_right_arithmetic3A_1193 : vector<16xi32>
      %add3A_1195 = arith.addi %mul3A_1191, %shift_right_arithmetic3A_1194 : vector<16xi32>
      %swap3A_1196 = arith.constant 1 : i32
      %swap3A_1197 = arith.index_cast %scan3A_384 : i32 to index
      %swap3A_1198 = arith.index_cast %swap3A_1196 : i32 to index
      %swap3A_1199 = arith.constant 0 : index
      %swap3A_1200 = tpu.vector_load %arg10[%swap3A_1197, %swap3A_1198, %swap3A_1199] {strides = array<i32>} : memref<50x4x128xi32, #tpu.memory_space<vmem>>, vector<16xi32>,
      tpu.vector_store %arg10[%swap3A_1197, %swap3A_1198, %swap3A_1199], %add3A_1195 {strides = array<i32>} : memref<50x4x128xi32, #tpu.memory_space<vmem>>, vector<16xi32>,
      %get3A_1201 = arith.constant 1 : i32
      %get3A_1202 = arith.index_cast %scan3A_384 : i32 to index
      %get3A_1203 = arith.index_cast %get3A_1201 : i32 to index
      %get3A_1204 = arith.constant 16 : index
      %get3A_1205 = tpu.vector_load %arg10[%get3A_1202, %get3A_1203, %get3A_1204] {strides = array<i32>} : memref<50x4x128xi32, #tpu.memory_space<vmem>>, vector<16xi32>,
      %and3A_1206 = arith.constant 262143 : i32
      %and3A_1207 = vector.broadcast %and3A_1206 : i32 to vector<16xi32>
      %and3A_1208 = arith.andi %get3A_1205, %and3A_1207 : vector<16xi32>
      %mul3A_1209 = arith.constant 4 : i32
      %mul3A_1210 = vector.broadcast %mul3A_1209 : i32 to vector<16xi32>
      %mul3A_1211 = arith.muli %and3A_1208, %mul3A_1210 : vector<16xi32>
      %shift_right_arithmetic3A_1212 = arith.constant 18 : i32
      %shift_right_arithmetic3A_1213 = vector.broadcast %shift_right_arithmetic3A_1212 : i32 to vector<16xi32>
      %shift_right_arithmetic3A_1214 = arith.shrsi %get3A_1205, %shift_right_arithmetic3A_1213 : vector<16xi32>
      %add3A_1215 = arith.addi %mul3A_1211, %shift_right_arithmetic3A_1214 : vector<16xi32>
      %swap3A_1216 = arith.constant 1 : i32
      %swap3A_1217 = arith.index_cast %scan3A_384 : i32 to index
      %swap3A_1218 = arith.index_cast %swap3A_1216 : i32 to index
      %swap3A_1219 = arith.constant 16 : index
      %swap3A_1220 = tpu.vector_load %arg10[%swap3A_1217, %swap3A_1218, %swap3A_1219] {strides = array<i32>} : memref<50x4x128xi32, #tpu.memory_space<vmem>>, vector<16xi32>,
      tpu.vector_store %arg10[%swap3A_1217, %swap3A_1218, %swap3A_1219], %add3A_1215 {strides = array<i32>} : memref<50x4x128xi32, #tpu.memory_space<vmem>>, vector<16xi32>,
      %get3A_1221 = arith.constant 1 : i32
      %get3A_1222 = arith.index_cast %scan3A_384 : i32 to index
      %get3A_1223 = arith.index_cast %get3A_1221 : i32 to index
      %get3A_1224 = arith.constant 32 : index
      %get3A_1225 = tpu.vector_load %arg10[%get3A_1222, %get3A_1223, %get3A_1224] {strides = array<i32>} : memref<50x4x128xi32, #tpu.memory_space<vmem>>, vector<16xi32>,
      %and3A_1226 = arith.constant 262143 : i32
      %and3A_1227 = vector.broadcast %and3A_1226 : i32 to vector<16xi32>
      %and3A_1228 = arith.andi %get3A_1225, %and3A_1227 : vector<16xi32>
      %mul3A_1229 = arith.constant 4 : i32
      %mul3A_1230 = vector.broadcast %mul3A_1229 : i32 to vector<16xi32>
      %mul3A_1231 = arith.muli %and3A_1228, %mul3A_1230 : vector<16xi32>
      %shift_right_arithmetic3A_1232 = arith.constant 18 : i32
      %shift_right_arithmetic3A_1233 = vector.broadcast %shift_right_arithmetic3A_1232 : i32 to vector<16xi32>
      %shift_right_arithmetic3A_1234 = arith.shrsi %get3A_1225, %shift_right_arithmetic3A_1233 : vector<16xi32>
      %add3A_1235 = arith.addi %mul3A_1231, %shift_right_arithmetic3A_1234 : vector<16xi32>
      %swap3A_1236 = arith.constant 1 : i32
      %swap3A_1237 = arith.index_cast %scan3A_384 : i32 to index
      %swap3A_1238 = arith.index_cast %swap3A_1236 : i32 to index
      %swap3A_1239 = arith.constant 32 : index
      %swap3A_1240 = tpu.vector_load %arg10[%swap3A_1237, %swap3A_1238, %swap3A_1239] {strides = array<i32>} : memref<50x4x128xi32, #tpu.memory_space<vmem>>, vector<16xi32>,
      tpu.vector_store %arg10[%swap3A_1237, %swap3A_1238, %swap3A_1239], %add3A_1235 {strides = array<i32>} : memref<50x4x128xi32, #tpu.memory_space<vmem>>, vector<16xi32>,
      %get3A_1241 = arith.constant 1 : i32
      %get3A_1242 = arith.index_cast %scan3A_384 : i32 to index
      %get3A_1243 = arith.index_cast %get3A_1241 : i32 to index
      %get3A_1244 = arith.constant 48 : index
      %get3A_1245 = tpu.vector_load %arg10[%get3A_1242, %get3A_1243, %get3A_1244] {strides = array<i32>} : memref<50x4x128xi32, #tpu.memory_space<vmem>>, vector<16xi32>,
      %and3A_1246 = arith.constant 262143 : i32
      %and3A_1247 = vector.broadcast %and3A_1246 : i32 to vector<16xi32>
      %and3A_1248 = arith.andi %get3A_1245, %and3A_1247 : vector<16xi32>
      %mul3A_1249 = arith.constant 4 : i32
      %mul3A_1250 = vector.broadcast %mul3A_1249 : i32 to vector<16xi32>
      %mul3A_1251 = arith.muli %and3A_1248, %mul3A_1250 : vector<16xi32>
      %shift_right_arithmetic3A_1252 = arith.constant 18 : i32
      %shift_right_arithmetic3A_1253 = vector.broadcast %shift_right_arithmetic3A_1252 : i32 to vector<16xi32>
      %shift_right_arithmetic3A_1254 = arith.shrsi %get3A_1245, %shift_right_arithmetic3A_1253 : vector<16xi32>
      %add3A_1255 = arith.addi %mul3A_1251, %shift_right_arithmetic3A_1254 : vector<16xi32>
      %swap3A_1256 = arith.constant 1 : i32
      %swap3A_1257 = arith.index_cast %scan3A_384 : i32 to index
      %swap3A_1258 = arith.index_cast %swap3A_1256 : i32 to index
      %swap3A_1259 = arith.constant 48 : index
      %swap3A_1260 = tpu.vector_load %arg10[%swap3A_1257, %swap3A_1258, %swap3A_1259] {strides = array<i32>} : memref<50x4x128xi32, #tpu.memory_space<vmem>>, vector<16xi32>,
      tpu.vector_store %arg10[%swap3A_1257, %swap3A_1258, %swap3A_1259], %add3A_1255 {strides = array<i32>} : memref<50x4x128xi32, #tpu.memory_space<vmem>>, vector<16xi32>,
      %get3A_1261 = arith.constant 1 : i32
      %get3A_1262 = arith.index_cast %scan3A_384 : i32 to index
      %get3A_1263 = arith.index_cast %get3A_1261 : i32 to index
      %get3A_1264 = arith.constant 64 : index
      %get3A_1265 = tpu.vector_load %arg10[%get3A_1262, %get3A_1263, %get3A_1264] {strides = array<i32>} : memref<50x4x128xi32, #tpu.memory_space<vmem>>, vector<16xi32>,
      %and3A_1266 = arith.constant 262143 : i32
      %and3A_1267 = vector.broadcast %and3A_1266 : i32 to vector<16xi32>
      %and3A_1268 = arith.andi %get3A_1265, %and3A_1267 : vector<16xi32>
      %mul3A_1269 = arith.constant 4 : i32
      %mul3A_1270 = vector.broadcast %mul3A_1269 : i32 to vector<16xi32>
      %mul3A_1271 = arith.muli %and3A_1268, %mul3A_1270 : vector<16xi32>
      %shift_right_arithmetic3A_1272 = arith.constant 18 : i32
      %shift_right_arithmetic3A_1273 = vector.broadcast %shift_right_arithmetic3A_1272 : i32 to vector<16xi32>
      %shift_right_arithmetic3A_1274 = arith.shrsi %get3A_1265, %shift_right_arithmetic3A_1273 : vector<16xi32>
      %add3A_1275 = arith.addi %mul3A_1271, %shift_right_arithmetic3A_1274 : vector<16xi32>
      %swap3A_1276 = arith.constant 1 : i32
      %swap3A_1277 = arith.index_cast %scan3A_384 : i32 to index
      %swap3A_1278 = arith.index_cast %swap3A_1276 : i32 to index
      %swap3A_1279 = arith.constant 64 : index
      %swap3A_1280 = tpu.vector_load %arg10[%swap3A_1277, %swap3A_1278, %swap3A_1279] {strides = array<i32>} : memref<50x4x128xi32, #tpu.memory_space<vmem>>, vector<16xi32>,
      tpu.vector_store %arg10[%swap3A_1277, %swap3A_1278, %swap3A_1279], %add3A_1275 {strides = array<i32>} : memref<50x4x128xi32, #tpu.memory_space<vmem>>, vector<16xi32>,
      %get3A_1281 = arith.constant 1 : i32
      %get3A_1282 = arith.index_cast %scan3A_384 : i32 to index
      %get3A_1283 = arith.index_cast %get3A_1281 : i32 to index
      %get3A_1284 = arith.constant 80 : index
      %get3A_1285 = tpu.vector_load %arg10[%get3A_1282, %get3A_1283, %get3A_1284] {strides = array<i32>} : memref<50x4x128xi32, #tpu.memory_space<vmem>>, vector<16xi32>,
      %and3A_1286 = arith.constant 262143 : i32
      %and3A_1287 = vector.broadcast %and3A_1286 : i32 to vector<16xi32>
      %and3A_1288 = arith.andi %get3A_1285, %and3A_1287 : vector<16xi32>
      %mul3A_1289 = arith.constant 4 : i32
      %mul3A_1290 = vector.broadcast %mul3A_1289 : i32 to vector<16xi32>
      %mul3A_1291 = arith.muli %and3A_1288, %mul3A_1290 : vector<16xi32>
      %shift_right_arithmetic3A_1292 = arith.constant 18 : i32
      %shift_right_arithmetic3A_1293 = vector.broadcast %shift_right_arithmetic3A_1292 : i32 to vector<16xi32>
      %shift_right_arithmetic3A_1294 = arith.shrsi %get3A_1285, %shift_right_arithmetic3A_1293 : vector<16xi32>
      %add3A_1295 = arith.addi %mul3A_1291, %shift_right_arithmetic3A_1294 : vector<16xi32>
      %swap3A_1296 = arith.constant 1 : i32
      %swap3A_1297 = arith.index_cast %scan3A_384 : i32 to index
      %swap3A_1298 = arith.index_cast %swap3A_1296 : i32 to index
      %swap3A_1299 = arith.constant 80 : index
      %swap3A_1300 = tpu.vector_load %arg10[%swap3A_1297, %swap3A_1298, %swap3A_1299] {strides = array<i32>} : memref<50x4x128xi32, #tpu.memory_space<vmem>>, vector<16xi32>,
      tpu.vector_store %arg10[%swap3A_1297, %swap3A_1298, %swap3A_1299], %add3A_1295 {strides = array<i32>} : memref<50x4x128xi32, #tpu.memory_space<vmem>>, vector<16xi32>,
      %get3A_1301 = arith.constant 1 : i32
      %get3A_1302 = arith.index_cast %scan3A_384 : i32 to index
      %get3A_1303 = arith.index_cast %get3A_1301 : i32 to index
      %get3A_1304 = arith.constant 96 : index
      %get3A_1305 = tpu.vector_load %arg10[%get3A_1302, %get3A_1303, %get3A_1304] {strides = array<i32>} : memref<50x4x128xi32, #tpu.memory_space<vmem>>, vector<16xi32>,
      %and3A_1306 = arith.constant 262143 : i32
      %and3A_1307 = vector.broadcast %and3A_1306 : i32 to vector<16xi32>
      %and3A_1308 = arith.andi %get3A_1305, %and3A_1307 : vector<16xi32>
      %mul3A_1309 = arith.constant 4 : i32
      %mul3A_1310 = vector.broadcast %mul3A_1309 : i32 to vector<16xi32>
      %mul3A_1311 = arith.muli %and3A_1308, %mul3A_1310 : vector<16xi32>
      %shift_right_arithmetic3A_1312 = arith.constant 18 : i32
      %shift_right_arithmetic3A_1313 = vector.broadcast %shift_right_arithmetic3A_1312 : i32 to vector<16xi32>
      %shift_right_arithmetic3A_1314 = arith.shrsi %get3A_1305, %shift_right_arithmetic3A_1313 : vector<16xi32>
      %add3A_1315 = arith.addi %mul3A_1311, %shift_right_arithmetic3A_1314 : vector<16xi32>
      %swap3A_1316 = arith.constant 1 : i32
      %swap3A_1317 = arith.index_cast %scan3A_384 : i32 to index
      %swap3A_1318 = arith.index_cast %swap3A_1316 : i32 to index
      %swap3A_1319 = arith.constant 96 : index
      %swap3A_1320 = tpu.vector_load %arg10[%swap3A_1317, %swap3A_1318, %swap3A_1319] {strides = array<i32>} : memref<50x4x128xi32, #tpu.memory_space<vmem>>, vector<16xi32>,
      tpu.vector_store %arg10[%swap3A_1317, %swap3A_1318, %swap3A_1319], %add3A_1315 {strides = array<i32>} : memref<50x4x128xi32, #tpu.memory_space<vmem>>, vector<16xi32>,
      %get3A_1321 = arith.constant 1 : i32
      %get3A_1322 = arith.index_cast %scan3A_384 : i32 to index
      %get3A_1323 = arith.index_cast %get3A_1321 : i32 to index
      %get3A_1324 = arith.constant 112 : index
      %get3A_1325 = tpu.vector_load %arg10[%get3A_1322, %get3A_1323, %get3A_1324] {strides = array<i32>} : memref<50x4x128xi32, #tpu.memory_space<vmem>>, vector<16xi32>,
      %and3A_1326 = arith.constant 262143 : i32
      %and3A_1327 = vector.broadcast %and3A_1326 : i32 to vector<16xi32>
      %and3A_1328 = arith.andi %get3A_1325, %and3A_1327 : vector<16xi32>
      %mul3A_1329 = arith.constant 4 : i32
      %mul3A_1330 = vector.broadcast %mul3A_1329 : i32 to vector<16xi32>
      %mul3A_1331 = arith.muli %and3A_1328, %mul3A_1330 : vector<16xi32>
      %shift_right_arithmetic3A_1332 = arith.constant 18 : i32
      %shift_right_arithmetic3A_1333 = vector.broadcast %shift_right_arithmetic3A_1332 : i32 to vector<16xi32>
      %shift_right_arithmetic3A_1334 = arith.shrsi %get3A_1325, %shift_right_arithmetic3A_1333 : vector<16xi32>
      %add3A_1335 = arith.addi %mul3A_1331, %shift_right_arithmetic3A_1334 : vector<16xi32>
      %swap3A_1336 = arith.constant 1 : i32
      %swap3A_1337 = arith.index_cast %scan3A_384 : i32 to index
      %swap3A_1338 = arith.index_cast %swap3A_1336 : i32 to index
      %swap3A_1339 = arith.constant 112 : index
      %swap3A_1340 = tpu.vector_load %arg10[%swap3A_1337, %swap3A_1338, %swap3A_1339] {strides = array<i32>} : memref<50x4x128xi32, #tpu.memory_space<vmem>>, vector<16xi32>,
      tpu.vector_store %arg10[%swap3A_1337, %swap3A_1338, %swap3A_1339], %add3A_1335 {strides = array<i32>} : memref<50x4x128xi32, #tpu.memory_space<vmem>>, vector<16xi32>,
      %get3A_1341 = arith.constant 2 : i32
      %get3A_1342 = arith.index_cast %scan3A_384 : i32 to index
      %get3A_1343 = arith.index_cast %get3A_1341 : i32 to index
      %get3A_1344 = arith.constant 0 : index
      %get3A_1345 = tpu.vector_load %arg10[%get3A_1342, %get3A_1343, %get3A_1344] {strides = array<i32>} : memref<50x4x128xi32, #tpu.memory_space<vmem>>, vector<16xi32>,
      %and3A_1346 = arith.constant 262143 : i32
      %and3A_1347 = vector.broadcast %and3A_1346 : i32 to vector<16xi32>
      %and3A_1348 = arith.andi %get3A_1345, %and3A_1347 : vector<16xi32>
      %mul3A_1349 = arith.constant 4 : i32
      %mul3A_1350 = vector.broadcast %mul3A_1349 : i32 to vector<16xi32>
      %mul3A_1351 = arith.muli %and3A_1348, %mul3A_1350 : vector<16xi32>
      %shift_right_arithmetic3A_1352 = arith.constant 18 : i32
      %shift_right_arithmetic3A_1353 = vector.broadcast %shift_right_arithmetic3A_1352 : i32 to vector<16xi32>
      %shift_right_arithmetic3A_1354 = arith.shrsi %get3A_1345, %shift_right_arithmetic3A_1353 : vector<16xi32>
      %add3A_1355 = arith.addi %mul3A_1351, %shift_right_arithmetic3A_1354 : vector<16xi32>
      %swap3A_1356 = arith.constant 2 : i32
      %swap3A_1357 = arith.index_cast %scan3A_384 : i32 to index
      %swap3A_1358 = arith.index_cast %swap3A_1356 : i32 to index
      %swap3A_1359 = arith.constant 0 : index
      %swap3A_1360 = tpu.vector_load %arg10[%swap3A_1357, %swap3A_1358, %swap3A_1359] {strides = array<i32>} : memref<50x4x128xi32, #tpu.memory_space<vmem>>, vector<16xi32>,
      tpu.vector_store %arg10[%swap3A_1357, %swap3A_1358, %swap3A_1359], %add3A_1355 {strides = array<i32>} : memref<50x4x128xi32, #tpu.memory_space<vmem>>, vector<16xi32>,
      %get3A_1361 = arith.constant 2 : i32
      %get3A_1362 = arith.index_cast %scan3A_384 : i32 to index
      %get3A_1363 = arith.index_cast %get3A_1361 : i32 to index
      %get3A_1364 = arith.constant 16 : index
      %get3A_1365 = tpu.vector_load %arg10[%get3A_1362, %get3A_1363, %get3A_1364] {strides = array<i32>} : memref<50x4x128xi32, #tpu.memory_space<vmem>>, vector<16xi32>,
      %and3A_1366 = arith.constant 262143 : i32
      %and3A_1367 = vector.broadcast %and3A_1366 : i32 to vector<16xi32>
      %and3A_1368 = arith.andi %get3A_1365, %and3A_1367 : vector<16xi32>
      %mul3A_1369 = arith.constant 4 : i32
      %mul3A_1370 = vector.broadcast %mul3A_1369 : i32 to vector<16xi32>
      %mul3A_1371 = arith.muli %and3A_1368, %mul3A_1370 : vector<16xi32>
      %shift_right_arithmetic3A_1372 = arith.constant 18 : i32
      %shift_right_arithmetic3A_1373 = vector.broadcast %shift_right_arithmetic3A_1372 : i32 to vector<16xi32>
      %shift_right_arithmetic3A_1374 = arith.shrsi %get3A_1365, %shift_right_arithmetic3A_1373 : vector<16xi32>
      %add3A_1375 = arith.addi %mul3A_1371, %shift_right_arithmetic3A_1374 : vector<16xi32>
      %swap3A_1376 = arith.constant 2 : i32
      %swap3A_1377 = arith.index_cast %scan3A_384 : i32 to index
      %swap3A_1378 = arith.index_cast %swap3A_1376 : i32 to index
      %swap3A_1379 = arith.constant 16 : index
      %swap3A_1380 = tpu.vector_load %arg10[%swap3A_1377, %swap3A_1378, %swap3A_1379] {strides = array<i32>} : memref<50x4x128xi32, #tpu.memory_space<vmem>>, vector<16xi32>,
      tpu.vector_store %arg10[%swap3A_1377, %swap3A_1378, %swap3A_1379], %add3A_1375 {strides = array<i32>} : memref<50x4x128xi32, #tpu.memory_space<vmem>>, vector<16xi32>,
      %get3A_1381 = arith.constant 2 : i32
      %get3A_1382 = arith.index_cast %scan3A_384 : i32 to index
      %get3A_1383 = arith.index_cast %get3A_1381 : i32 to index
      %get3A_1384 = arith.constant 32 : index
      %get3A_1385 = tpu.vector_load %arg10[%get3A_1382, %get3A_1383, %get3A_1384] {strides = array<i32>} : memref<50x4x128xi32, #tpu.memory_space<vmem>>, vector<16xi32>,
      %and3A_1386 = arith.constant 262143 : i32
      %and3A_1387 = vector.broadcast %and3A_1386 : i32 to vector<16xi32>
      %and3A_1388 = arith.andi %get3A_1385, %and3A_1387 : vector<16xi32>
      %mul3A_1389 = arith.constant 4 : i32
      %mul3A_1390 = vector.broadcast %mul3A_1389 : i32 to vector<16xi32>
      %mul3A_1391 = arith.muli %and3A_1388, %mul3A_1390 : vector<16xi32>
      %shift_right_arithmetic3A_1392 = arith.constant 18 : i32
      %shift_right_arithmetic3A_1393 = vector.broadcast %shift_right_arithmetic3A_1392 : i32 to vector<16xi32>
      %shift_right_arithmetic3A_1394 = arith.shrsi %get3A_1385, %shift_right_arithmetic3A_1393 : vector<16xi32>
      %add3A_1395 = arith.addi %mul3A_1391, %shift_right_arithmetic3A_1394 : vector<16xi32>
      %swap3A_1396 = arith.constant 2 : i32
      %swap3A_1397 = arith.index_cast %scan3A_384 : i32 to index
      %swap3A_1398 = arith.index_cast %swap3A_1396 : i32 to index
      %swap3A_1399 = arith.constant 32 : index
      %swap3A_1400 = tpu.vector_load %arg10[%swap3A_1397, %swap3A_1398, %swap3A_1399] {strides = array<i32>} : memref<50x4x128xi32, #tpu.memory_space<vmem>>, vector<16xi32>,
      tpu.vector_store %arg10[%swap3A_1397, %swap3A_1398, %swap3A_1399], %add3A_1395 {strides = array<i32>} : memref<50x4x128xi32, #tpu.memory_space<vmem>>, vector<16xi32>,
      %get3A_1401 = arith.constant 2 : i32
      %get3A_1402 = arith.index_cast %scan3A_384 : i32 to index
      %get3A_1403 = arith.index_cast %get3A_1401 : i32 to index
      %get3A_1404 = arith.constant 48 : index
      %get3A_1405 = tpu.vector_load %arg10[%get3A_1402, %get3A_1403, %get3A_1404] {strides = array<i32>} : memref<50x4x128xi32, #tpu.memory_space<vmem>>, vector<16xi32>,
      %and3A_1406 = arith.constant 262143 : i32
      %and3A_1407 = vector.broadcast %and3A_1406 : i32 to vector<16xi32>
      %and3A_1408 = arith.andi %get3A_1405, %and3A_1407 : vector<16xi32>
      %mul3A_1409 = arith.constant 4 : i32
      %mul3A_1410 = vector.broadcast %mul3A_1409 : i32 to vector<16xi32>
      %mul3A_1411 = arith.muli %and3A_1408, %mul3A_1410 : vector<16xi32>
      %shift_right_arithmetic3A_1412 = arith.constant 18 : i32
      %shift_right_arithmetic3A_1413 = vector.broadcast %shift_right_arithmetic3A_1412 : i32 to vector<16xi32>
      %shift_right_arithmetic3A_1414 = arith.shrsi %get3A_1405, %shift_right_arithmetic3A_1413 : vector<16xi32>
      %add3A_1415 = arith.addi %mul3A_1411, %shift_right_arithmetic3A_1414 : vector<16xi32>
      %swap3A_1416 = arith.constant 2 : i32
      %swap3A_1417 = arith.index_cast %scan3A_384 : i32 to index
      %swap3A_1418 = arith.index_cast %swap3A_1416 : i32 to index
      %swap3A_1419 = arith.constant 48 : index
      %swap3A_1420 = tpu.vector_load %arg10[%swap3A_1417, %swap3A_1418, %swap3A_1419] {strides = array<i32>} : memref<50x4x128xi32, #tpu.memory_space<vmem>>, vector<16xi32>,
      tpu.vector_store %arg10[%swap3A_1417, %swap3A_1418, %swap3A_1419], %add3A_1415 {strides = array<i32>} : memref<50x4x128xi32, #tpu.memory_space<vmem>>, vector<16xi32>,
      %get3A_1421 = arith.constant 2 : i32
      %get3A_1422 = arith.index_cast %scan3A_384 : i32 to index
      %get3A_1423 = arith.index_cast %get3A_1421 : i32 to index
      %get3A_1424 = arith.constant 64 : index
      %get3A_1425 = tpu.vector_load %arg10[%get3A_1422, %get3A_1423, %get3A_1424] {strides = array<i32>} : memref<50x4x128xi32, #tpu.memory_space<vmem>>, vector<16xi32>,
      %and3A_1426 = arith.constant 262143 : i32
      %and3A_1427 = vector.broadcast %and3A_1426 : i32 to vector<16xi32>
      %and3A_1428 = arith.andi %get3A_1425, %and3A_1427 : vector<16xi32>
      %mul3A_1429 = arith.constant 4 : i32
      %mul3A_1430 = vector.broadcast %mul3A_1429 : i32 to vector<16xi32>
      %mul3A_1431 = arith.muli %and3A_1428, %mul3A_1430 : vector<16xi32>
      %shift_right_arithmetic3A_1432 = arith.constant 18 : i32
      %shift_right_arithmetic3A_1433 = vector.broadcast %shift_right_arithmetic3A_1432 : i32 to vector<16xi32>
      %shift_right_arithmetic3A_1434 = arith.shrsi %get3A_1425, %shift_right_arithmetic3A_1433 : vector<16xi32>
      %add3A_1435 = arith.addi %mul3A_1431, %shift_right_arithmetic3A_1434 : vector<16xi32>
      %swap3A_1436 = arith.constant 2 : i32
      %swap3A_1437 = arith.index_cast %scan3A_384 : i32 to index
      %swap3A_1438 = arith.index_cast %swap3A_1436 : i32 to index
      %swap3A_1439 = arith.constant 64 : index
      %swap3A_1440 = tpu.vector_load %arg10[%swap3A_1437, %swap3A_1438, %swap3A_1439] {strides = array<i32>} : memref<50x4x128xi32, #tpu.memory_space<vmem>>, vector<16xi32>,
      tpu.vector_store %arg10[%swap3A_1437, %swap3A_1438, %swap3A_1439], %add3A_1435 {strides = array<i32>} : memref<50x4x128xi32, #tpu.memory_space<vmem>>, vector<16xi32>,
      %get3A_1441 = arith.constant 2 : i32
      %get3A_1442 = arith.index_cast %scan3A_384 : i32 to index
      %get3A_1443 = arith.index_cast %get3A_1441 : i32 to index
      %get3A_1444 = arith.constant 80 : index
      %get3A_1445 = tpu.vector_load %arg10[%get3A_1442, %get3A_1443, %get3A_1444] {strides = array<i32>} : memref<50x4x128xi32, #tpu.memory_space<vmem>>, vector<16xi32>,
      %and3A_1446 = arith.constant 262143 : i32
      %and3A_1447 = vector.broadcast %and3A_1446 : i32 to vector<16xi32>
      %and3A_1448 = arith.andi %get3A_1445, %and3A_1447 : vector<16xi32>
      %mul3A_1449 = arith.constant 4 : i32
      %mul3A_1450 = vector.broadcast %mul3A_1449 : i32 to vector<16xi32>
      %mul3A_1451 = arith.muli %and3A_1448, %mul3A_1450 : vector<16xi32>
      %shift_right_arithmetic3A_1452 = arith.constant 18 : i32
      %shift_right_arithmetic3A_1453 = vector.broadcast %shift_right_arithmetic3A_1452 : i32 to vector<16xi32>
      %shift_right_arithmetic3A_1454 = arith.shrsi %get3A_1445, %shift_right_arithmetic3A_1453 : vector<16xi32>
      %add3A_1455 = arith.addi %mul3A_1451, %shift_right_arithmetic3A_1454 : vector<16xi32>
      %swap3A_1456 = arith.constant 2 : i32
      %swap3A_1457 = arith.index_cast %scan3A_384 : i32 to index
      %swap3A_1458 = arith.index_cast %swap3A_1456 : i32 to index
      %swap3A_1459 = arith.constant 80 : index
      %swap3A_1460 = tpu.vector_load %arg10[%swap3A_1457, %swap3A_1458, %swap3A_1459] {strides = array<i32>} : memref<50x4x128xi32, #tpu.memory_space<vmem>>, vector<16xi32>,
      tpu.vector_store %arg10[%swap3A_1457, %swap3A_1458, %swap3A_1459], %add3A_1455 {strides = array<i32>} : memref<50x4x128xi32, #tpu.memory_space<vmem>>, vector<16xi32>,
      %get3A_1461 = arith.constant 2 : i32
      %get3A_1462 = arith.index_cast %scan3A_384 : i32 to index
      %get3A_1463 = arith.index_cast %get3A_1461 : i32 to index
      %get3A_1464 = arith.constant 96 : index
      %get3A_1465 = tpu.vector_load %arg10[%get3A_1462, %get3A_1463, %get3A_1464] {strides = array<i32>} : memref<50x4x128xi32, #tpu.memory_space<vmem>>, vector<16xi32>,
      %and3A_1466 = arith.constant 262143 : i32
      %and3A_1467 = vector.broadcast %and3A_1466 : i32 to vector<16xi32>
      %and3A_1468 = arith.andi %get3A_1465, %and3A_1467 : vector<16xi32>
      %mul3A_1469 = arith.constant 4 : i32
      %mul3A_1470 = vector.broadcast %mul3A_1469 : i32 to vector<16xi32>
      %mul3A_1471 = arith.muli %and3A_1468, %mul3A_1470 : vector<16xi32>
      %shift_right_arithmetic3A_1472 = arith.constant 18 : i32
      %shift_right_arithmetic3A_1473 = vector.broadcast %shift_right_arithmetic3A_1472 : i32 to vector<16xi32>
      %shift_right_arithmetic3A_1474 = arith.shrsi %get3A_1465, %shift_right_arithmetic3A_1473 : vector<16xi32>
      %add3A_1475 = arith.addi %mul3A_1471, %shift_right_arithmetic3A_1474 : vector<16xi32>
      %swap3A_1476 = arith.constant 2 : i32
      %swap3A_1477 = arith.index_cast %scan3A_384 : i32 to index
      %swap3A_1478 = arith.index_cast %swap3A_1476 : i32 to index
      %swap3A_1479 = arith.constant 96 : index
      %swap3A_1480 = tpu.vector_load %arg10[%swap3A_1477, %swap3A_1478, %swap3A_1479] {strides = array<i32>} : memref<50x4x128xi32, #tpu.memory_space<vmem>>, vector<16xi32>,
      tpu.vector_store %arg10[%swap3A_1477, %swap3A_1478, %swap3A_1479], %add3A_1475 {strides = array<i32>} : memref<50x4x128xi32, #tpu.memory_space<vmem>>, vector<16xi32>,
      %get3A_1481 = arith.constant 2 : i32
      %get3A_1482 = arith.index_cast %scan3A_384 : i32 to index
      %get3A_1483 = arith.index_cast %get3A_1481 : i32 to index
      %get3A_1484 = arith.constant 112 : index
      %get3A_1485 = tpu.vector_load %arg10[%get3A_1482, %get3A_1483, %get3A_1484] {strides = array<i32>} : memref<50x4x128xi32, #tpu.memory_space<vmem>>, vector<16xi32>,
      %and3A_1486 = arith.constant 262143 : i32
      %and3A_1487 = vector.broadcast %and3A_1486 : i32 to vector<16xi32>
      %and3A_1488 = arith.andi %get3A_1485, %and3A_1487 : vector<16xi32>
      %mul3A_1489 = arith.constant 4 : i32
      %mul3A_1490 = vector.broadcast %mul3A_1489 : i32 to vector<16xi32>
      %mul3A_1491 = arith.muli %and3A_1488, %mul3A_1490 : vector<16xi32>
      %shift_right_arithmetic3A_1492 = arith.constant 18 : i32
      %shift_right_arithmetic3A_1493 = vector.broadcast %shift_right_arithmetic3A_1492 : i32 to vector<16xi32>
      %shift_right_arithmetic3A_1494 = arith.shrsi %get3A_1485, %shift_right_arithmetic3A_1493 : vector<16xi32>
      %add3A_1495 = arith.addi %mul3A_1491, %shift_right_arithmetic3A_1494 : vector<16xi32>
      %swap3A_1496 = arith.constant 2 : i32
      %swap3A_1497 = arith.index_cast %scan3A_384 : i32 to index
      %swap3A_1498 = arith.index_cast %swap3A_1496 : i32 to index
      %swap3A_1499 = arith.constant 112 : index
      %swap3A_1500 = tpu.vector_load %arg10[%swap3A_1497, %swap3A_1498, %swap3A_1499] {strides = array<i32>} : memref<50x4x128xi32, #tpu.memory_space<vmem>>, vector<16xi32>,
      tpu.vector_store %arg10[%swap3A_1497, %swap3A_1498, %swap3A_1499], %add3A_1495 {strides = array<i32>} : memref<50x4x128xi32, #tpu.memory_space<vmem>>, vector<16xi32>,
      %get3A_1501 = arith.constant 3 : i32
      %get3A_1502 = arith.index_cast %scan3A_384 : i32 to index
      %get3A_1503 = arith.index_cast %get3A_1501 : i32 to index
      %get3A_1504 = arith.constant 0 : index
      %get3A_1505 = tpu.vector_load %arg10[%get3A_1502, %get3A_1503, %get3A_1504] {strides = array<i32>} : memref<50x4x128xi32, #tpu.memory_space<vmem>>, vector<16xi32>,
      %and3A_1506 = arith.constant 262143 : i32
      %and3A_1507 = vector.broadcast %and3A_1506 : i32 to vector<16xi32>
      %and3A_1508 = arith.andi %get3A_1505, %and3A_1507 : vector<16xi32>
      %mul3A_1509 = arith.constant 4 : i32
      %mul3A_1510 = vector.broadcast %mul3A_1509 : i32 to vector<16xi32>
      %mul3A_1511 = arith.muli %and3A_1508, %mul3A_1510 : vector<16xi32>
      %shift_right_arithmetic3A_1512 = arith.constant 18 : i32
      %shift_right_arithmetic3A_1513 = vector.broadcast %shift_right_arithmetic3A_1512 : i32 to vector<16xi32>
      %shift_right_arithmetic3A_1514 = arith.shrsi %get3A_1505, %shift_right_arithmetic3A_1513 : vector<16xi32>
      %add3A_1515 = arith.addi %mul3A_1511, %shift_right_arithmetic3A_1514 : vector<16xi32>
      %swap3A_1516 = arith.constant 3 : i32
      %swap3A_1517 = arith.index_cast %scan3A_384 : i32 to index
      %swap3A_1518 = arith.index_cast %swap3A_1516 : i32 to index
      %swap3A_1519 = arith.constant 0 : index
      %swap3A_1520 = tpu.vector_load %arg10[%swap3A_1517, %swap3A_1518, %swap3A_1519] {strides = array<i32>} : memref<50x4x128xi32, #tpu.memory_space<vmem>>, vector<16xi32>,
      tpu.vector_store %arg10[%swap3A_1517, %swap3A_1518, %swap3A_1519], %add3A_1515 {strides = array<i32>} : memref<50x4x128xi32, #tpu.memory_space<vmem>>, vector<16xi32>,
      %get3A_1521 = arith.constant 3 : i32
      %get3A_1522 = arith.index_cast %scan3A_384 : i32 to index
      %get3A_1523 = arith.index_cast %get3A_1521 : i32 to index
      %get3A_1524 = arith.constant 16 : index
      %get3A_1525 = tpu.vector_load %arg10[%get3A_1522, %get3A_1523, %get3A_1524] {strides = array<i32>} : memref<50x4x128xi32, #tpu.memory_space<vmem>>, vector<16xi32>,
      %and3A_1526 = arith.constant 262143 : i32
      %and3A_1527 = vector.broadcast %and3A_1526 : i32 to vector<16xi32>
      %and3A_1528 = arith.andi %get3A_1525, %and3A_1527 : vector<16xi32>
      %mul3A_1529 = arith.constant 4 : i32
      %mul3A_1530 = vector.broadcast %mul3A_1529 : i32 to vector<16xi32>
      %mul3A_1531 = arith.muli %and3A_1528, %mul3A_1530 : vector<16xi32>
      %shift_right_arithmetic3A_1532 = arith.constant 18 : i32
      %shift_right_arithmetic3A_1533 = vector.broadcast %shift_right_arithmetic3A_1532 : i32 to vector<16xi32>
      %shift_right_arithmetic3A_1534 = arith.shrsi %get3A_1525, %shift_right_arithmetic3A_1533 : vector<16xi32>
      %add3A_1535 = arith.addi %mul3A_1531, %shift_right_arithmetic3A_1534 : vector<16xi32>
      %swap3A_1536 = arith.constant 3 : i32
      %swap3A_1537 = arith.index_cast %scan3A_384 : i32 to index
      %swap3A_1538 = arith.index_cast %swap3A_1536 : i32 to index
      %swap3A_1539 = arith.constant 16 : index
      %swap3A_1540 = tpu.vector_load %arg10[%swap3A_1537, %swap3A_1538, %swap3A_1539] {strides = array<i32>} : memref<50x4x128xi32, #tpu.memory_space<vmem>>, vector<16xi32>,
      tpu.vector_store %arg10[%swap3A_1537, %swap3A_1538, %swap3A_1539], %add3A_1535 {strides = array<i32>} : memref<50x4x128xi32, #tpu.memory_space<vmem>>, vector<16xi32>,
      %get3A_1541 = arith.constant 3 : i32
      %get3A_1542 = arith.index_cast %scan3A_384 : i32 to index
      %get3A_1543 = arith.index_cast %get3A_1541 : i32 to index
      %get3A_1544 = arith.constant 32 : index
      %get3A_1545 = tpu.vector_load %arg10[%get3A_1542, %get3A_1543, %get3A_1544] {strides = array<i32>} : memref<50x4x128xi32, #tpu.memory_space<vmem>>, vector<16xi32>,
      %and3A_1546 = arith.constant 262143 : i32
      %and3A_1547 = vector.broadcast %and3A_1546 : i32 to vector<16xi32>
      %and3A_1548 = arith.andi %get3A_1545, %and3A_1547 : vector<16xi32>
      %mul3A_1549 = arith.constant 4 : i32
      %mul3A_1550 = vector.broadcast %mul3A_1549 : i32 to vector<16xi32>
      %mul3A_1551 = arith.muli %and3A_1548, %mul3A_1550 : vector<16xi32>
      %shift_right_arithmetic3A_1552 = arith.constant 18 : i32
      %shift_right_arithmetic3A_1553 = vector.broadcast %shift_right_arithmetic3A_1552 : i32 to vector<16xi32>
      %shift_right_arithmetic3A_1554 = arith.shrsi %get3A_1545, %shift_right_arithmetic3A_1553 : vector<16xi32>
      %add3A_1555 = arith.addi %mul3A_1551, %shift_right_arithmetic3A_1554 : vector<16xi32>
      %swap3A_1556 = arith.constant 3 : i32
      %swap3A_1557 = arith.index_cast %scan3A_384 : i32 to index
      %swap3A_1558 = arith.index_cast %swap3A_1556 : i32 to index
      %swap3A_1559 = arith.constant 32 : index
      %swap3A_1560 = tpu.vector_load %arg10[%swap3A_1557, %swap3A_1558, %swap3A_1559] {strides = array<i32>} : memref<50x4x128xi32, #tpu.memory_space<vmem>>, vector<16xi32>,
      tpu.vector_store %arg10[%swap3A_1557, %swap3A_1558, %swap3A_1559], %add3A_1555 {strides = array<i32>} : memref<50x4x128xi32, #tpu.memory_space<vmem>>, vector<16xi32>,
      %get3A_1561 = arith.constant 3 : i32
      %get3A_1562 = arith.index_cast %scan3A_384 : i32 to index
      %get3A_1563 = arith.index_cast %get3A_1561 : i32 to index
      %get3A_1564 = arith.constant 48 : index
      %get3A_1565 = tpu.vector_load %arg10[%get3A_1562, %get3A_1563, %get3A_1564] {strides = array<i32>} : memref<50x4x128xi32, #tpu.memory_space<vmem>>, vector<16xi32>,
      %and3A_1566 = arith.constant 262143 : i32
      %and3A_1567 = vector.broadcast %and3A_1566 : i32 to vector<16xi32>
      %and3A_1568 = arith.andi %get3A_1565, %and3A_1567 : vector<16xi32>
      %mul3A_1569 = arith.constant 4 : i32
      %mul3A_1570 = vector.broadcast %mul3A_1569 : i32 to vector<16xi32>
      %mul3A_1571 = arith.muli %and3A_1568, %mul3A_1570 : vector<16xi32>
      %shift_right_arithmetic3A_1572 = arith.constant 18 : i32
      %shift_right_arithmetic3A_1573 = vector.broadcast %shift_right_arithmetic3A_1572 : i32 to vector<16xi32>
      %shift_right_arithmetic3A_1574 = arith.shrsi %get3A_1565, %shift_right_arithmetic3A_1573 : vector<16xi32>
      %add3A_1575 = arith.addi %mul3A_1571, %shift_right_arithmetic3A_1574 : vector<16xi32>
      %swap3A_1576 = arith.constant 3 : i32
      %swap3A_1577 = arith.index_cast %scan3A_384 : i32 to index
      %swap3A_1578 = arith.index_cast %swap3A_1576 : i32 to index
      %swap3A_1579 = arith.constant 48 : index
      %swap3A_1580 = tpu.vector_load %arg10[%swap3A_1577, %swap3A_1578, %swap3A_1579] {strides = array<i32>} : memref<50x4x128xi32, #tpu.memory_space<vmem>>, vector<16xi32>,
      tpu.vector_store %arg10[%swap3A_1577, %swap3A_1578, %swap3A_1579], %add3A_1575 {strides = array<i32>} : memref<50x4x128xi32, #tpu.memory_space<vmem>>, vector<16xi32>,
      %get3A_1581 = arith.constant 3 : i32
      %get3A_1582 = arith.index_cast %scan3A_384 : i32 to index
      %get3A_1583 = arith.index_cast %get3A_1581 : i32 to index
      %get3A_1584 = arith.constant 64 : index
      %get3A_1585 = tpu.vector_load %arg10[%get3A_1582, %get3A_1583, %get3A_1584] {strides = array<i32>} : memref<50x4x128xi32, #tpu.memory_space<vmem>>, vector<16xi32>,
      %and3A_1586 = arith.constant 262143 : i32
      %and3A_1587 = vector.broadcast %and3A_1586 : i32 to vector<16xi32>
      %and3A_1588 = arith.andi %get3A_1585, %and3A_1587 : vector<16xi32>
      %mul3A_1589 = arith.constant 4 : i32
      %mul3A_1590 = vector.broadcast %mul3A_1589 : i32 to vector<16xi32>
      %mul3A_1591 = arith.muli %and3A_1588, %mul3A_1590 : vector<16xi32>
      %shift_right_arithmetic3A_1592 = arith.constant 18 : i32
      %shift_right_arithmetic3A_1593 = vector.broadcast %shift_right_arithmetic3A_1592 : i32 to vector<16xi32>
      %shift_right_arithmetic3A_1594 = arith.shrsi %get3A_1585, %shift_right_arithmetic3A_1593 : vector<16xi32>
      %add3A_1595 = arith.addi %mul3A_1591, %shift_right_arithmetic3A_1594 : vector<16xi32>
      %swap3A_1596 = arith.constant 3 : i32
      %swap3A_1597 = arith.index_cast %scan3A_384 : i32 to index
      %swap3A_1598 = arith.index_cast %swap3A_1596 : i32 to index
      %swap3A_1599 = arith.constant 64 : index
      %swap3A_1600 = tpu.vector_load %arg10[%swap3A_1597, %swap3A_1598, %swap3A_1599] {strides = array<i32>} : memref<50x4x128xi32, #tpu.memory_space<vmem>>, vector<16xi32>,
      tpu.vector_store %arg10[%swap3A_1597, %swap3A_1598, %swap3A_1599], %add3A_1595 {strides = array<i32>} : memref<50x4x128xi32, #tpu.memory_space<vmem>>, vector<16xi32>,
      %get3A_1601 = arith.constant 3 : i32
      %get3A_1602 = arith.index_cast %scan3A_384 : i32 to index
      %get3A_1603 = arith.index_cast %get3A_1601 : i32 to index
      %get3A_1604 = arith.constant 80 : index
      %get3A_1605 = tpu.vector_load %arg10[%get3A_1602, %get3A_1603, %get3A_1604] {strides = array<i32>} : memref<50x4x128xi32, #tpu.memory_space<vmem>>, vector<16xi32>,
      %and3A_1606 = arith.constant 262143 : i32
      %and3A_1607 = vector.broadcast %and3A_1606 : i32 to vector<16xi32>
      %and3A_1608 = arith.andi %get3A_1605, %and3A_1607 : vector<16xi32>
      %mul3A_1609 = arith.constant 4 : i32
      %mul3A_1610 = vector.broadcast %mul3A_1609 : i32 to vector<16xi32>
      %mul3A_1611 = arith.muli %and3A_1608, %mul3A_1610 : vector<16xi32>
      %shift_right_arithmetic3A_1612 = arith.constant 18 : i32
      %shift_right_arithmetic3A_1613 = vector.broadcast %shift_right_arithmetic3A_1612 : i32 to vector<16xi32>
      %shift_right_arithmetic3A_1614 = arith.shrsi %get3A_1605, %shift_right_arithmetic3A_1613 : vector<16xi32>
      %add3A_1615 = arith.addi %mul3A_1611, %shift_right_arithmetic3A_1614 : vector<16xi32>
      %swap3A_1616 = arith.constant 3 : i32
      %swap3A_1617 = arith.index_cast %scan3A_384 : i32 to index
      %swap3A_1618 = arith.index_cast %swap3A_1616 : i32 to index
      %swap3A_1619 = arith.constant 80 : index
      %swap3A_1620 = tpu.vector_load %arg10[%swap3A_1617, %swap3A_1618, %swap3A_1619] {strides = array<i32>} : memref<50x4x128xi32, #tpu.memory_space<vmem>>, vector<16xi32>,
      tpu.vector_store %arg10[%swap3A_1617, %swap3A_1618, %swap3A_1619], %add3A_1615 {strides = array<i32>} : memref<50x4x128xi32, #tpu.memory_space<vmem>>, vector<16xi32>,
      %get3A_1621 = arith.constant 3 : i32
      %get3A_1622 = arith.index_cast %scan3A_384 : i32 to index
      %get3A_1623 = arith.index_cast %get3A_1621 : i32 to index
      %get3A_1624 = arith.constant 96 : index
      %get3A_1625 = tpu.vector_load %arg10[%get3A_1622, %get3A_1623, %get3A_1624] {strides = array<i32>} : memref<50x4x128xi32, #tpu.memory_space<vmem>>, vector<16xi32>,
      %and3A_1626 = arith.constant 262143 : i32
      %and3A_1627 = vector.broadcast %and3A_1626 : i32 to vector<16xi32>
      %and3A_1628 = arith.andi %get3A_1625, %and3A_1627 : vector<16xi32>
      %mul3A_1629 = arith.constant 4 : i32
      %mul3A_1630 = vector.broadcast %mul3A_1629 : i32 to vector<16xi32>
      %mul3A_1631 = arith.muli %and3A_1628, %mul3A_1630 : vector<16xi32>
      %shift_right_arithmetic3A_1632 = arith.constant 18 : i32
      %shift_right_arithmetic3A_1633 = vector.broadcast %shift_right_arithmetic3A_1632 : i32 to vector<16xi32>
      %shift_right_arithmetic3A_1634 = arith.shrsi %get3A_1625, %shift_right_arithmetic3A_1633 : vector<16xi32>
      %add3A_1635 = arith.addi %mul3A_1631, %shift_right_arithmetic3A_1634 : vector<16xi32>
      %swap3A_1636 = arith.constant 3 : i32
      %swap3A_1637 = arith.index_cast %scan3A_384 : i32 to index
      %swap3A_1638 = arith.index_cast %swap3A_1636 : i32 to index
      %swap3A_1639 = arith.constant 96 : index
      %swap3A_1640 = tpu.vector_load %arg10[%swap3A_1637, %swap3A_1638, %swap3A_1639] {strides = array<i32>} : memref<50x4x128xi32, #tpu.memory_space<vmem>>, vector<16xi32>,
      tpu.vector_store %arg10[%swap3A_1637, %swap3A_1638, %swap3A_1639], %add3A_1635 {strides = array<i32>} : memref<50x4x128xi32, #tpu.memory_space<vmem>>, vector<16xi32>,
      %get3A_1641 = arith.constant 3 : i32
      %get3A_1642 = arith.index_cast %scan3A_384 : i32 to index
      %get3A_1643 = arith.index_cast %get3A_1641 : i32 to index
      %get3A_1644 = arith.constant 112 : index
      %get3A_1645 = tpu.vector_load %arg10[%get3A_1642, %get3A_1643, %get3A_1644] {strides = array<i32>} : memref<50x4x128xi32, #tpu.memory_space<vmem>>, vector<16xi32>,
      %and3A_1646 = arith.constant 262143 : i32
      %and3A_1647 = vector.broadcast %and3A_1646 : i32 to vector<16xi32>
      %and3A_1648 = arith.andi %get3A_1645, %and3A_1647 : vector<16xi32>
      %mul3A_1649 = arith.constant 4 : i32
      %mul3A_1650 = vector.broadcast %mul3A_1649 : i32 to vector<16xi32>
      %mul3A_1651 = arith.muli %and3A_1648, %mul3A_1650 : vector<16xi32>
      %shift_right_arithmetic3A_1652 = arith.constant 18 : i32
      %shift_right_arithmetic3A_1653 = vector.broadcast %shift_right_arithmetic3A_1652 : i32 to vector<16xi32>
      %shift_right_arithmetic3A_1654 = arith.shrsi %get3A_1645, %shift_right_arithmetic3A_1653 : vector<16xi32>
      %add3A_1655 = arith.addi %mul3A_1651, %shift_right_arithmetic3A_1654 : vector<16xi32>
      %swap3A_1656 = arith.constant 3 : i32
      %swap3A_1657 = arith.index_cast %scan3A_384 : i32 to index
      %swap3A_1658 = arith.index_cast %swap3A_1656 : i32 to index
      %swap3A_1659 = arith.constant 112 : index
      %swap3A_1660 = tpu.vector_load %arg10[%swap3A_1657, %swap3A_1658, %swap3A_1659] {strides = array<i32>} : memref<50x4x128xi32, #tpu.memory_space<vmem>>, vector<16xi32>,
      tpu.vector_store %arg10[%swap3A_1657, %swap3A_1658, %swap3A_1659], %add3A_1655 {strides = array<i32>} : memref<50x4x128xi32, #tpu.memory_space<vmem>>, vector<16xi32>,
    }
    %scan3A_11 = arith.constant 50 : i32
    %dma_start3A = arith.constant 0 : i32
    %dma_start3A_12 = arith.constant 0 : i32
    %dma_start3A_13 = arith.constant 0 : i32
    %dma_start3A_14 = arith.constant 0 : i32
    %dma_start3A_15 = tpu.memref_slice %arg11[%dma_start3A_13, %dma_start3A_14] : memref<512x32xf32, #tpu.memory_space<vmem>> -> memref<128x32xf32, #tpu.memory_space<vmem>>
    %dma_start3A_16 = arith.constant 0 : i32
    %dma_start3A_17 = tpu.memref_slice %arg9[%dma_start3A, %dma_start3A_12, %dma_start3A_16] : memref<50x4x128xi32, #tpu.memory_space<vmem>> -> memref<1x1x128xi32, #tpu.memory_space<vmem>>
    %dma_start3A_18 = tpu.memref_squeeze %dma_start3A_17 : memref<1x1x128xi32, #tpu.memory_space<vmem>> -> memref<128xi32, #tpu.memory_space<vmem>>
    %dma_start3A_19 = arith.constant 0 : i32
    %dma_start3A_20 = arith.constant 0 : i32
    %dma_start3A_21 = tpu.memref_slice %arg4[%dma_start3A_19, %dma_start3A_20] : memref<1048576x32xf32, #tpu.memory_space<hbm>> -> memref<1048576x32xf32, #tpu.memory_space<hbm>>
    tpu.enqueue_indirect_dma source(%dma_start3A_21 : memref<1048576x32xf32, #tpu.memory_space<hbm>>) target(%dma_start3A_15 : memref<128x32xf32, #tpu.memory_space<vmem>>) offsets(%dma_start3A_18 : memref<128xi32, #tpu.memory_space<vmem>>) semaphore(%arg15 : memref<!tpu.dma_semaphore, #tpu.memory_space<semaphore_mem>>)
    %dma_start3A_22 = arith.constant 0 : i32
    %dma_start3A_23 = arith.constant 1 : i32
    %dma_start3A_24 = arith.constant 128 : i32
    %dma_start3A_25 = arith.constant 0 : i32
    %dma_start3A_26 = tpu.memref_slice %arg11[%dma_start3A_24, %dma_start3A_25] : memref<512x32xf32, #tpu.memory_space<vmem>> -> memref<128x32xf32, #tpu.memory_space<vmem>>
    %dma_start3A_27 = arith.constant 0 : i32
    %dma_start3A_28 = tpu.memref_slice %arg9[%dma_start3A_22, %dma_start3A_23, %dma_start3A_27] : memref<50x4x128xi32, #tpu.memory_space<vmem>> -> memref<1x1x128xi32, #tpu.memory_space<vmem>>
    %dma_start3A_29 = tpu.memref_squeeze %dma_start3A_28 : memref<1x1x128xi32, #tpu.memory_space<vmem>> -> memref<128xi32, #tpu.memory_space<vmem>>
    %dma_start3A_30 = arith.constant 0 : i32
    %dma_start3A_31 = arith.constant 0 : i32
    %dma_start3A_32 = tpu.memref_slice %arg4[%dma_start3A_30, %dma_start3A_31] : memref<1048576x32xf32, #tpu.memory_space<hbm>> -> memref<1048576x32xf32, #tpu.memory_space<hbm>>
    tpu.enqueue_indirect_dma source(%dma_start3A_32 : memref<1048576x32xf32, #tpu.memory_space<hbm>>) target(%dma_start3A_26 : memref<128x32xf32, #tpu.memory_space<vmem>>) offsets(%dma_start3A_29 : memref<128xi32, #tpu.memory_space<vmem>>) semaphore(%arg15 : memref<!tpu.dma_semaphore, #tpu.memory_space<semaphore_mem>>)
    %dma_start3A_33 = arith.constant 0 : i32
    %dma_start3A_34 = arith.constant 2 : i32
    %dma_start3A_35 = arith.constant 256 : i32
    %dma_start3A_36 = arith.constant 0 : i32
    %dma_start3A_37 = tpu.memref_slice %arg11[%dma_start3A_35, %dma_start3A_36] : memref<512x32xf32, #tpu.memory_space<vmem>> -> memref<128x32xf32, #tpu.memory_space<vmem>>
    %dma_start3A_38 = arith.constant 0 : i32
    %dma_start3A_39 = tpu.memref_slice %arg9[%dma_start3A_33, %dma_start3A_34, %dma_start3A_38] : memref<50x4x128xi32, #tpu.memory_space<vmem>> -> memref<1x1x128xi32, #tpu.memory_space<vmem>>
    %dma_start3A_40 = tpu.memref_squeeze %dma_start3A_39 : memref<1x1x128xi32, #tpu.memory_space<vmem>> -> memref<128xi32, #tpu.memory_space<vmem>>
    %dma_start3A_41 = arith.constant 0 : i32
    %dma_start3A_42 = arith.constant 0 : i32
    %dma_start3A_43 = tpu.memref_slice %arg4[%dma_start3A_41, %dma_start3A_42] : memref<1048576x32xf32, #tpu.memory_space<hbm>> -> memref<1048576x32xf32, #tpu.memory_space<hbm>>
    tpu.enqueue_indirect_dma source(%dma_start3A_43 : memref<1048576x32xf32, #tpu.memory_space<hbm>>) target(%dma_start3A_37 : memref<128x32xf32, #tpu.memory_space<vmem>>) offsets(%dma_start3A_40 : memref<128xi32, #tpu.memory_space<vmem>>) semaphore(%arg15 : memref<!tpu.dma_semaphore, #tpu.memory_space<semaphore_mem>>)
    %dma_start3A_44 = arith.constant 0 : i32
    %dma_start3A_45 = arith.constant 3 : i32
    %dma_start3A_46 = arith.constant 384 : i32
    %dma_start3A_47 = arith.constant 0 : i32
    %dma_start3A_48 = tpu.memref_slice %arg11[%dma_start3A_46, %dma_start3A_47] : memref<512x32xf32, #tpu.memory_space<vmem>> -> memref<128x32xf32, #tpu.memory_space<vmem>>
    %dma_start3A_49 = arith.constant 0 : i32
    %dma_start3A_50 = tpu.memref_slice %arg9[%dma_start3A_44, %dma_start3A_45, %dma_start3A_49] : memref<50x4x128xi32, #tpu.memory_space<vmem>> -> memref<1x1x128xi32, #tpu.memory_space<vmem>>
    %dma_start3A_51 = tpu.memref_squeeze %dma_start3A_50 : memref<1x1x128xi32, #tpu.memory_space<vmem>> -> memref<128xi32, #tpu.memory_space<vmem>>
    %dma_start3A_52 = arith.constant 0 : i32
    %dma_start3A_53 = arith.constant 0 : i32
    %dma_start3A_54 = tpu.memref_slice %arg4[%dma_start3A_52, %dma_start3A_53] : memref<1048576x32xf32, #tpu.memory_space<hbm>> -> memref<1048576x32xf32, #tpu.memory_space<hbm>>
    tpu.enqueue_indirect_dma source(%dma_start3A_54 : memref<1048576x32xf32, #tpu.memory_space<hbm>>) target(%dma_start3A_48 : memref<128x32xf32, #tpu.memory_space<vmem>>) offsets(%dma_start3A_51 : memref<128xi32, #tpu.memory_space<vmem>>) semaphore(%arg15 : memref<!tpu.dma_semaphore, #tpu.memory_space<semaphore_mem>>)
    %dma_start3A_55 = arith.constant 0 : i32
    %dma_start3A_56 = arith.constant 0 : i32
    %dma_start3A_57 = arith.constant 0 : i32
    %dma_start3A_58 = arith.constant 0 : i32
    %dma_start3A_59 = tpu.memref_slice %arg13[%dma_start3A_57, %dma_start3A_58] : memref<512x32xf32, #tpu.memory_space<vmem>> -> memref<128x32xf32, #tpu.memory_space<vmem>>
    %dma_start3A_60 = arith.constant 0 : i32
    %dma_start3A_61 = tpu.memref_slice %arg10[%dma_start3A_55, %dma_start3A_56, %dma_start3A_60] : memref<50x4x128xi32, #tpu.memory_space<vmem>> -> memref<1x1x128xi32, #tpu.memory_space<vmem>>
    %dma_start3A_62 = tpu.memref_squeeze %dma_start3A_61 : memref<1x1x128xi32, #tpu.memory_space<vmem>> -> memref<128xi32, #tpu.memory_space<vmem>>
    %dma_start3A_63 = arith.constant 0 : i32
    %dma_start3A_64 = arith.constant 0 : i32
    %dma_start3A_65 = tpu.memref_slice %arg4[%dma_start3A_63, %dma_start3A_64] : memref<1048576x32xf32, #tpu.memory_space<hbm>> -> memref<1048576x32xf32, #tpu.memory_space<hbm>>
    tpu.enqueue_indirect_dma source(%dma_start3A_65 : memref<1048576x32xf32, #tpu.memory_space<hbm>>) target(%dma_start3A_59 : memref<128x32xf32, #tpu.memory_space<vmem>>) offsets(%dma_start3A_62 : memref<128xi32, #tpu.memory_space<vmem>>) semaphore(%arg15 : memref<!tpu.dma_semaphore, #tpu.memory_space<semaphore_mem>>)
    %dma_start3A_66 = arith.constant 0 : i32
    %dma_start3A_67 = arith.constant 1 : i32
    %dma_start3A_68 = arith.constant 128 : i32
    %dma_start3A_69 = arith.constant 0 : i32
    %dma_start3A_70 = tpu.memref_slice %arg13[%dma_start3A_68, %dma_start3A_69] : memref<512x32xf32, #tpu.memory_space<vmem>> -> memref<128x32xf32, #tpu.memory_space<vmem>>
    %dma_start3A_71 = arith.constant 0 : i32
    %dma_start3A_72 = tpu.memref_slice %arg10[%dma_start3A_66, %dma_start3A_67, %dma_start3A_71] : memref<50x4x128xi32, #tpu.memory_space<vmem>> -> memref<1x1x128xi32, #tpu.memory_space<vmem>>
    %dma_start3A_73 = tpu.memref_squeeze %dma_start3A_72 : memref<1x1x128xi32, #tpu.memory_space<vmem>> -> memref<128xi32, #tpu.memory_space<vmem>>
    %dma_start3A_74 = arith.constant 0 : i32
    %dma_start3A_75 = arith.constant 0 : i32
    %dma_start3A_76 = tpu.memref_slice %arg4[%dma_start3A_74, %dma_start3A_75] : memref<1048576x32xf32, #tpu.memory_space<hbm>> -> memref<1048576x32xf32, #tpu.memory_space<hbm>>
    tpu.enqueue_indirect_dma source(%dma_start3A_76 : memref<1048576x32xf32, #tpu.memory_space<hbm>>) target(%dma_start3A_70 : memref<128x32xf32, #tpu.memory_space<vmem>>) offsets(%dma_start3A_73 : memref<128xi32, #tpu.memory_space<vmem>>) semaphore(%arg15 : memref<!tpu.dma_semaphore, #tpu.memory_space<semaphore_mem>>)
    %dma_start3A_77 = arith.constant 0 : i32
    %dma_start3A_78 = arith.constant 2 : i32
    %dma_start3A_79 = arith.constant 256 : i32
    %dma_start3A_80 = arith.constant 0 : i32
    %dma_start3A_81 = tpu.memref_slice %arg13[%dma_start3A_79, %dma_start3A_80] : memref<512x32xf32, #tpu.memory_space<vmem>> -> memref<128x32xf32, #tpu.memory_space<vmem>>
    %dma_start3A_82 = arith.constant 0 : i32
    %dma_start3A_83 = tpu.memref_slice %arg10[%dma_start3A_77, %dma_start3A_78, %dma_start3A_82] : memref<50x4x128xi32, #tpu.memory_space<vmem>> -> memref<1x1x128xi32, #tpu.memory_space<vmem>>
    %dma_start3A_84 = tpu.memref_squeeze %dma_start3A_83 : memref<1x1x128xi32, #tpu.memory_space<vmem>> -> memref<128xi32, #tpu.memory_space<vmem>>
    %dma_start3A_85 = arith.constant 0 : i32
    %dma_start3A_86 = arith.constant 0 : i32
    %dma_start3A_87 = tpu.memref_slice %arg4[%dma_start3A_85, %dma_start3A_86] : memref<1048576x32xf32, #tpu.memory_space<hbm>> -> memref<1048576x32xf32, #tpu.memory_space<hbm>>
    tpu.enqueue_indirect_dma source(%dma_start3A_87 : memref<1048576x32xf32, #tpu.memory_space<hbm>>) target(%dma_start3A_81 : memref<128x32xf32, #tpu.memory_space<vmem>>) offsets(%dma_start3A_84 : memref<128xi32, #tpu.memory_space<vmem>>) semaphore(%arg15 : memref<!tpu.dma_semaphore, #tpu.memory_space<semaphore_mem>>)
    %dma_start3A_88 = arith.constant 0 : i32
    %dma_start3A_89 = arith.constant 3 : i32
    %dma_start3A_90 = arith.constant 384 : i32
    %dma_start3A_91 = arith.constant 0 : i32
    %dma_start3A_92 = tpu.memref_slice %arg13[%dma_start3A_90, %dma_start3A_91] : memref<512x32xf32, #tpu.memory_space<vmem>> -> memref<128x32xf32, #tpu.memory_space<vmem>>
    %dma_start3A_93 = arith.constant 0 : i32
    %dma_start3A_94 = tpu.memref_slice %arg10[%dma_start3A_88, %dma_start3A_89, %dma_start3A_93] : memref<50x4x128xi32, #tpu.memory_space<vmem>> -> memref<1x1x128xi32, #tpu.memory_space<vmem>>
    %dma_start3A_95 = tpu.memref_squeeze %dma_start3A_94 : memref<1x1x128xi32, #tpu.memory_space<vmem>> -> memref<128xi32, #tpu.memory_space<vmem>>
    %dma_start3A_96 = arith.constant 0 : i32
    %dma_start3A_97 = arith.constant 0 : i32
    %dma_start3A_98 = tpu.memref_slice %arg4[%dma_start3A_96, %dma_start3A_97] : memref<1048576x32xf32, #tpu.memory_space<hbm>> -> memref<1048576x32xf32, #tpu.memory_space<hbm>>
    tpu.enqueue_indirect_dma source(%dma_start3A_98 : memref<1048576x32xf32, #tpu.memory_space<hbm>>) target(%dma_start3A_92 : memref<128x32xf32, #tpu.memory_space<vmem>>) offsets(%dma_start3A_95 : memref<128xi32, #tpu.memory_space<vmem>>) semaphore(%arg15 : memref<!tpu.dma_semaphore, #tpu.memory_space<semaphore_mem>>)
    %dma_start3A_99 = arith.constant 1 : i32
    %dma_start3A_100 = arith.constant 0 : i32
    %dma_start3A_101 = arith.constant 0 : i32
    %dma_start3A_102 = arith.constant 0 : i32
    %dma_start3A_103 = tpu.memref_slice %arg12[%dma_start3A_101, %dma_start3A_102] : memref<512x32xf32, #tpu.memory_space<vmem>> -> memref<128x32xf32, #tpu.memory_space<vmem>>
    %dma_start3A_104 = arith.constant 0 : i32
    %dma_start3A_105 = tpu.memref_slice %arg9[%dma_start3A_99, %dma_start3A_100, %dma_start3A_104] : memref<50x4x128xi32, #tpu.memory_space<vmem>> -> memref<1x1x128xi32, #tpu.memory_space<vmem>>
    %dma_start3A_106 = tpu.memref_squeeze %dma_start3A_105 : memref<1x1x128xi32, #tpu.memory_space<vmem>> -> memref<128xi32, #tpu.memory_space<vmem>>
    %dma_start3A_107 = arith.constant 0 : i32
    %dma_start3A_108 = arith.constant 0 : i32
    %dma_start3A_109 = tpu.memref_slice %arg4[%dma_start3A_107, %dma_start3A_108] : memref<1048576x32xf32, #tpu.memory_space<hbm>> -> memref<1048576x32xf32, #tpu.memory_space<hbm>>
    tpu.enqueue_indirect_dma source(%dma_start3A_109 : memref<1048576x32xf32, #tpu.memory_space<hbm>>) target(%dma_start3A_103 : memref<128x32xf32, #tpu.memory_space<vmem>>) offsets(%dma_start3A_106 : memref<128xi32, #tpu.memory_space<vmem>>) semaphore(%arg16 : memref<!tpu.dma_semaphore, #tpu.memory_space<semaphore_mem>>)
    %dma_start3A_110 = arith.constant 1 : i32
    %dma_start3A_111 = arith.constant 1 : i32
    %dma_start3A_112 = arith.constant 128 : i32
    %dma_start3A_113 = arith.constant 0 : i32
    %dma_start3A_114 = tpu.memref_slice %arg12[%dma_start3A_112, %dma_start3A_113] : memref<512x32xf32, #tpu.memory_space<vmem>> -> memref<128x32xf32, #tpu.memory_space<vmem>>
    %dma_start3A_115 = arith.constant 0 : i32
    %dma_start3A_116 = tpu.memref_slice %arg9[%dma_start3A_110, %dma_start3A_111, %dma_start3A_115] : memref<50x4x128xi32, #tpu.memory_space<vmem>> -> memref<1x1x128xi32, #tpu.memory_space<vmem>>
    %dma_start3A_117 = tpu.memref_squeeze %dma_start3A_116 : memref<1x1x128xi32, #tpu.memory_space<vmem>> -> memref<128xi32, #tpu.memory_space<vmem>>
    %dma_start3A_118 = arith.constant 0 : i32
    %dma_start3A_119 = arith.constant 0 : i32
    %dma_start3A_120 = tpu.memref_slice %arg4[%dma_start3A_118, %dma_start3A_119] : memref<1048576x32xf32, #tpu.memory_space<hbm>> -> memref<1048576x32xf32, #tpu.memory_space<hbm>>
    tpu.enqueue_indirect_dma source(%dma_start3A_120 : memref<1048576x32xf32, #tpu.memory_space<hbm>>) target(%dma_start3A_114 : memref<128x32xf32, #tpu.memory_space<vmem>>) offsets(%dma_start3A_117 : memref<128xi32, #tpu.memory_space<vmem>>) semaphore(%arg16 : memref<!tpu.dma_semaphore, #tpu.memory_space<semaphore_mem>>)
    %dma_start3A_121 = arith.constant 1 : i32
    %dma_start3A_122 = arith.constant 2 : i32
    %dma_start3A_123 = arith.constant 256 : i32
    %dma_start3A_124 = arith.constant 0 : i32
    %dma_start3A_125 = tpu.memref_slice %arg12[%dma_start3A_123, %dma_start3A_124] : memref<512x32xf32, #tpu.memory_space<vmem>> -> memref<128x32xf32, #tpu.memory_space<vmem>>
    %dma_start3A_126 = arith.constant 0 : i32
    %dma_start3A_127 = tpu.memref_slice %arg9[%dma_start3A_121, %dma_start3A_122, %dma_start3A_126] : memref<50x4x128xi32, #tpu.memory_space<vmem>> -> memref<1x1x128xi32, #tpu.memory_space<vmem>>
    %dma_start3A_128 = tpu.memref_squeeze %dma_start3A_127 : memref<1x1x128xi32, #tpu.memory_space<vmem>> -> memref<128xi32, #tpu.memory_space<vmem>>
    %dma_start3A_129 = arith.constant 0 : i32
    %dma_start3A_130 = arith.constant 0 : i32
    %dma_start3A_131 = tpu.memref_slice %arg4[%dma_start3A_129, %dma_start3A_130] : memref<1048576x32xf32, #tpu.memory_space<hbm>> -> memref<1048576x32xf32, #tpu.memory_space<hbm>>
    tpu.enqueue_indirect_dma source(%dma_start3A_131 : memref<1048576x32xf32, #tpu.memory_space<hbm>>) target(%dma_start3A_125 : memref<128x32xf32, #tpu.memory_space<vmem>>) offsets(%dma_start3A_128 : memref<128xi32, #tpu.memory_space<vmem>>) semaphore(%arg16 : memref<!tpu.dma_semaphore, #tpu.memory_space<semaphore_mem>>)
    %dma_start3A_132 = arith.constant 1 : i32
    %dma_start3A_133 = arith.constant 3 : i32
    %dma_start3A_134 = arith.constant 384 : i32
    %dma_start3A_135 = arith.constant 0 : i32
    %dma_start3A_136 = tpu.memref_slice %arg12[%dma_start3A_134, %dma_start3A_135] : memref<512x32xf32, #tpu.memory_space<vmem>> -> memref<128x32xf32, #tpu.memory_space<vmem>>
    %dma_start3A_137 = arith.constant 0 : i32
    %dma_start3A_138 = tpu.memref_slice %arg9[%dma_start3A_132, %dma_start3A_133, %dma_start3A_137] : memref<50x4x128xi32, #tpu.memory_space<vmem>> -> memref<1x1x128xi32, #tpu.memory_space<vmem>>
    %dma_start3A_139 = tpu.memref_squeeze %dma_start3A_138 : memref<1x1x128xi32, #tpu.memory_space<vmem>> -> memref<128xi32, #tpu.memory_space<vmem>>
    %dma_start3A_140 = arith.constant 0 : i32
    %dma_start3A_141 = arith.constant 0 : i32
    %dma_start3A_142 = tpu.memref_slice %arg4[%dma_start3A_140, %dma_start3A_141] : memref<1048576x32xf32, #tpu.memory_space<hbm>> -> memref<1048576x32xf32, #tpu.memory_space<hbm>>
    tpu.enqueue_indirect_dma source(%dma_start3A_142 : memref<1048576x32xf32, #tpu.memory_space<hbm>>) target(%dma_start3A_136 : memref<128x32xf32, #tpu.memory_space<vmem>>) offsets(%dma_start3A_139 : memref<128xi32, #tpu.memory_space<vmem>>) semaphore(%arg16 : memref<!tpu.dma_semaphore, #tpu.memory_space<semaphore_mem>>)
    %dma_start3A_143 = arith.constant 1 : i32
    %dma_start3A_144 = arith.constant 0 : i32
    %dma_start3A_145 = arith.constant 0 : i32
    %dma_start3A_146 = arith.constant 0 : i32
    %dma_start3A_147 = tpu.memref_slice %arg14[%dma_start3A_145, %dma_start3A_146] : memref<512x32xf32, #tpu.memory_space<vmem>> -> memref<128x32xf32, #tpu.memory_space<vmem>>
    %dma_start3A_148 = arith.constant 0 : i32
    %dma_start3A_149 = tpu.memref_slice %arg10[%dma_start3A_143, %dma_start3A_144, %dma_start3A_148] : memref<50x4x128xi32, #tpu.memory_space<vmem>> -> memref<1x1x128xi32, #tpu.memory_space<vmem>>
    %dma_start3A_150 = tpu.memref_squeeze %dma_start3A_149 : memref<1x1x128xi32, #tpu.memory_space<vmem>> -> memref<128xi32, #tpu.memory_space<vmem>>
    %dma_start3A_151 = arith.constant 0 : i32
    %dma_start3A_152 = arith.constant 0 : i32
    %dma_start3A_153 = tpu.memref_slice %arg4[%dma_start3A_151, %dma_start3A_152] : memref<1048576x32xf32, #tpu.memory_space<hbm>> -> memref<1048576x32xf32, #tpu.memory_space<hbm>>
    tpu.enqueue_indirect_dma source(%dma_start3A_153 : memref<1048576x32xf32, #tpu.memory_space<hbm>>) target(%dma_start3A_147 : memref<128x32xf32, #tpu.memory_space<vmem>>) offsets(%dma_start3A_150 : memref<128xi32, #tpu.memory_space<vmem>>) semaphore(%arg16 : memref<!tpu.dma_semaphore, #tpu.memory_space<semaphore_mem>>)
    %dma_start3A_154 = arith.constant 1 : i32
    %dma_start3A_155 = arith.constant 1 : i32
    %dma_start3A_156 = arith.constant 128 : i32
    %dma_start3A_157 = arith.constant 0 : i32
    %dma_start3A_158 = tpu.memref_slice %arg14[%dma_start3A_156, %dma_start3A_157] : memref<512x32xf32, #tpu.memory_space<vmem>> -> memref<128x32xf32, #tpu.memory_space<vmem>>
    %dma_start3A_159 = arith.constant 0 : i32
    %dma_start3A_160 = tpu.memref_slice %arg10[%dma_start3A_154, %dma_start3A_155, %dma_start3A_159] : memref<50x4x128xi32, #tpu.memory_space<vmem>> -> memref<1x1x128xi32, #tpu.memory_space<vmem>>
    %dma_start3A_161 = tpu.memref_squeeze %dma_start3A_160 : memref<1x1x128xi32, #tpu.memory_space<vmem>> -> memref<128xi32, #tpu.memory_space<vmem>>
    %dma_start3A_162 = arith.constant 0 : i32
    %dma_start3A_163 = arith.constant 0 : i32
    %dma_start3A_164 = tpu.memref_slice %arg4[%dma_start3A_162, %dma_start3A_163] : memref<1048576x32xf32, #tpu.memory_space<hbm>> -> memref<1048576x32xf32, #tpu.memory_space<hbm>>
    tpu.enqueue_indirect_dma source(%dma_start3A_164 : memref<1048576x32xf32, #tpu.memory_space<hbm>>) target(%dma_start3A_158 : memref<128x32xf32, #tpu.memory_space<vmem>>) offsets(%dma_start3A_161 : memref<128xi32, #tpu.memory_space<vmem>>) semaphore(%arg16 : memref<!tpu.dma_semaphore, #tpu.memory_space<semaphore_mem>>)
    %dma_start3A_165 = arith.constant 1 : i32
    %dma_start3A_166 = arith.constant 2 : i32
    %dma_start3A_167 = arith.constant 256 : i32
    %dma_start3A_168 = arith.constant 0 : i32
    %dma_start3A_169 = tpu.memref_slice %arg14[%dma_start3A_167, %dma_start3A_168] : memref<512x32xf32, #tpu.memory_space<vmem>> -> memref<128x32xf32, #tpu.memory_space<vmem>>
    %dma_start3A_170 = arith.constant 0 : i32
    %dma_start3A_171 = tpu.memref_slice %arg10[%dma_start3A_165, %dma_start3A_166, %dma_start3A_170] : memref<50x4x128xi32, #tpu.memory_space<vmem>> -> memref<1x1x128xi32, #tpu.memory_space<vmem>>
    %dma_start3A_172 = tpu.memref_squeeze %dma_start3A_171 : memref<1x1x128xi32, #tpu.memory_space<vmem>> -> memref<128xi32, #tpu.memory_space<vmem>>
    %dma_start3A_173 = arith.constant 0 : i32
    %dma_start3A_174 = arith.constant 0 : i32
    %dma_start3A_175 = tpu.memref_slice %arg4[%dma_start3A_173, %dma_start3A_174] : memref<1048576x32xf32, #tpu.memory_space<hbm>> -> memref<1048576x32xf32, #tpu.memory_space<hbm>>
    tpu.enqueue_indirect_dma source(%dma_start3A_175 : memref<1048576x32xf32, #tpu.memory_space<hbm>>) target(%dma_start3A_169 : memref<128x32xf32, #tpu.memory_space<vmem>>) offsets(%dma_start3A_172 : memref<128xi32, #tpu.memory_space<vmem>>) semaphore(%arg16 : memref<!tpu.dma_semaphore, #tpu.memory_space<semaphore_mem>>)
    %dma_start3A_176 = arith.constant 1 : i32
    %dma_start3A_177 = arith.constant 3 : i32
    %dma_start3A_178 = arith.constant 384 : i32
    %dma_start3A_179 = arith.constant 0 : i32
    %dma_start3A_180 = tpu.memref_slice %arg14[%dma_start3A_178, %dma_start3A_179] : memref<512x32xf32, #tpu.memory_space<vmem>> -> memref<128x32xf32, #tpu.memory_space<vmem>>
    %dma_start3A_181 = arith.constant 0 : i32
    %dma_start3A_182 = tpu.memref_slice %arg10[%dma_start3A_176, %dma_start3A_177, %dma_start3A_181] : memref<50x4x128xi32, #tpu.memory_space<vmem>> -> memref<1x1x128xi32, #tpu.memory_space<vmem>>
    %dma_start3A_183 = tpu.memref_squeeze %dma_start3A_182 : memref<1x1x128xi32, #tpu.memory_space<vmem>> -> memref<128xi32, #tpu.memory_space<vmem>>
    %dma_start3A_184 = arith.constant 0 : i32
    %dma_start3A_185 = arith.constant 0 : i32
    %dma_start3A_186 = tpu.memref_slice %arg4[%dma_start3A_184, %dma_start3A_185] : memref<1048576x32xf32, #tpu.memory_space<hbm>> -> memref<1048576x32xf32, #tpu.memory_space<hbm>>
    tpu.enqueue_indirect_dma source(%dma_start3A_186 : memref<1048576x32xf32, #tpu.memory_space<hbm>>) target(%dma_start3A_180 : memref<128x32xf32, #tpu.memory_space<vmem>>) offsets(%dma_start3A_183 : memref<128xi32, #tpu.memory_space<vmem>>) semaphore(%arg16 : memref<!tpu.dma_semaphore, #tpu.memory_space<semaphore_mem>>)
    %scan3A_187 = arith.constant 0 : i32
    %scan3A_188 = arith.constant 1 : i32
    %scan3A_189 = arith.constant 24 : i32
    %scan3A_190 = arith.addi %scan3A_188, %scan3A_189 : i32
    %scan3A_191 = arith.constant 1 : i32
    scf.for %scan3A_384 = %scan3A_188 to %scan3A_190 step %scan3A_191  : i32 {
      %dma_wait3A_385 = arith.constant 0 : i32
      %dma_wait3A_386 = arith.constant 0 : i32
      %dma_wait3A_387 = tpu.memref_slice %arg11[%dma_wait3A_385, %dma_wait3A_386] : memref<512x32xf32, #tpu.memory_space<vmem>> -> memref<128x32xf32, #tpu.memory_space<vmem>>
      %dma_wait3A_388 = arith.constant 0 : i32
      %dma_wait3A_389 = arith.constant 0 : i32
      %dma_wait3A_390 = tpu.memref_slice %arg4[%dma_wait3A_388, %dma_wait3A_389] : memref<1048576x32xf32, #tpu.memory_space<hbm>> -> memref<128x32xf32, #tpu.memory_space<hbm>>
      %dma_wait3A_391 = arith.constant 0 : i32
      %dma_wait3A_392 = arith.constant 0 : i32
      %dma_wait3A_393 = tpu.memref_slice %arg11[%dma_wait3A_391, %dma_wait3A_392] : memref<512x32xf32, #tpu.memory_space<vmem>> -> memref<128x32xf32, #tpu.memory_space<vmem>>
      %dma_wait3A_394 = arith.constant 0 : i32
      %dma_wait3A_395 = arith.constant 0 : i32
      %dma_wait3A_396 = tpu.memref_slice %arg4[%dma_wait3A_394, %dma_wait3A_395] : memref<1048576x32xf32, #tpu.memory_space<hbm>> -> memref<128x32xf32, #tpu.memory_space<hbm>>
      tpu.wait_dma2 semaphore(%arg15 : memref<!tpu.dma_semaphore, #tpu.memory_space<semaphore_mem>>) src(%dma_wait3A_396 : memref<128x32xf32, #tpu.memory_space<hbm>>) dst(%dma_wait3A_393 : memref<128x32xf32, #tpu.memory_space<vmem>>)
      %dma_wait3A_397 = arith.constant 128 : i32
      %dma_wait3A_398 = arith.constant 0 : i32
      %dma_wait3A_399 = tpu.memref_slice %arg11[%dma_wait3A_397, %dma_wait3A_398] : memref<512x32xf32, #tpu.memory_space<vmem>> -> memref<128x32xf32, #tpu.memory_space<vmem>>
      %dma_wait3A_400 = arith.constant 0 : i32
      %dma_wait3A_401 = arith.constant 0 : i32
      %dma_wait3A_402 = tpu.memref_slice %arg4[%dma_wait3A_400, %dma_wait3A_401] : memref<1048576x32xf32, #tpu.memory_space<hbm>> -> memref<128x32xf32, #tpu.memory_space<hbm>>
      %dma_wait3A_403 = arith.constant 128 : i32
      %dma_wait3A_404 = arith.constant 0 : i32
      %dma_wait3A_405 = tpu.memref_slice %arg11[%dma_wait3A_403, %dma_wait3A_404] : memref<512x32xf32, #tpu.memory_space<vmem>> -> memref<128x32xf32, #tpu.memory_space<vmem>>
      %dma_wait3A_406 = arith.constant 0 : i32
      %dma_wait3A_407 = arith.constant 0 : i32
      %dma_wait3A_408 = tpu.memref_slice %arg4[%dma_wait3A_406, %dma_wait3A_407] : memref<1048576x32xf32, #tpu.memory_space<hbm>> -> memref<128x32xf32, #tpu.memory_space<hbm>>
      tpu.wait_dma2 semaphore(%arg15 : memref<!tpu.dma_semaphore, #tpu.memory_space<semaphore_mem>>) src(%dma_wait3A_408 : memref<128x32xf32, #tpu.memory_space<hbm>>) dst(%dma_wait3A_405 : memref<128x32xf32, #tpu.memory_space<vmem>>)
      %dma_wait3A_409 = arith.constant 256 : i32
      %dma_wait3A_410 = arith.constant 0 : i32
      %dma_wait3A_411 = tpu.memref_slice %arg11[%dma_wait3A_409, %dma_wait3A_410] : memref<512x32xf32, #tpu.memory_space<vmem>> -> memref<128x32xf32, #tpu.memory_space<vmem>>
      %dma_wait3A_412 = arith.constant 0 : i32
      %dma_wait3A_413 = arith.constant 0 : i32
      %dma_wait3A_414 = tpu.memref_slice %arg4[%dma_wait3A_412, %dma_wait3A_413] : memref<1048576x32xf32, #tpu.memory_space<hbm>> -> memref<128x32xf32, #tpu.memory_space<hbm>>
      %dma_wait3A_415 = arith.constant 256 : i32
      %dma_wait3A_416 = arith.constant 0 : i32
      %dma_wait3A_417 = tpu.memref_slice %arg11[%dma_wait3A_415, %dma_wait3A_416] : memref<512x32xf32, #tpu.memory_space<vmem>> -> memref<128x32xf32, #tpu.memory_space<vmem>>
      %dma_wait3A_418 = arith.constant 0 : i32
      %dma_wait3A_419 = arith.constant 0 : i32
      %dma_wait3A_420 = tpu.memref_slice %arg4[%dma_wait3A_418, %dma_wait3A_419] : memref<1048576x32xf32, #tpu.memory_space<hbm>> -> memref<128x32xf32, #tpu.memory_space<hbm>>
      tpu.wait_dma2 semaphore(%arg15 : memref<!tpu.dma_semaphore, #tpu.memory_space<semaphore_mem>>) src(%dma_wait3A_420 : memref<128x32xf32, #tpu.memory_space<hbm>>) dst(%dma_wait3A_417 : memref<128x32xf32, #tpu.memory_space<vmem>>)
      %dma_wait3A_421 = arith.constant 384 : i32
      %dma_wait3A_422 = arith.constant 0 : i32
      %dma_wait3A_423 = tpu.memref_slice %arg11[%dma_wait3A_421, %dma_wait3A_422] : memref<512x32xf32, #tpu.memory_space<vmem>> -> memref<128x32xf32, #tpu.memory_space<vmem>>
      %dma_wait3A_424 = arith.constant 0 : i32
      %dma_wait3A_425 = arith.constant 0 : i32
      %dma_wait3A_426 = tpu.memref_slice %arg4[%dma_wait3A_424, %dma_wait3A_425] : memref<1048576x32xf32, #tpu.memory_space<hbm>> -> memref<128x32xf32, #tpu.memory_space<hbm>>
      %dma_wait3A_427 = arith.constant 384 : i32
      %dma_wait3A_428 = arith.constant 0 : i32
      %dma_wait3A_429 = tpu.memref_slice %arg11[%dma_wait3A_427, %dma_wait3A_428] : memref<512x32xf32, #tpu.memory_space<vmem>> -> memref<128x32xf32, #tpu.memory_space<vmem>>
      %dma_wait3A_430 = arith.constant 0 : i32
      %dma_wait3A_431 = arith.constant 0 : i32
      %dma_wait3A_432 = tpu.memref_slice %arg4[%dma_wait3A_430, %dma_wait3A_431] : memref<1048576x32xf32, #tpu.memory_space<hbm>> -> memref<128x32xf32, #tpu.memory_space<hbm>>
      tpu.wait_dma2 semaphore(%arg15 : memref<!tpu.dma_semaphore, #tpu.memory_space<semaphore_mem>>) src(%dma_wait3A_432 : memref<128x32xf32, #tpu.memory_space<hbm>>) dst(%dma_wait3A_429 : memref<128x32xf32, #tpu.memory_space<vmem>>)
      %dma_wait3A_433 = arith.constant 0 : i32
      %dma_wait3A_434 = arith.constant 0 : i32
      %dma_wait3A_435 = tpu.memref_slice %arg13[%dma_wait3A_433, %dma_wait3A_434] : memref<512x32xf32, #tpu.memory_space<vmem>> -> memref<128x32xf32, #tpu.memory_space<vmem>>
      %dma_wait3A_436 = arith.constant 0 : i32
      %dma_wait3A_437 = arith.constant 0 : i32
      %dma_wait3A_438 = tpu.memref_slice %arg4[%dma_wait3A_436, %dma_wait3A_437] : memref<1048576x32xf32, #tpu.memory_space<hbm>> -> memref<128x32xf32, #tpu.memory_space<hbm>>
      %dma_wait3A_439 = arith.constant 0 : i32
      %dma_wait3A_440 = arith.constant 0 : i32
      %dma_wait3A_441 = tpu.memref_slice %arg13[%dma_wait3A_439, %dma_wait3A_440] : memref<512x32xf32, #tpu.memory_space<vmem>> -> memref<128x32xf32, #tpu.memory_space<vmem>>
      %dma_wait3A_442 = arith.constant 0 : i32
      %dma_wait3A_443 = arith.constant 0 : i32
      %dma_wait3A_444 = tpu.memref_slice %arg4[%dma_wait3A_442, %dma_wait3A_443] : memref<1048576x32xf32, #tpu.memory_space<hbm>> -> memref<128x32xf32, #tpu.memory_space<hbm>>
      tpu.wait_dma2 semaphore(%arg15 : memref<!tpu.dma_semaphore, #tpu.memory_space<semaphore_mem>>) src(%dma_wait3A_444 : memref<128x32xf32, #tpu.memory_space<hbm>>) dst(%dma_wait3A_441 : memref<128x32xf32, #tpu.memory_space<vmem>>)
      %dma_wait3A_445 = arith.constant 128 : i32
      %dma_wait3A_446 = arith.constant 0 : i32
      %dma_wait3A_447 = tpu.memref_slice %arg13[%dma_wait3A_445, %dma_wait3A_446] : memref<512x32xf32, #tpu.memory_space<vmem>> -> memref<128x32xf32, #tpu.memory_space<vmem>>
      %dma_wait3A_448 = arith.constant 0 : i32
      %dma_wait3A_449 = arith.constant 0 : i32
      %dma_wait3A_450 = tpu.memref_slice %arg4[%dma_wait3A_448, %dma_wait3A_449] : memref<1048576x32xf32, #tpu.memory_space<hbm>> -> memref<128x32xf32, #tpu.memory_space<hbm>>
      %dma_wait3A_451 = arith.constant 128 : i32
      %dma_wait3A_452 = arith.constant 0 : i32
      %dma_wait3A_453 = tpu.memref_slice %arg13[%dma_wait3A_451, %dma_wait3A_452] : memref<512x32xf32, #tpu.memory_space<vmem>> -> memref<128x32xf32, #tpu.memory_space<vmem>>
      %dma_wait3A_454 = arith.constant 0 : i32
      %dma_wait3A_455 = arith.constant 0 : i32
      %dma_wait3A_456 = tpu.memref_slice %arg4[%dma_wait3A_454, %dma_wait3A_455] : memref<1048576x32xf32, #tpu.memory_space<hbm>> -> memref<128x32xf32, #tpu.memory_space<hbm>>
      tpu.wait_dma2 semaphore(%arg15 : memref<!tpu.dma_semaphore, #tpu.memory_space<semaphore_mem>>) src(%dma_wait3A_456 : memref<128x32xf32, #tpu.memory_space<hbm>>) dst(%dma_wait3A_453 : memref<128x32xf32, #tpu.memory_space<vmem>>)
      %dma_wait3A_457 = arith.constant 256 : i32
      %dma_wait3A_458 = arith.constant 0 : i32
      %dma_wait3A_459 = tpu.memref_slice %arg13[%dma_wait3A_457, %dma_wait3A_458] : memref<512x32xf32, #tpu.memory_space<vmem>> -> memref<128x32xf32, #tpu.memory_space<vmem>>
      %dma_wait3A_460 = arith.constant 0 : i32
      %dma_wait3A_461 = arith.constant 0 : i32
      %dma_wait3A_462 = tpu.memref_slice %arg4[%dma_wait3A_460, %dma_wait3A_461] : memref<1048576x32xf32, #tpu.memory_space<hbm>> -> memref<128x32xf32, #tpu.memory_space<hbm>>
      %dma_wait3A_463 = arith.constant 256 : i32
      %dma_wait3A_464 = arith.constant 0 : i32
      %dma_wait3A_465 = tpu.memref_slice %arg13[%dma_wait3A_463, %dma_wait3A_464] : memref<512x32xf32, #tpu.memory_space<vmem>> -> memref<128x32xf32, #tpu.memory_space<vmem>>
      %dma_wait3A_466 = arith.constant 0 : i32
      %dma_wait3A_467 = arith.constant 0 : i32
      %dma_wait3A_468 = tpu.memref_slice %arg4[%dma_wait3A_466, %dma_wait3A_467] : memref<1048576x32xf32, #tpu.memory_space<hbm>> -> memref<128x32xf32, #tpu.memory_space<hbm>>
      tpu.wait_dma2 semaphore(%arg15 : memref<!tpu.dma_semaphore, #tpu.memory_space<semaphore_mem>>) src(%dma_wait3A_468 : memref<128x32xf32, #tpu.memory_space<hbm>>) dst(%dma_wait3A_465 : memref<128x32xf32, #tpu.memory_space<vmem>>)
      %dma_wait3A_469 = arith.constant 384 : i32
      %dma_wait3A_470 = arith.constant 0 : i32
      %dma_wait3A_471 = tpu.memref_slice %arg13[%dma_wait3A_469, %dma_wait3A_470] : memref<512x32xf32, #tpu.memory_space<vmem>> -> memref<128x32xf32, #tpu.memory_space<vmem>>
      %dma_wait3A_472 = arith.constant 0 : i32
      %dma_wait3A_473 = arith.constant 0 : i32
      %dma_wait3A_474 = tpu.memref_slice %arg4[%dma_wait3A_472, %dma_wait3A_473] : memref<1048576x32xf32, #tpu.memory_space<hbm>> -> memref<128x32xf32, #tpu.memory_space<hbm>>
      %dma_wait3A_475 = arith.constant 384 : i32
      %dma_wait3A_476 = arith.constant 0 : i32
      %dma_wait3A_477 = tpu.memref_slice %arg13[%dma_wait3A_475, %dma_wait3A_476] : memref<512x32xf32, #tpu.memory_space<vmem>> -> memref<128x32xf32, #tpu.memory_space<vmem>>
      %dma_wait3A_478 = arith.constant 0 : i32
      %dma_wait3A_479 = arith.constant 0 : i32
      %dma_wait3A_480 = tpu.memref_slice %arg4[%dma_wait3A_478, %dma_wait3A_479] : memref<1048576x32xf32, #tpu.memory_space<hbm>> -> memref<128x32xf32, #tpu.memory_space<hbm>>
      tpu.wait_dma2 semaphore(%arg15 : memref<!tpu.dma_semaphore, #tpu.memory_space<semaphore_mem>>) src(%dma_wait3A_480 : memref<128x32xf32, #tpu.memory_space<hbm>>) dst(%dma_wait3A_477 : memref<128x32xf32, #tpu.memory_space<vmem>>)
      %mul3A_481 = arith.constant 2 : i32
      %mul3A_482 = arith.muli %mul3A_481, %scan3A_384 : i32
      %dma_start3A_483 = arith.constant 0 : i32
      %dma_start3A_484 = arith.constant 0 : i32
      %dma_start3A_485 = arith.constant 0 : i32
      %dma_start3A_486 = tpu.memref_slice %arg11[%dma_start3A_484, %dma_start3A_485] : memref<512x32xf32, #tpu.memory_space<vmem>> -> memref<128x32xf32, #tpu.memory_space<vmem>>
      %dma_start3A_487 = arith.constant 0 : i32
      %dma_start3A_488 = tpu.memref_slice %arg9[%mul3A_482, %dma_start3A_483, %dma_start3A_487] : memref<50x4x128xi32, #tpu.memory_space<vmem>> -> memref<1x1x128xi32, #tpu.memory_space<vmem>>
      %dma_start3A_489 = tpu.memref_squeeze %dma_start3A_488 : memref<1x1x128xi32, #tpu.memory_space<vmem>> -> memref<128xi32, #tpu.memory_space<vmem>>
      %dma_start3A_490 = arith.constant 0 : i32
      %dma_start3A_491 = arith.constant 0 : i32
      %dma_start3A_492 = tpu.memref_slice %arg4[%dma_start3A_490, %dma_start3A_491] : memref<1048576x32xf32, #tpu.memory_space<hbm>> -> memref<1048576x32xf32, #tpu.memory_space<hbm>>
      tpu.enqueue_indirect_dma source(%dma_start3A_492 : memref<1048576x32xf32, #tpu.memory_space<hbm>>) target(%dma_start3A_486 : memref<128x32xf32, #tpu.memory_space<vmem>>) offsets(%dma_start3A_489 : memref<128xi32, #tpu.memory_space<vmem>>) semaphore(%arg15 : memref<!tpu.dma_semaphore, #tpu.memory_space<semaphore_mem>>) {add = true}
      %dma_start3A_493 = arith.constant 1 : i32
      %dma_start3A_494 = arith.constant 128 : i32
      %dma_start3A_495 = arith.constant 0 : i32
      %dma_start3A_496 = tpu.memref_slice %arg11[%dma_start3A_494, %dma_start3A_495] : memref<512x32xf32, #tpu.memory_space<vmem>> -> memref<128x32xf32, #tpu.memory_space<vmem>>
      %dma_start3A_497 = arith.constant 0 : i32
      %dma_start3A_498 = tpu.memref_slice %arg9[%mul3A_482, %dma_start3A_493, %dma_start3A_497] : memref<50x4x128xi32, #tpu.memory_space<vmem>> -> memref<1x1x128xi32, #tpu.memory_space<vmem>>
      %dma_start3A_499 = tpu.memref_squeeze %dma_start3A_498 : memref<1x1x128xi32, #tpu.memory_space<vmem>> -> memref<128xi32, #tpu.memory_space<vmem>>
      %dma_start3A_500 = arith.constant 0 : i32
      %dma_start3A_501 = arith.constant 0 : i32
      %dma_start3A_502 = tpu.memref_slice %arg4[%dma_start3A_500, %dma_start3A_501] : memref<1048576x32xf32, #tpu.memory_space<hbm>> -> memref<1048576x32xf32, #tpu.memory_space<hbm>>
      tpu.enqueue_indirect_dma source(%dma_start3A_502 : memref<1048576x32xf32, #tpu.memory_space<hbm>>) target(%dma_start3A_496 : memref<128x32xf32, #tpu.memory_space<vmem>>) offsets(%dma_start3A_499 : memref<128xi32, #tpu.memory_space<vmem>>) semaphore(%arg15 : memref<!tpu.dma_semaphore, #tpu.memory_space<semaphore_mem>>) {add = true}
      %dma_start3A_503 = arith.constant 2 : i32
      %dma_start3A_504 = arith.constant 256 : i32
      %dma_start3A_505 = arith.constant 0 : i32
      %dma_start3A_506 = tpu.memref_slice %arg11[%dma_start3A_504, %dma_start3A_505] : memref<512x32xf32, #tpu.memory_space<vmem>> -> memref<128x32xf32, #tpu.memory_space<vmem>>
      %dma_start3A_507 = arith.constant 0 : i32
      %dma_start3A_508 = tpu.memref_slice %arg9[%mul3A_482, %dma_start3A_503, %dma_start3A_507] : memref<50x4x128xi32, #tpu.memory_space<vmem>> -> memref<1x1x128xi32, #tpu.memory_space<vmem>>
      %dma_start3A_509 = tpu.memref_squeeze %dma_start3A_508 : memref<1x1x128xi32, #tpu.memory_space<vmem>> -> memref<128xi32, #tpu.memory_space<vmem>>
      %dma_start3A_510 = arith.constant 0 : i32
      %dma_start3A_511 = arith.constant 0 : i32
      %dma_start3A_512 = tpu.memref_slice %arg4[%dma_start3A_510, %dma_start3A_511] : memref<1048576x32xf32, #tpu.memory_space<hbm>> -> memref<1048576x32xf32, #tpu.memory_space<hbm>>
      tpu.enqueue_indirect_dma source(%dma_start3A_512 : memref<1048576x32xf32, #tpu.memory_space<hbm>>) target(%dma_start3A_506 : memref<128x32xf32, #tpu.memory_space<vmem>>) offsets(%dma_start3A_509 : memref<128xi32, #tpu.memory_space<vmem>>) semaphore(%arg15 : memref<!tpu.dma_semaphore, #tpu.memory_space<semaphore_mem>>) {add = true}
      %dma_start3A_513 = arith.constant 3 : i32
      %dma_start3A_514 = arith.constant 384 : i32
      %dma_start3A_515 = arith.constant 0 : i32
      %dma_start3A_516 = tpu.memref_slice %arg11[%dma_start3A_514, %dma_start3A_515] : memref<512x32xf32, #tpu.memory_space<vmem>> -> memref<128x32xf32, #tpu.memory_space<vmem>>
      %dma_start3A_517 = arith.constant 0 : i32
      %dma_start3A_518 = tpu.memref_slice %arg9[%mul3A_482, %dma_start3A_513, %dma_start3A_517] : memref<50x4x128xi32, #tpu.memory_space<vmem>> -> memref<1x1x128xi32, #tpu.memory_space<vmem>>
      %dma_start3A_519 = tpu.memref_squeeze %dma_start3A_518 : memref<1x1x128xi32, #tpu.memory_space<vmem>> -> memref<128xi32, #tpu.memory_space<vmem>>
      %dma_start3A_520 = arith.constant 0 : i32
      %dma_start3A_521 = arith.constant 0 : i32
      %dma_start3A_522 = tpu.memref_slice %arg4[%dma_start3A_520, %dma_start3A_521] : memref<1048576x32xf32, #tpu.memory_space<hbm>> -> memref<1048576x32xf32, #tpu.memory_space<hbm>>
      tpu.enqueue_indirect_dma source(%dma_start3A_522 : memref<1048576x32xf32, #tpu.memory_space<hbm>>) target(%dma_start3A_516 : memref<128x32xf32, #tpu.memory_space<vmem>>) offsets(%dma_start3A_519 : memref<128xi32, #tpu.memory_space<vmem>>) semaphore(%arg15 : memref<!tpu.dma_semaphore, #tpu.memory_space<semaphore_mem>>) {add = true}
      %dma_start3A_523 = arith.constant 0 : i32
      %dma_start3A_524 = arith.constant 0 : i32
      %dma_start3A_525 = arith.constant 0 : i32
      %dma_start3A_526 = tpu.memref_slice %arg13[%dma_start3A_524, %dma_start3A_525] : memref<512x32xf32, #tpu.memory_space<vmem>> -> memref<128x32xf32, #tpu.memory_space<vmem>>
      %dma_start3A_527 = arith.constant 0 : i32
      %dma_start3A_528 = tpu.memref_slice %arg10[%mul3A_482, %dma_start3A_523, %dma_start3A_527] : memref<50x4x128xi32, #tpu.memory_space<vmem>> -> memref<1x1x128xi32, #tpu.memory_space<vmem>>
      %dma_start3A_529 = tpu.memref_squeeze %dma_start3A_528 : memref<1x1x128xi32, #tpu.memory_space<vmem>> -> memref<128xi32, #tpu.memory_space<vmem>>
      %dma_start3A_530 = arith.constant 0 : i32
      %dma_start3A_531 = arith.constant 0 : i32
      %dma_start3A_532 = tpu.memref_slice %arg4[%dma_start3A_530, %dma_start3A_531] : memref<1048576x32xf32, #tpu.memory_space<hbm>> -> memref<1048576x32xf32, #tpu.memory_space<hbm>>
      tpu.enqueue_indirect_dma source(%dma_start3A_532 : memref<1048576x32xf32, #tpu.memory_space<hbm>>) target(%dma_start3A_526 : memref<128x32xf32, #tpu.memory_space<vmem>>) offsets(%dma_start3A_529 : memref<128xi32, #tpu.memory_space<vmem>>) semaphore(%arg15 : memref<!tpu.dma_semaphore, #tpu.memory_space<semaphore_mem>>) {add = true}
      %dma_start3A_533 = arith.constant 1 : i32
      %dma_start3A_534 = arith.constant 128 : i32
      %dma_start3A_535 = arith.constant 0 : i32
      %dma_start3A_536 = tpu.memref_slice %arg13[%dma_start3A_534, %dma_start3A_535] : memref<512x32xf32, #tpu.memory_space<vmem>> -> memref<128x32xf32, #tpu.memory_space<vmem>>
      %dma_start3A_537 = arith.constant 0 : i32
      %dma_start3A_538 = tpu.memref_slice %arg10[%mul3A_482, %dma_start3A_533, %dma_start3A_537] : memref<50x4x128xi32, #tpu.memory_space<vmem>> -> memref<1x1x128xi32, #tpu.memory_space<vmem>>
      %dma_start3A_539 = tpu.memref_squeeze %dma_start3A_538 : memref<1x1x128xi32, #tpu.memory_space<vmem>> -> memref<128xi32, #tpu.memory_space<vmem>>
      %dma_start3A_540 = arith.constant 0 : i32
      %dma_start3A_541 = arith.constant 0 : i32
      %dma_start3A_542 = tpu.memref_slice %arg4[%dma_start3A_540, %dma_start3A_541] : memref<1048576x32xf32, #tpu.memory_space<hbm>> -> memref<1048576x32xf32, #tpu.memory_space<hbm>>
      tpu.enqueue_indirect_dma source(%dma_start3A_542 : memref<1048576x32xf32, #tpu.memory_space<hbm>>) target(%dma_start3A_536 : memref<128x32xf32, #tpu.memory_space<vmem>>) offsets(%dma_start3A_539 : memref<128xi32, #tpu.memory_space<vmem>>) semaphore(%arg15 : memref<!tpu.dma_semaphore, #tpu.memory_space<semaphore_mem>>) {add = true}
      %dma_start3A_543 = arith.constant 2 : i32
      %dma_start3A_544 = arith.constant 256 : i32
      %dma_start3A_545 = arith.constant 0 : i32
      %dma_start3A_546 = tpu.memref_slice %arg13[%dma_start3A_544, %dma_start3A_545] : memref<512x32xf32, #tpu.memory_space<vmem>> -> memref<128x32xf32, #tpu.memory_space<vmem>>
      %dma_start3A_547 = arith.constant 0 : i32
      %dma_start3A_548 = tpu.memref_slice %arg10[%mul3A_482, %dma_start3A_543, %dma_start3A_547] : memref<50x4x128xi32, #tpu.memory_space<vmem>> -> memref<1x1x128xi32, #tpu.memory_space<vmem>>
      %dma_start3A_549 = tpu.memref_squeeze %dma_start3A_548 : memref<1x1x128xi32, #tpu.memory_space<vmem>> -> memref<128xi32, #tpu.memory_space<vmem>>
      %dma_start3A_550 = arith.constant 0 : i32
      %dma_start3A_551 = arith.constant 0 : i32
      %dma_start3A_552 = tpu.memref_slice %arg4[%dma_start3A_550, %dma_start3A_551] : memref<1048576x32xf32, #tpu.memory_space<hbm>> -> memref<1048576x32xf32, #tpu.memory_space<hbm>>
      tpu.enqueue_indirect_dma source(%dma_start3A_552 : memref<1048576x32xf32, #tpu.memory_space<hbm>>) target(%dma_start3A_546 : memref<128x32xf32, #tpu.memory_space<vmem>>) offsets(%dma_start3A_549 : memref<128xi32, #tpu.memory_space<vmem>>) semaphore(%arg15 : memref<!tpu.dma_semaphore, #tpu.memory_space<semaphore_mem>>) {add = true}
      %dma_start3A_553 = arith.constant 3 : i32
      %dma_start3A_554 = arith.constant 384 : i32
      %dma_start3A_555 = arith.constant 0 : i32
      %dma_start3A_556 = tpu.memref_slice %arg13[%dma_start3A_554, %dma_start3A_555] : memref<512x32xf32, #tpu.memory_space<vmem>> -> memref<128x32xf32, #tpu.memory_space<vmem>>
      %dma_start3A_557 = arith.constant 0 : i32
      %dma_start3A_558 = tpu.memref_slice %arg10[%mul3A_482, %dma_start3A_553, %dma_start3A_557] : memref<50x4x128xi32, #tpu.memory_space<vmem>> -> memref<1x1x128xi32, #tpu.memory_space<vmem>>
      %dma_start3A_559 = tpu.memref_squeeze %dma_start3A_558 : memref<1x1x128xi32, #tpu.memory_space<vmem>> -> memref<128xi32, #tpu.memory_space<vmem>>
      %dma_start3A_560 = arith.constant 0 : i32
      %dma_start3A_561 = arith.constant 0 : i32
      %dma_start3A_562 = tpu.memref_slice %arg4[%dma_start3A_560, %dma_start3A_561] : memref<1048576x32xf32, #tpu.memory_space<hbm>> -> memref<1048576x32xf32, #tpu.memory_space<hbm>>
      tpu.enqueue_indirect_dma source(%dma_start3A_562 : memref<1048576x32xf32, #tpu.memory_space<hbm>>) target(%dma_start3A_556 : memref<128x32xf32, #tpu.memory_space<vmem>>) offsets(%dma_start3A_559 : memref<128xi32, #tpu.memory_space<vmem>>) semaphore(%arg15 : memref<!tpu.dma_semaphore, #tpu.memory_space<semaphore_mem>>) {add = true}
      %dma_wait3A_563 = arith.constant 0 : i32
      %dma_wait3A_564 = arith.constant 0 : i32
      %dma_wait3A_565 = tpu.memref_slice %arg12[%dma_wait3A_563, %dma_wait3A_564] : memref<512x32xf32, #tpu.memory_space<vmem>> -> memref<128x32xf32, #tpu.memory_space<vmem>>
      %dma_wait3A_566 = arith.constant 0 : i32
      %dma_wait3A_567 = arith.constant 0 : i32
      %dma_wait3A_568 = tpu.memref_slice %arg4[%dma_wait3A_566, %dma_wait3A_567] : memref<1048576x32xf32, #tpu.memory_space<hbm>> -> memref<128x32xf32, #tpu.memory_space<hbm>>
      %dma_wait3A_569 = arith.constant 0 : i32
      %dma_wait3A_570 = arith.constant 0 : i32
      %dma_wait3A_571 = tpu.memref_slice %arg12[%dma_wait3A_569, %dma_wait3A_570] : memref<512x32xf32, #tpu.memory_space<vmem>> -> memref<128x32xf32, #tpu.memory_space<vmem>>
      %dma_wait3A_572 = arith.constant 0 : i32
      %dma_wait3A_573 = arith.constant 0 : i32
      %dma_wait3A_574 = tpu.memref_slice %arg4[%dma_wait3A_572, %dma_wait3A_573] : memref<1048576x32xf32, #tpu.memory_space<hbm>> -> memref<128x32xf32, #tpu.memory_space<hbm>>
      tpu.wait_dma2 semaphore(%arg16 : memref<!tpu.dma_semaphore, #tpu.memory_space<semaphore_mem>>) src(%dma_wait3A_574 : memref<128x32xf32, #tpu.memory_space<hbm>>) dst(%dma_wait3A_571 : memref<128x32xf32, #tpu.memory_space<vmem>>)
      %dma_wait3A_575 = arith.constant 128 : i32
      %dma_wait3A_576 = arith.constant 0 : i32
      %dma_wait3A_577 = tpu.memref_slice %arg12[%dma_wait3A_575, %dma_wait3A_576] : memref<512x32xf32, #tpu.memory_space<vmem>> -> memref<128x32xf32, #tpu.memory_space<vmem>>
      %dma_wait3A_578 = arith.constant 0 : i32
      %dma_wait3A_579 = arith.constant 0 : i32
      %dma_wait3A_580 = tpu.memref_slice %arg4[%dma_wait3A_578, %dma_wait3A_579] : memref<1048576x32xf32, #tpu.memory_space<hbm>> -> memref<128x32xf32, #tpu.memory_space<hbm>>
      %dma_wait3A_581 = arith.constant 128 : i32
      %dma_wait3A_582 = arith.constant 0 : i32
      %dma_wait3A_583 = tpu.memref_slice %arg12[%dma_wait3A_581, %dma_wait3A_582] : memref<512x32xf32, #tpu.memory_space<vmem>> -> memref<128x32xf32, #tpu.memory_space<vmem>>
      %dma_wait3A_584 = arith.constant 0 : i32
      %dma_wait3A_585 = arith.constant 0 : i32
      %dma_wait3A_586 = tpu.memref_slice %arg4[%dma_wait3A_584, %dma_wait3A_585] : memref<1048576x32xf32, #tpu.memory_space<hbm>> -> memref<128x32xf32, #tpu.memory_space<hbm>>
      tpu.wait_dma2 semaphore(%arg16 : memref<!tpu.dma_semaphore, #tpu.memory_space<semaphore_mem>>) src(%dma_wait3A_586 : memref<128x32xf32, #tpu.memory_space<hbm>>) dst(%dma_wait3A_583 : memref<128x32xf32, #tpu.memory_space<vmem>>)
      %dma_wait3A_587 = arith.constant 256 : i32
      %dma_wait3A_588 = arith.constant 0 : i32
      %dma_wait3A_589 = tpu.memref_slice %arg12[%dma_wait3A_587, %dma_wait3A_588] : memref<512x32xf32, #tpu.memory_space<vmem>> -> memref<128x32xf32, #tpu.memory_space<vmem>>
      %dma_wait3A_590 = arith.constant 0 : i32
      %dma_wait3A_591 = arith.constant 0 : i32
      %dma_wait3A_592 = tpu.memref_slice %arg4[%dma_wait3A_590, %dma_wait3A_591] : memref<1048576x32xf32, #tpu.memory_space<hbm>> -> memref<128x32xf32, #tpu.memory_space<hbm>>
      %dma_wait3A_593 = arith.constant 256 : i32
      %dma_wait3A_594 = arith.constant 0 : i32
      %dma_wait3A_595 = tpu.memref_slice %arg12[%dma_wait3A_593, %dma_wait3A_594] : memref<512x32xf32, #tpu.memory_space<vmem>> -> memref<128x32xf32, #tpu.memory_space<vmem>>
      %dma_wait3A_596 = arith.constant 0 : i32
      %dma_wait3A_597 = arith.constant 0 : i32
      %dma_wait3A_598 = tpu.memref_slice %arg4[%dma_wait3A_596, %dma_wait3A_597] : memref<1048576x32xf32, #tpu.memory_space<hbm>> -> memref<128x32xf32, #tpu.memory_space<hbm>>
      tpu.wait_dma2 semaphore(%arg16 : memref<!tpu.dma_semaphore, #tpu.memory_space<semaphore_mem>>) src(%dma_wait3A_598 : memref<128x32xf32, #tpu.memory_space<hbm>>) dst(%dma_wait3A_595 : memref<128x32xf32, #tpu.memory_space<vmem>>)
      %dma_wait3A_599 = arith.constant 384 : i32
      %dma_wait3A_600 = arith.constant 0 : i32
      %dma_wait3A_601 = tpu.memref_slice %arg12[%dma_wait3A_599, %dma_wait3A_600] : memref<512x32xf32, #tpu.memory_space<vmem>> -> memref<128x32xf32, #tpu.memory_space<vmem>>
      %dma_wait3A_602 = arith.constant 0 : i32
      %dma_wait3A_603 = arith.constant 0 : i32
      %dma_wait3A_604 = tpu.memref_slice %arg4[%dma_wait3A_602, %dma_wait3A_603] : memref<1048576x32xf32, #tpu.memory_space<hbm>> -> memref<128x32xf32, #tpu.memory_space<hbm>>
      %dma_wait3A_605 = arith.constant 384 : i32
      %dma_wait3A_606 = arith.constant 0 : i32
      %dma_wait3A_607 = tpu.memref_slice %arg12[%dma_wait3A_605, %dma_wait3A_606] : memref<512x32xf32, #tpu.memory_space<vmem>> -> memref<128x32xf32, #tpu.memory_space<vmem>>
      %dma_wait3A_608 = arith.constant 0 : i32
      %dma_wait3A_609 = arith.constant 0 : i32
      %dma_wait3A_610 = tpu.memref_slice %arg4[%dma_wait3A_608, %dma_wait3A_609] : memref<1048576x32xf32, #tpu.memory_space<hbm>> -> memref<128x32xf32, #tpu.memory_space<hbm>>
      tpu.wait_dma2 semaphore(%arg16 : memref<!tpu.dma_semaphore, #tpu.memory_space<semaphore_mem>>) src(%dma_wait3A_610 : memref<128x32xf32, #tpu.memory_space<hbm>>) dst(%dma_wait3A_607 : memref<128x32xf32, #tpu.memory_space<vmem>>)
      %dma_wait3A_611 = arith.constant 0 : i32
      %dma_wait3A_612 = arith.constant 0 : i32
      %dma_wait3A_613 = tpu.memref_slice %arg14[%dma_wait3A_611, %dma_wait3A_612] : memref<512x32xf32, #tpu.memory_space<vmem>> -> memref<128x32xf32, #tpu.memory_space<vmem>>
      %dma_wait3A_614 = arith.constant 0 : i32
      %dma_wait3A_615 = arith.constant 0 : i32
      %dma_wait3A_616 = tpu.memref_slice %arg4[%dma_wait3A_614, %dma_wait3A_615] : memref<1048576x32xf32, #tpu.memory_space<hbm>> -> memref<128x32xf32, #tpu.memory_space<hbm>>
      %dma_wait3A_617 = arith.constant 0 : i32
      %dma_wait3A_618 = arith.constant 0 : i32
      %dma_wait3A_619 = tpu.memref_slice %arg14[%dma_wait3A_617, %dma_wait3A_618] : memref<512x32xf32, #tpu.memory_space<vmem>> -> memref<128x32xf32, #tpu.memory_space<vmem>>
      %dma_wait3A_620 = arith.constant 0 : i32
      %dma_wait3A_621 = arith.constant 0 : i32
      %dma_wait3A_622 = tpu.memref_slice %arg4[%dma_wait3A_620, %dma_wait3A_621] : memref<1048576x32xf32, #tpu.memory_space<hbm>> -> memref<128x32xf32, #tpu.memory_space<hbm>>
      tpu.wait_dma2 semaphore(%arg16 : memref<!tpu.dma_semaphore, #tpu.memory_space<semaphore_mem>>) src(%dma_wait3A_622 : memref<128x32xf32, #tpu.memory_space<hbm>>) dst(%dma_wait3A_619 : memref<128x32xf32, #tpu.memory_space<vmem>>)
      %dma_wait3A_623 = arith.constant 128 : i32
      %dma_wait3A_624 = arith.constant 0 : i32
      %dma_wait3A_625 = tpu.memref_slice %arg14[%dma_wait3A_623, %dma_wait3A_624] : memref<512x32xf32, #tpu.memory_space<vmem>> -> memref<128x32xf32, #tpu.memory_space<vmem>>
      %dma_wait3A_626 = arith.constant 0 : i32
      %dma_wait3A_627 = arith.constant 0 : i32
      %dma_wait3A_628 = tpu.memref_slice %arg4[%dma_wait3A_626, %dma_wait3A_627] : memref<1048576x32xf32, #tpu.memory_space<hbm>> -> memref<128x32xf32, #tpu.memory_space<hbm>>
      %dma_wait3A_629 = arith.constant 128 : i32
      %dma_wait3A_630 = arith.constant 0 : i32
      %dma_wait3A_631 = tpu.memref_slice %arg14[%dma_wait3A_629, %dma_wait3A_630] : memref<512x32xf32, #tpu.memory_space<vmem>> -> memref<128x32xf32, #tpu.memory_space<vmem>>
      %dma_wait3A_632 = arith.constant 0 : i32
      %dma_wait3A_633 = arith.constant 0 : i32
      %dma_wait3A_634 = tpu.memref_slice %arg4[%dma_wait3A_632, %dma_wait3A_633] : memref<1048576x32xf32, #tpu.memory_space<hbm>> -> memref<128x32xf32, #tpu.memory_space<hbm>>
      tpu.wait_dma2 semaphore(%arg16 : memref<!tpu.dma_semaphore, #tpu.memory_space<semaphore_mem>>) src(%dma_wait3A_634 : memref<128x32xf32, #tpu.memory_space<hbm>>) dst(%dma_wait3A_631 : memref<128x32xf32, #tpu.memory_space<vmem>>)
      %dma_wait3A_635 = arith.constant 256 : i32
      %dma_wait3A_636 = arith.constant 0 : i32
      %dma_wait3A_637 = tpu.memref_slice %arg14[%dma_wait3A_635, %dma_wait3A_636] : memref<512x32xf32, #tpu.memory_space<vmem>> -> memref<128x32xf32, #tpu.memory_space<vmem>>
      %dma_wait3A_638 = arith.constant 0 : i32
      %dma_wait3A_639 = arith.constant 0 : i32
      %dma_wait3A_640 = tpu.memref_slice %arg4[%dma_wait3A_638, %dma_wait3A_639] : memref<1048576x32xf32, #tpu.memory_space<hbm>> -> memref<128x32xf32, #tpu.memory_space<hbm>>
      %dma_wait3A_641 = arith.constant 256 : i32
      %dma_wait3A_642 = arith.constant 0 : i32
      %dma_wait3A_643 = tpu.memref_slice %arg14[%dma_wait3A_641, %dma_wait3A_642] : memref<512x32xf32, #tpu.memory_space<vmem>> -> memref<128x32xf32, #tpu.memory_space<vmem>>
      %dma_wait3A_644 = arith.constant 0 : i32
      %dma_wait3A_645 = arith.constant 0 : i32
      %dma_wait3A_646 = tpu.memref_slice %arg4[%dma_wait3A_644, %dma_wait3A_645] : memref<1048576x32xf32, #tpu.memory_space<hbm>> -> memref<128x32xf32, #tpu.memory_space<hbm>>
      tpu.wait_dma2 semaphore(%arg16 : memref<!tpu.dma_semaphore, #tpu.memory_space<semaphore_mem>>) src(%dma_wait3A_646 : memref<128x32xf32, #tpu.memory_space<hbm>>) dst(%dma_wait3A_643 : memref<128x32xf32, #tpu.memory_space<vmem>>)
      %dma_wait3A_647 = arith.constant 384 : i32
      %dma_wait3A_648 = arith.constant 0 : i32
      %dma_wait3A_649 = tpu.memref_slice %arg14[%dma_wait3A_647, %dma_wait3A_648] : memref<512x32xf32, #tpu.memory_space<vmem>> -> memref<128x32xf32, #tpu.memory_space<vmem>>
      %dma_wait3A_650 = arith.constant 0 : i32
      %dma_wait3A_651 = arith.constant 0 : i32
      %dma_wait3A_652 = tpu.memref_slice %arg4[%dma_wait3A_650, %dma_wait3A_651] : memref<1048576x32xf32, #tpu.memory_space<hbm>> -> memref<128x32xf32, #tpu.memory_space<hbm>>
      %dma_wait3A_653 = arith.constant 384 : i32
      %dma_wait3A_654 = arith.constant 0 : i32
      %dma_wait3A_655 = tpu.memref_slice %arg14[%dma_wait3A_653, %dma_wait3A_654] : memref<512x32xf32, #tpu.memory_space<vmem>> -> memref<128x32xf32, #tpu.memory_space<vmem>>
      %dma_wait3A_656 = arith.constant 0 : i32
      %dma_wait3A_657 = arith.constant 0 : i32
      %dma_wait3A_658 = tpu.memref_slice %arg4[%dma_wait3A_656, %dma_wait3A_657] : memref<1048576x32xf32, #tpu.memory_space<hbm>> -> memref<128x32xf32, #tpu.memory_space<hbm>>
      tpu.wait_dma2 semaphore(%arg16 : memref<!tpu.dma_semaphore, #tpu.memory_space<semaphore_mem>>) src(%dma_wait3A_658 : memref<128x32xf32, #tpu.memory_space<hbm>>) dst(%dma_wait3A_655 : memref<128x32xf32, #tpu.memory_space<vmem>>)
      %mul3A_659 = arith.constant 2 : i32
      %mul3A_660 = arith.muli %mul3A_659, %scan3A_384 : i32
      %add3A_661 = arith.constant 1 : i32
      %add3A_662 = arith.addi %mul3A_660, %add3A_661 : i32
      %dma_start3A_663 = arith.constant 0 : i32
      %dma_start3A_664 = arith.constant 0 : i32
      %dma_start3A_665 = arith.constant 0 : i32
      %dma_start3A_666 = tpu.memref_slice %arg12[%dma_start3A_664, %dma_start3A_665] : memref<512x32xf32, #tpu.memory_space<vmem>> -> memref<128x32xf32, #tpu.memory_space<vmem>>
      %dma_start3A_667 = arith.constant 0 : i32
      %dma_start3A_668 = tpu.memref_slice %arg9[%add3A_662, %dma_start3A_663, %dma_start3A_667] : memref<50x4x128xi32, #tpu.memory_space<vmem>> -> memref<1x1x128xi32, #tpu.memory_space<vmem>>
      %dma_start3A_669 = tpu.memref_squeeze %dma_start3A_668 : memref<1x1x128xi32, #tpu.memory_space<vmem>> -> memref<128xi32, #tpu.memory_space<vmem>>
      %dma_start3A_670 = arith.constant 0 : i32
      %dma_start3A_671 = arith.constant 0 : i32
      %dma_start3A_672 = tpu.memref_slice %arg4[%dma_start3A_670, %dma_start3A_671] : memref<1048576x32xf32, #tpu.memory_space<hbm>> -> memref<1048576x32xf32, #tpu.memory_space<hbm>>
      tpu.enqueue_indirect_dma source(%dma_start3A_672 : memref<1048576x32xf32, #tpu.memory_space<hbm>>) target(%dma_start3A_666 : memref<128x32xf32, #tpu.memory_space<vmem>>) offsets(%dma_start3A_669 : memref<128xi32, #tpu.memory_space<vmem>>) semaphore(%arg16 : memref<!tpu.dma_semaphore, #tpu.memory_space<semaphore_mem>>) {add = true}
      %dma_start3A_673 = arith.constant 1 : i32
      %dma_start3A_674 = arith.constant 128 : i32
      %dma_start3A_675 = arith.constant 0 : i32
      %dma_start3A_676 = tpu.memref_slice %arg12[%dma_start3A_674, %dma_start3A_675] : memref<512x32xf32, #tpu.memory_space<vmem>> -> memref<128x32xf32, #tpu.memory_space<vmem>>
      %dma_start3A_677 = arith.constant 0 : i32
      %dma_start3A_678 = tpu.memref_slice %arg9[%add3A_662, %dma_start3A_673, %dma_start3A_677] : memref<50x4x128xi32, #tpu.memory_space<vmem>> -> memref<1x1x128xi32, #tpu.memory_space<vmem>>
      %dma_start3A_679 = tpu.memref_squeeze %dma_start3A_678 : memref<1x1x128xi32, #tpu.memory_space<vmem>> -> memref<128xi32, #tpu.memory_space<vmem>>
      %dma_start3A_680 = arith.constant 0 : i32
      %dma_start3A_681 = arith.constant 0 : i32
      %dma_start3A_682 = tpu.memref_slice %arg4[%dma_start3A_680, %dma_start3A_681] : memref<1048576x32xf32, #tpu.memory_space<hbm>> -> memref<1048576x32xf32, #tpu.memory_space<hbm>>
      tpu.enqueue_indirect_dma source(%dma_start3A_682 : memref<1048576x32xf32, #tpu.memory_space<hbm>>) target(%dma_start3A_676 : memref<128x32xf32, #tpu.memory_space<vmem>>) offsets(%dma_start3A_679 : memref<128xi32, #tpu.memory_space<vmem>>) semaphore(%arg16 : memref<!tpu.dma_semaphore, #tpu.memory_space<semaphore_mem>>) {add = true}
      %dma_start3A_683 = arith.constant 2 : i32
      %dma_start3A_684 = arith.constant 256 : i32
      %dma_start3A_685 = arith.constant 0 : i32
      %dma_start3A_686 = tpu.memref_slice %arg12[%dma_start3A_684, %dma_start3A_685] : memref<512x32xf32, #tpu.memory_space<vmem>> -> memref<128x32xf32, #tpu.memory_space<vmem>>
      %dma_start3A_687 = arith.constant 0 : i32
      %dma_start3A_688 = tpu.memref_slice %arg9[%add3A_662, %dma_start3A_683, %dma_start3A_687] : memref<50x4x128xi32, #tpu.memory_space<vmem>> -> memref<1x1x128xi32, #tpu.memory_space<vmem>>
      %dma_start3A_689 = tpu.memref_squeeze %dma_start3A_688 : memref<1x1x128xi32, #tpu.memory_space<vmem>> -> memref<128xi32, #tpu.memory_space<vmem>>
      %dma_start3A_690 = arith.constant 0 : i32
      %dma_start3A_691 = arith.constant 0 : i32
      %dma_start3A_692 = tpu.memref_slice %arg4[%dma_start3A_690, %dma_start3A_691] : memref<1048576x32xf32, #tpu.memory_space<hbm>> -> memref<1048576x32xf32, #tpu.memory_space<hbm>>
      tpu.enqueue_indirect_dma source(%dma_start3A_692 : memref<1048576x32xf32, #tpu.memory_space<hbm>>) target(%dma_start3A_686 : memref<128x32xf32, #tpu.memory_space<vmem>>) offsets(%dma_start3A_689 : memref<128xi32, #tpu.memory_space<vmem>>) semaphore(%arg16 : memref<!tpu.dma_semaphore, #tpu.memory_space<semaphore_mem>>) {add = true}
      %dma_start3A_693 = arith.constant 3 : i32
      %dma_start3A_694 = arith.constant 384 : i32
      %dma_start3A_695 = arith.constant 0 : i32
      %dma_start3A_696 = tpu.memref_slice %arg12[%dma_start3A_694, %dma_start3A_695] : memref<512x32xf32, #tpu.memory_space<vmem>> -> memref<128x32xf32, #tpu.memory_space<vmem>>
      %dma_start3A_697 = arith.constant 0 : i32
      %dma_start3A_698 = tpu.memref_slice %arg9[%add3A_662, %dma_start3A_693, %dma_start3A_697] : memref<50x4x128xi32, #tpu.memory_space<vmem>> -> memref<1x1x128xi32, #tpu.memory_space<vmem>>
      %dma_start3A_699 = tpu.memref_squeeze %dma_start3A_698 : memref<1x1x128xi32, #tpu.memory_space<vmem>> -> memref<128xi32, #tpu.memory_space<vmem>>
      %dma_start3A_700 = arith.constant 0 : i32
      %dma_start3A_701 = arith.constant 0 : i32
      %dma_start3A_702 = tpu.memref_slice %arg4[%dma_start3A_700, %dma_start3A_701] : memref<1048576x32xf32, #tpu.memory_space<hbm>> -> memref<1048576x32xf32, #tpu.memory_space<hbm>>
      tpu.enqueue_indirect_dma source(%dma_start3A_702 : memref<1048576x32xf32, #tpu.memory_space<hbm>>) target(%dma_start3A_696 : memref<128x32xf32, #tpu.memory_space<vmem>>) offsets(%dma_start3A_699 : memref<128xi32, #tpu.memory_space<vmem>>) semaphore(%arg16 : memref<!tpu.dma_semaphore, #tpu.memory_space<semaphore_mem>>) {add = true}
      %dma_start3A_703 = arith.constant 0 : i32
      %dma_start3A_704 = arith.constant 0 : i32
      %dma_start3A_705 = arith.constant 0 : i32
      %dma_start3A_706 = tpu.memref_slice %arg14[%dma_start3A_704, %dma_start3A_705] : memref<512x32xf32, #tpu.memory_space<vmem>> -> memref<128x32xf32, #tpu.memory_space<vmem>>
      %dma_start3A_707 = arith.constant 0 : i32
      %dma_start3A_708 = tpu.memref_slice %arg10[%add3A_662, %dma_start3A_703, %dma_start3A_707] : memref<50x4x128xi32, #tpu.memory_space<vmem>> -> memref<1x1x128xi32, #tpu.memory_space<vmem>>
      %dma_start3A_709 = tpu.memref_squeeze %dma_start3A_708 : memref<1x1x128xi32, #tpu.memory_space<vmem>> -> memref<128xi32, #tpu.memory_space<vmem>>
      %dma_start3A_710 = arith.constant 0 : i32
      %dma_start3A_711 = arith.constant 0 : i32
      %dma_start3A_712 = tpu.memref_slice %arg4[%dma_start3A_710, %dma_start3A_711] : memref<1048576x32xf32, #tpu.memory_space<hbm>> -> memref<1048576x32xf32, #tpu.memory_space<hbm>>
      tpu.enqueue_indirect_dma source(%dma_start3A_712 : memref<1048576x32xf32, #tpu.memory_space<hbm>>) target(%dma_start3A_706 : memref<128x32xf32, #tpu.memory_space<vmem>>) offsets(%dma_start3A_709 : memref<128xi32, #tpu.memory_space<vmem>>) semaphore(%arg16 : memref<!tpu.dma_semaphore, #tpu.memory_space<semaphore_mem>>) {add = true}
      %dma_start3A_713 = arith.constant 1 : i32
      %dma_start3A_714 = arith.constant 128 : i32
      %dma_start3A_715 = arith.constant 0 : i32
      %dma_start3A_716 = tpu.memref_slice %arg14[%dma_start3A_714, %dma_start3A_715] : memref<512x32xf32, #tpu.memory_space<vmem>> -> memref<128x32xf32, #tpu.memory_space<vmem>>
      %dma_start3A_717 = arith.constant 0 : i32
      %dma_start3A_718 = tpu.memref_slice %arg10[%add3A_662, %dma_start3A_713, %dma_start3A_717] : memref<50x4x128xi32, #tpu.memory_space<vmem>> -> memref<1x1x128xi32, #tpu.memory_space<vmem>>
      %dma_start3A_719 = tpu.memref_squeeze %dma_start3A_718 : memref<1x1x128xi32, #tpu.memory_space<vmem>> -> memref<128xi32, #tpu.memory_space<vmem>>
      %dma_start3A_720 = arith.constant 0 : i32
      %dma_start3A_721 = arith.constant 0 : i32
      %dma_start3A_722 = tpu.memref_slice %arg4[%dma_start3A_720, %dma_start3A_721] : memref<1048576x32xf32, #tpu.memory_space<hbm>> -> memref<1048576x32xf32, #tpu.memory_space<hbm>>
      tpu.enqueue_indirect_dma source(%dma_start3A_722 : memref<1048576x32xf32, #tpu.memory_space<hbm>>) target(%dma_start3A_716 : memref<128x32xf32, #tpu.memory_space<vmem>>) offsets(%dma_start3A_719 : memref<128xi32, #tpu.memory_space<vmem>>) semaphore(%arg16 : memref<!tpu.dma_semaphore, #tpu.memory_space<semaphore_mem>>) {add = true}
      %dma_start3A_723 = arith.constant 2 : i32
      %dma_start3A_724 = arith.constant 256 : i32
      %dma_start3A_725 = arith.constant 0 : i32
      %dma_start3A_726 = tpu.memref_slice %arg14[%dma_start3A_724, %dma_start3A_725] : memref<512x32xf32, #tpu.memory_space<vmem>> -> memref<128x32xf32, #tpu.memory_space<vmem>>
      %dma_start3A_727 = arith.constant 0 : i32
      %dma_start3A_728 = tpu.memref_slice %arg10[%add3A_662, %dma_start3A_723, %dma_start3A_727] : memref<50x4x128xi32, #tpu.memory_space<vmem>> -> memref<1x1x128xi32, #tpu.memory_space<vmem>>
      %dma_start3A_729 = tpu.memref_squeeze %dma_start3A_728 : memref<1x1x128xi32, #tpu.memory_space<vmem>> -> memref<128xi32, #tpu.memory_space<vmem>>
      %dma_start3A_730 = arith.constant 0 : i32
      %dma_start3A_731 = arith.constant 0 : i32
      %dma_start3A_732 = tpu.memref_slice %arg4[%dma_start3A_730, %dma_start3A_731] : memref<1048576x32xf32, #tpu.memory_space<hbm>> -> memref<1048576x32xf32, #tpu.memory_space<hbm>>
      tpu.enqueue_indirect_dma source(%dma_start3A_732 : memref<1048576x32xf32, #tpu.memory_space<hbm>>) target(%dma_start3A_726 : memref<128x32xf32, #tpu.memory_space<vmem>>) offsets(%dma_start3A_729 : memref<128xi32, #tpu.memory_space<vmem>>) semaphore(%arg16 : memref<!tpu.dma_semaphore, #tpu.memory_space<semaphore_mem>>) {add = true}
      %dma_start3A_733 = arith.constant 3 : i32
      %dma_start3A_734 = arith.constant 384 : i32
      %dma_start3A_735 = arith.constant 0 : i32
      %dma_start3A_736 = tpu.memref_slice %arg14[%dma_start3A_734, %dma_start3A_735] : memref<512x32xf32, #tpu.memory_space<vmem>> -> memref<128x32xf32, #tpu.memory_space<vmem>>
      %dma_start3A_737 = arith.constant 0 : i32
      %dma_start3A_738 = tpu.memref_slice %arg10[%add3A_662, %dma_start3A_733, %dma_start3A_737] : memref<50x4x128xi32, #tpu.memory_space<vmem>> -> memref<1x1x128xi32, #tpu.memory_space<vmem>>
      %dma_start3A_739 = tpu.memref_squeeze %dma_start3A_738 : memref<1x1x128xi32, #tpu.memory_space<vmem>> -> memref<128xi32, #tpu.memory_space<vmem>>
      %dma_start3A_740 = arith.constant 0 : i32
      %dma_start3A_741 = arith.constant 0 : i32
      %dma_start3A_742 = tpu.memref_slice %arg4[%dma_start3A_740, %dma_start3A_741] : memref<1048576x32xf32, #tpu.memory_space<hbm>> -> memref<1048576x32xf32, #tpu.memory_space<hbm>>
      tpu.enqueue_indirect_dma source(%dma_start3A_742 : memref<1048576x32xf32, #tpu.memory_space<hbm>>) target(%dma_start3A_736 : memref<128x32xf32, #tpu.memory_space<vmem>>) offsets(%dma_start3A_739 : memref<128xi32, #tpu.memory_space<vmem>>) semaphore(%arg16 : memref<!tpu.dma_semaphore, #tpu.memory_space<semaphore_mem>>) {add = true}
    }
    %scan3A_192 = arith.constant 24 : i32
    %dma_wait3A = arith.constant 0 : i32
    %dma_wait3A_193 = arith.constant 0 : i32
    %dma_wait3A_194 = tpu.memref_slice %arg11[%dma_wait3A, %dma_wait3A_193] : memref<512x32xf32, #tpu.memory_space<vmem>> -> memref<128x32xf32, #tpu.memory_space<vmem>>
    %dma_wait3A_195 = arith.constant 0 : i32
    %dma_wait3A_196 = arith.constant 0 : i32
    %dma_wait3A_197 = tpu.memref_slice %arg4[%dma_wait3A_195, %dma_wait3A_196] : memref<1048576x32xf32, #tpu.memory_space<hbm>> -> memref<128x32xf32, #tpu.memory_space<hbm>>
    %dma_wait3A_198 = arith.constant 0 : i32
    %dma_wait3A_199 = arith.constant 0 : i32
    %dma_wait3A_200 = tpu.memref_slice %arg11[%dma_wait3A_198, %dma_wait3A_199] : memref<512x32xf32, #tpu.memory_space<vmem>> -> memref<128x32xf32, #tpu.memory_space<vmem>>
    %dma_wait3A_201 = arith.constant 0 : i32
    %dma_wait3A_202 = arith.constant 0 : i32
    %dma_wait3A_203 = tpu.memref_slice %arg4[%dma_wait3A_201, %dma_wait3A_202] : memref<1048576x32xf32, #tpu.memory_space<hbm>> -> memref<128x32xf32, #tpu.memory_space<hbm>>
    tpu.wait_dma2 semaphore(%arg15 : memref<!tpu.dma_semaphore, #tpu.memory_space<semaphore_mem>>) src(%dma_wait3A_203 : memref<128x32xf32, #tpu.memory_space<hbm>>) dst(%dma_wait3A_200 : memref<128x32xf32, #tpu.memory_space<vmem>>)
    %dma_wait3A_204 = arith.constant 128 : i32
    %dma_wait3A_205 = arith.constant 0 : i32
    %dma_wait3A_206 = tpu.memref_slice %arg11[%dma_wait3A_204, %dma_wait3A_205] : memref<512x32xf32, #tpu.memory_space<vmem>> -> memref<128x32xf32, #tpu.memory_space<vmem>>
    %dma_wait3A_207 = arith.constant 0 : i32
    %dma_wait3A_208 = arith.constant 0 : i32
    %dma_wait3A_209 = tpu.memref_slice %arg4[%dma_wait3A_207, %dma_wait3A_208] : memref<1048576x32xf32, #tpu.memory_space<hbm>> -> memref<128x32xf32, #tpu.memory_space<hbm>>
    %dma_wait3A_210 = arith.constant 128 : i32
    %dma_wait3A_211 = arith.constant 0 : i32
    %dma_wait3A_212 = tpu.memref_slice %arg11[%dma_wait3A_210, %dma_wait3A_211] : memref<512x32xf32, #tpu.memory_space<vmem>> -> memref<128x32xf32, #tpu.memory_space<vmem>>
    %dma_wait3A_213 = arith.constant 0 : i32
    %dma_wait3A_214 = arith.constant 0 : i32
    %dma_wait3A_215 = tpu.memref_slice %arg4[%dma_wait3A_213, %dma_wait3A_214] : memref<1048576x32xf32, #tpu.memory_space<hbm>> -> memref<128x32xf32, #tpu.memory_space<hbm>>
    tpu.wait_dma2 semaphore(%arg15 : memref<!tpu.dma_semaphore, #tpu.memory_space<semaphore_mem>>) src(%dma_wait3A_215 : memref<128x32xf32, #tpu.memory_space<hbm>>) dst(%dma_wait3A_212 : memref<128x32xf32, #tpu.memory_space<vmem>>)
    %dma_wait3A_216 = arith.constant 256 : i32
    %dma_wait3A_217 = arith.constant 0 : i32
    %dma_wait3A_218 = tpu.memref_slice %arg11[%dma_wait3A_216, %dma_wait3A_217] : memref<512x32xf32, #tpu.memory_space<vmem>> -> memref<128x32xf32, #tpu.memory_space<vmem>>
    %dma_wait3A_219 = arith.constant 0 : i32
    %dma_wait3A_220 = arith.constant 0 : i32
    %dma_wait3A_221 = tpu.memref_slice %arg4[%dma_wait3A_219, %dma_wait3A_220] : memref<1048576x32xf32, #tpu.memory_space<hbm>> -> memref<128x32xf32, #tpu.memory_space<hbm>>
    %dma_wait3A_222 = arith.constant 256 : i32
    %dma_wait3A_223 = arith.constant 0 : i32
    %dma_wait3A_224 = tpu.memref_slice %arg11[%dma_wait3A_222, %dma_wait3A_223] : memref<512x32xf32, #tpu.memory_space<vmem>> -> memref<128x32xf32, #tpu.memory_space<vmem>>
    %dma_wait3A_225 = arith.constant 0 : i32
    %dma_wait3A_226 = arith.constant 0 : i32
    %dma_wait3A_227 = tpu.memref_slice %arg4[%dma_wait3A_225, %dma_wait3A_226] : memref<1048576x32xf32, #tpu.memory_space<hbm>> -> memref<128x32xf32, #tpu.memory_space<hbm>>
    tpu.wait_dma2 semaphore(%arg15 : memref<!tpu.dma_semaphore, #tpu.memory_space<semaphore_mem>>) src(%dma_wait3A_227 : memref<128x32xf32, #tpu.memory_space<hbm>>) dst(%dma_wait3A_224 : memref<128x32xf32, #tpu.memory_space<vmem>>)
    %dma_wait3A_228 = arith.constant 384 : i32
    %dma_wait3A_229 = arith.constant 0 : i32
    %dma_wait3A_230 = tpu.memref_slice %arg11[%dma_wait3A_228, %dma_wait3A_229] : memref<512x32xf32, #tpu.memory_space<vmem>> -> memref<128x32xf32, #tpu.memory_space<vmem>>
    %dma_wait3A_231 = arith.constant 0 : i32
    %dma_wait3A_232 = arith.constant 0 : i32
    %dma_wait3A_233 = tpu.memref_slice %arg4[%dma_wait3A_231, %dma_wait3A_232] : memref<1048576x32xf32, #tpu.memory_space<hbm>> -> memref<128x32xf32, #tpu.memory_space<hbm>>
    %dma_wait3A_234 = arith.constant 384 : i32
    %dma_wait3A_235 = arith.constant 0 : i32
    %dma_wait3A_236 = tpu.memref_slice %arg11[%dma_wait3A_234, %dma_wait3A_235] : memref<512x32xf32, #tpu.memory_space<vmem>> -> memref<128x32xf32, #tpu.memory_space<vmem>>
    %dma_wait3A_237 = arith.constant 0 : i32
    %dma_wait3A_238 = arith.constant 0 : i32
    %dma_wait3A_239 = tpu.memref_slice %arg4[%dma_wait3A_237, %dma_wait3A_238] : memref<1048576x32xf32, #tpu.memory_space<hbm>> -> memref<128x32xf32, #tpu.memory_space<hbm>>
    tpu.wait_dma2 semaphore(%arg15 : memref<!tpu.dma_semaphore, #tpu.memory_space<semaphore_mem>>) src(%dma_wait3A_239 : memref<128x32xf32, #tpu.memory_space<hbm>>) dst(%dma_wait3A_236 : memref<128x32xf32, #tpu.memory_space<vmem>>)
    %dma_wait3A_240 = arith.constant 0 : i32
    %dma_wait3A_241 = arith.constant 0 : i32
    %dma_wait3A_242 = tpu.memref_slice %arg13[%dma_wait3A_240, %dma_wait3A_241] : memref<512x32xf32, #tpu.memory_space<vmem>> -> memref<128x32xf32, #tpu.memory_space<vmem>>
    %dma_wait3A_243 = arith.constant 0 : i32
    %dma_wait3A_244 = arith.constant 0 : i32
    %dma_wait3A_245 = tpu.memref_slice %arg4[%dma_wait3A_243, %dma_wait3A_244] : memref<1048576x32xf32, #tpu.memory_space<hbm>> -> memref<128x32xf32, #tpu.memory_space<hbm>>
    %dma_wait3A_246 = arith.constant 0 : i32
    %dma_wait3A_247 = arith.constant 0 : i32
    %dma_wait3A_248 = tpu.memref_slice %arg13[%dma_wait3A_246, %dma_wait3A_247] : memref<512x32xf32, #tpu.memory_space<vmem>> -> memref<128x32xf32, #tpu.memory_space<vmem>>
    %dma_wait3A_249 = arith.constant 0 : i32
    %dma_wait3A_250 = arith.constant 0 : i32
    %dma_wait3A_251 = tpu.memref_slice %arg4[%dma_wait3A_249, %dma_wait3A_250] : memref<1048576x32xf32, #tpu.memory_space<hbm>> -> memref<128x32xf32, #tpu.memory_space<hbm>>
    tpu.wait_dma2 semaphore(%arg15 : memref<!tpu.dma_semaphore, #tpu.memory_space<semaphore_mem>>) src(%dma_wait3A_251 : memref<128x32xf32, #tpu.memory_space<hbm>>) dst(%dma_wait3A_248 : memref<128x32xf32, #tpu.memory_space<vmem>>)
    %dma_wait3A_252 = arith.constant 128 : i32
    %dma_wait3A_253 = arith.constant 0 : i32
    %dma_wait3A_254 = tpu.memref_slice %arg13[%dma_wait3A_252, %dma_wait3A_253] : memref<512x32xf32, #tpu.memory_space<vmem>> -> memref<128x32xf32, #tpu.memory_space<vmem>>
    %dma_wait3A_255 = arith.constant 0 : i32
    %dma_wait3A_256 = arith.constant 0 : i32
    %dma_wait3A_257 = tpu.memref_slice %arg4[%dma_wait3A_255, %dma_wait3A_256] : memref<1048576x32xf32, #tpu.memory_space<hbm>> -> memref<128x32xf32, #tpu.memory_space<hbm>>
    %dma_wait3A_258 = arith.constant 128 : i32
    %dma_wait3A_259 = arith.constant 0 : i32
    %dma_wait3A_260 = tpu.memref_slice %arg13[%dma_wait3A_258, %dma_wait3A_259] : memref<512x32xf32, #tpu.memory_space<vmem>> -> memref<128x32xf32, #tpu.memory_space<vmem>>
    %dma_wait3A_261 = arith.constant 0 : i32
    %dma_wait3A_262 = arith.constant 0 : i32
    %dma_wait3A_263 = tpu.memref_slice %arg4[%dma_wait3A_261, %dma_wait3A_262] : memref<1048576x32xf32, #tpu.memory_space<hbm>> -> memref<128x32xf32, #tpu.memory_space<hbm>>
    tpu.wait_dma2 semaphore(%arg15 : memref<!tpu.dma_semaphore, #tpu.memory_space<semaphore_mem>>) src(%dma_wait3A_263 : memref<128x32xf32, #tpu.memory_space<hbm>>) dst(%dma_wait3A_260 : memref<128x32xf32, #tpu.memory_space<vmem>>)
    %dma_wait3A_264 = arith.constant 256 : i32
    %dma_wait3A_265 = arith.constant 0 : i32
    %dma_wait3A_266 = tpu.memref_slice %arg13[%dma_wait3A_264, %dma_wait3A_265] : memref<512x32xf32, #tpu.memory_space<vmem>> -> memref<128x32xf32, #tpu.memory_space<vmem>>
    %dma_wait3A_267 = arith.constant 0 : i32
    %dma_wait3A_268 = arith.constant 0 : i32
    %dma_wait3A_269 = tpu.memref_slice %arg4[%dma_wait3A_267, %dma_wait3A_268] : memref<1048576x32xf32, #tpu.memory_space<hbm>> -> memref<128x32xf32, #tpu.memory_space<hbm>>
    %dma_wait3A_270 = arith.constant 256 : i32
    %dma_wait3A_271 = arith.constant 0 : i32
    %dma_wait3A_272 = tpu.memref_slice %arg13[%dma_wait3A_270, %dma_wait3A_271] : memref<512x32xf32, #tpu.memory_space<vmem>> -> memref<128x32xf32, #tpu.memory_space<vmem>>
    %dma_wait3A_273 = arith.constant 0 : i32
    %dma_wait3A_274 = arith.constant 0 : i32
    %dma_wait3A_275 = tpu.memref_slice %arg4[%dma_wait3A_273, %dma_wait3A_274] : memref<1048576x32xf32, #tpu.memory_space<hbm>> -> memref<128x32xf32, #tpu.memory_space<hbm>>
    tpu.wait_dma2 semaphore(%arg15 : memref<!tpu.dma_semaphore, #tpu.memory_space<semaphore_mem>>) src(%dma_wait3A_275 : memref<128x32xf32, #tpu.memory_space<hbm>>) dst(%dma_wait3A_272 : memref<128x32xf32, #tpu.memory_space<vmem>>)
    %dma_wait3A_276 = arith.constant 384 : i32
    %dma_wait3A_277 = arith.constant 0 : i32
    %dma_wait3A_278 = tpu.memref_slice %arg13[%dma_wait3A_276, %dma_wait3A_277] : memref<512x32xf32, #tpu.memory_space<vmem>> -> memref<128x32xf32, #tpu.memory_space<vmem>>
    %dma_wait3A_279 = arith.constant 0 : i32
    %dma_wait3A_280 = arith.constant 0 : i32
    %dma_wait3A_281 = tpu.memref_slice %arg4[%dma_wait3A_279, %dma_wait3A_280] : memref<1048576x32xf32, #tpu.memory_space<hbm>> -> memref<128x32xf32, #tpu.memory_space<hbm>>
    %dma_wait3A_282 = arith.constant 384 : i32
    %dma_wait3A_283 = arith.constant 0 : i32
    %dma_wait3A_284 = tpu.memref_slice %arg13[%dma_wait3A_282, %dma_wait3A_283] : memref<512x32xf32, #tpu.memory_space<vmem>> -> memref<128x32xf32, #tpu.memory_space<vmem>>
    %dma_wait3A_285 = arith.constant 0 : i32
    %dma_wait3A_286 = arith.constant 0 : i32
    %dma_wait3A_287 = tpu.memref_slice %arg4[%dma_wait3A_285, %dma_wait3A_286] : memref<1048576x32xf32, #tpu.memory_space<hbm>> -> memref<128x32xf32, #tpu.memory_space<hbm>>
    tpu.wait_dma2 semaphore(%arg15 : memref<!tpu.dma_semaphore, #tpu.memory_space<semaphore_mem>>) src(%dma_wait3A_287 : memref<128x32xf32, #tpu.memory_space<hbm>>) dst(%dma_wait3A_284 : memref<128x32xf32, #tpu.memory_space<vmem>>)
    %dma_wait3A_288 = arith.constant 0 : i32
    %dma_wait3A_289 = arith.constant 0 : i32
    %dma_wait3A_290 = tpu.memref_slice %arg12[%dma_wait3A_288, %dma_wait3A_289] : memref<512x32xf32, #tpu.memory_space<vmem>> -> memref<128x32xf32, #tpu.memory_space<vmem>>
    %dma_wait3A_291 = arith.constant 0 : i32
    %dma_wait3A_292 = arith.constant 0 : i32
    %dma_wait3A_293 = tpu.memref_slice %arg4[%dma_wait3A_291, %dma_wait3A_292] : memref<1048576x32xf32, #tpu.memory_space<hbm>> -> memref<128x32xf32, #tpu.memory_space<hbm>>
    %dma_wait3A_294 = arith.constant 0 : i32
    %dma_wait3A_295 = arith.constant 0 : i32
    %dma_wait3A_296 = tpu.memref_slice %arg12[%dma_wait3A_294, %dma_wait3A_295] : memref<512x32xf32, #tpu.memory_space<vmem>> -> memref<128x32xf32, #tpu.memory_space<vmem>>
    %dma_wait3A_297 = arith.constant 0 : i32
    %dma_wait3A_298 = arith.constant 0 : i32
    %dma_wait3A_299 = tpu.memref_slice %arg4[%dma_wait3A_297, %dma_wait3A_298] : memref<1048576x32xf32, #tpu.memory_space<hbm>> -> memref<128x32xf32, #tpu.memory_space<hbm>>
    tpu.wait_dma2 semaphore(%arg16 : memref<!tpu.dma_semaphore, #tpu.memory_space<semaphore_mem>>) src(%dma_wait3A_299 : memref<128x32xf32, #tpu.memory_space<hbm>>) dst(%dma_wait3A_296 : memref<128x32xf32, #tpu.memory_space<vmem>>)
    %dma_wait3A_300 = arith.constant 128 : i32
    %dma_wait3A_301 = arith.constant 0 : i32
    %dma_wait3A_302 = tpu.memref_slice %arg12[%dma_wait3A_300, %dma_wait3A_301] : memref<512x32xf32, #tpu.memory_space<vmem>> -> memref<128x32xf32, #tpu.memory_space<vmem>>
    %dma_wait3A_303 = arith.constant 0 : i32
    %dma_wait3A_304 = arith.constant 0 : i32
    %dma_wait3A_305 = tpu.memref_slice %arg4[%dma_wait3A_303, %dma_wait3A_304] : memref<1048576x32xf32, #tpu.memory_space<hbm>> -> memref<128x32xf32, #tpu.memory_space<hbm>>
    %dma_wait3A_306 = arith.constant 128 : i32
    %dma_wait3A_307 = arith.constant 0 : i32
    %dma_wait3A_308 = tpu.memref_slice %arg12[%dma_wait3A_306, %dma_wait3A_307] : memref<512x32xf32, #tpu.memory_space<vmem>> -> memref<128x32xf32, #tpu.memory_space<vmem>>
    %dma_wait3A_309 = arith.constant 0 : i32
    %dma_wait3A_310 = arith.constant 0 : i32
    %dma_wait3A_311 = tpu.memref_slice %arg4[%dma_wait3A_309, %dma_wait3A_310] : memref<1048576x32xf32, #tpu.memory_space<hbm>> -> memref<128x32xf32, #tpu.memory_space<hbm>>
    tpu.wait_dma2 semaphore(%arg16 : memref<!tpu.dma_semaphore, #tpu.memory_space<semaphore_mem>>) src(%dma_wait3A_311 : memref<128x32xf32, #tpu.memory_space<hbm>>) dst(%dma_wait3A_308 : memref<128x32xf32, #tpu.memory_space<vmem>>)
    %dma_wait3A_312 = arith.constant 256 : i32
    %dma_wait3A_313 = arith.constant 0 : i32
    %dma_wait3A_314 = tpu.memref_slice %arg12[%dma_wait3A_312, %dma_wait3A_313] : memref<512x32xf32, #tpu.memory_space<vmem>> -> memref<128x32xf32, #tpu.memory_space<vmem>>
    %dma_wait3A_315 = arith.constant 0 : i32
    %dma_wait3A_316 = arith.constant 0 : i32
    %dma_wait3A_317 = tpu.memref_slice %arg4[%dma_wait3A_315, %dma_wait3A_316] : memref<1048576x32xf32, #tpu.memory_space<hbm>> -> memref<128x32xf32, #tpu.memory_space<hbm>>
    %dma_wait3A_318 = arith.constant 256 : i32
    %dma_wait3A_319 = arith.constant 0 : i32
    %dma_wait3A_320 = tpu.memref_slice %arg12[%dma_wait3A_318, %dma_wait3A_319] : memref<512x32xf32, #tpu.memory_space<vmem>> -> memref<128x32xf32, #tpu.memory_space<vmem>>
    %dma_wait3A_321 = arith.constant 0 : i32
    %dma_wait3A_322 = arith.constant 0 : i32
    %dma_wait3A_323 = tpu.memref_slice %arg4[%dma_wait3A_321, %dma_wait3A_322] : memref<1048576x32xf32, #tpu.memory_space<hbm>> -> memref<128x32xf32, #tpu.memory_space<hbm>>
    tpu.wait_dma2 semaphore(%arg16 : memref<!tpu.dma_semaphore, #tpu.memory_space<semaphore_mem>>) src(%dma_wait3A_323 : memref<128x32xf32, #tpu.memory_space<hbm>>) dst(%dma_wait3A_320 : memref<128x32xf32, #tpu.memory_space<vmem>>)
    %dma_wait3A_324 = arith.constant 384 : i32
    %dma_wait3A_325 = arith.constant 0 : i32
    %dma_wait3A_326 = tpu.memref_slice %arg12[%dma_wait3A_324, %dma_wait3A_325] : memref<512x32xf32, #tpu.memory_space<vmem>> -> memref<128x32xf32, #tpu.memory_space<vmem>>
    %dma_wait3A_327 = arith.constant 0 : i32
    %dma_wait3A_328 = arith.constant 0 : i32
    %dma_wait3A_329 = tpu.memref_slice %arg4[%dma_wait3A_327, %dma_wait3A_328] : memref<1048576x32xf32, #tpu.memory_space<hbm>> -> memref<128x32xf32, #tpu.memory_space<hbm>>
    %dma_wait3A_330 = arith.constant 384 : i32
    %dma_wait3A_331 = arith.constant 0 : i32
    %dma_wait3A_332 = tpu.memref_slice %arg12[%dma_wait3A_330, %dma_wait3A_331] : memref<512x32xf32, #tpu.memory_space<vmem>> -> memref<128x32xf32, #tpu.memory_space<vmem>>
    %dma_wait3A_333 = arith.constant 0 : i32
    %dma_wait3A_334 = arith.constant 0 : i32
    %dma_wait3A_335 = tpu.memref_slice %arg4[%dma_wait3A_333, %dma_wait3A_334] : memref<1048576x32xf32, #tpu.memory_space<hbm>> -> memref<128x32xf32, #tpu.memory_space<hbm>>
    tpu.wait_dma2 semaphore(%arg16 : memref<!tpu.dma_semaphore, #tpu.memory_space<semaphore_mem>>) src(%dma_wait3A_335 : memref<128x32xf32, #tpu.memory_space<hbm>>) dst(%dma_wait3A_332 : memref<128x32xf32, #tpu.memory_space<vmem>>)
    %dma_wait3A_336 = arith.constant 0 : i32
    %dma_wait3A_337 = arith.constant 0 : i32
    %dma_wait3A_338 = tpu.memref_slice %arg14[%dma_wait3A_336, %dma_wait3A_337] : memref<512x32xf32, #tpu.memory_space<vmem>> -> memref<128x32xf32, #tpu.memory_space<vmem>>
    %dma_wait3A_339 = arith.constant 0 : i32
    %dma_wait3A_340 = arith.constant 0 : i32
    %dma_wait3A_341 = tpu.memref_slice %arg4[%dma_wait3A_339, %dma_wait3A_340] : memref<1048576x32xf32, #tpu.memory_space<hbm>> -> memref<128x32xf32, #tpu.memory_space<hbm>>
    %dma_wait3A_342 = arith.constant 0 : i32
    %dma_wait3A_343 = arith.constant 0 : i32
    %dma_wait3A_344 = tpu.memref_slice %arg14[%dma_wait3A_342, %dma_wait3A_343] : memref<512x32xf32, #tpu.memory_space<vmem>> -> memref<128x32xf32, #tpu.memory_space<vmem>>
    %dma_wait3A_345 = arith.constant 0 : i32
    %dma_wait3A_346 = arith.constant 0 : i32
    %dma_wait3A_347 = tpu.memref_slice %arg4[%dma_wait3A_345, %dma_wait3A_346] : memref<1048576x32xf32, #tpu.memory_space<hbm>> -> memref<128x32xf32, #tpu.memory_space<hbm>>
    tpu.wait_dma2 semaphore(%arg16 : memref<!tpu.dma_semaphore, #tpu.memory_space<semaphore_mem>>) src(%dma_wait3A_347 : memref<128x32xf32, #tpu.memory_space<hbm>>) dst(%dma_wait3A_344 : memref<128x32xf32, #tpu.memory_space<vmem>>)
    %dma_wait3A_348 = arith.constant 128 : i32
    %dma_wait3A_349 = arith.constant 0 : i32
    %dma_wait3A_350 = tpu.memref_slice %arg14[%dma_wait3A_348, %dma_wait3A_349] : memref<512x32xf32, #tpu.memory_space<vmem>> -> memref<128x32xf32, #tpu.memory_space<vmem>>
    %dma_wait3A_351 = arith.constant 0 : i32
    %dma_wait3A_352 = arith.constant 0 : i32
    %dma_wait3A_353 = tpu.memref_slice %arg4[%dma_wait3A_351, %dma_wait3A_352] : memref<1048576x32xf32, #tpu.memory_space<hbm>> -> memref<128x32xf32, #tpu.memory_space<hbm>>
    %dma_wait3A_354 = arith.constant 128 : i32
    %dma_wait3A_355 = arith.constant 0 : i32
    %dma_wait3A_356 = tpu.memref_slice %arg14[%dma_wait3A_354, %dma_wait3A_355] : memref<512x32xf32, #tpu.memory_space<vmem>> -> memref<128x32xf32, #tpu.memory_space<vmem>>
    %dma_wait3A_357 = arith.constant 0 : i32
    %dma_wait3A_358 = arith.constant 0 : i32
    %dma_wait3A_359 = tpu.memref_slice %arg4[%dma_wait3A_357, %dma_wait3A_358] : memref<1048576x32xf32, #tpu.memory_space<hbm>> -> memref<128x32xf32, #tpu.memory_space<hbm>>
    tpu.wait_dma2 semaphore(%arg16 : memref<!tpu.dma_semaphore, #tpu.memory_space<semaphore_mem>>) src(%dma_wait3A_359 : memref<128x32xf32, #tpu.memory_space<hbm>>) dst(%dma_wait3A_356 : memref<128x32xf32, #tpu.memory_space<vmem>>)
    %dma_wait3A_360 = arith.constant 256 : i32
    %dma_wait3A_361 = arith.constant 0 : i32
    %dma_wait3A_362 = tpu.memref_slice %arg14[%dma_wait3A_360, %dma_wait3A_361] : memref<512x32xf32, #tpu.memory_space<vmem>> -> memref<128x32xf32, #tpu.memory_space<vmem>>
    %dma_wait3A_363 = arith.constant 0 : i32
    %dma_wait3A_364 = arith.constant 0 : i32
    %dma_wait3A_365 = tpu.memref_slice %arg4[%dma_wait3A_363, %dma_wait3A_364] : memref<1048576x32xf32, #tpu.memory_space<hbm>> -> memref<128x32xf32, #tpu.memory_space<hbm>>
    %dma_wait3A_366 = arith.constant 256 : i32
    %dma_wait3A_367 = arith.constant 0 : i32
    %dma_wait3A_368 = tpu.memref_slice %arg14[%dma_wait3A_366, %dma_wait3A_367] : memref<512x32xf32, #tpu.memory_space<vmem>> -> memref<128x32xf32, #tpu.memory_space<vmem>>
    %dma_wait3A_369 = arith.constant 0 : i32
    %dma_wait3A_370 = arith.constant 0 : i32
    %dma_wait3A_371 = tpu.memref_slice %arg4[%dma_wait3A_369, %dma_wait3A_370] : memref<1048576x32xf32, #tpu.memory_space<hbm>> -> memref<128x32xf32, #tpu.memory_space<hbm>>
    tpu.wait_dma2 semaphore(%arg16 : memref<!tpu.dma_semaphore, #tpu.memory_space<semaphore_mem>>) src(%dma_wait3A_371 : memref<128x32xf32, #tpu.memory_space<hbm>>) dst(%dma_wait3A_368 : memref<128x32xf32, #tpu.memory_space<vmem>>)
    %dma_wait3A_372 = arith.constant 384 : i32
    %dma_wait3A_373 = arith.constant 0 : i32
    %dma_wait3A_374 = tpu.memref_slice %arg14[%dma_wait3A_372, %dma_wait3A_373] : memref<512x32xf32, #tpu.memory_space<vmem>> -> memref<128x32xf32, #tpu.memory_space<vmem>>
    %dma_wait3A_375 = arith.constant 0 : i32
    %dma_wait3A_376 = arith.constant 0 : i32
    %dma_wait3A_377 = tpu.memref_slice %arg4[%dma_wait3A_375, %dma_wait3A_376] : memref<1048576x32xf32, #tpu.memory_space<hbm>> -> memref<128x32xf32, #tpu.memory_space<hbm>>
    %dma_wait3A_378 = arith.constant 384 : i32
    %dma_wait3A_379 = arith.constant 0 : i32
    %dma_wait3A_380 = tpu.memref_slice %arg14[%dma_wait3A_378, %dma_wait3A_379] : memref<512x32xf32, #tpu.memory_space<vmem>> -> memref<128x32xf32, #tpu.memory_space<vmem>>
    %dma_wait3A_381 = arith.constant 0 : i32
    %dma_wait3A_382 = arith.constant 0 : i32
    %dma_wait3A_383 = tpu.memref_slice %arg4[%dma_wait3A_381, %dma_wait3A_382] : memref<1048576x32xf32, #tpu.memory_space<hbm>> -> memref<128x32xf32, #tpu.memory_space<hbm>>
    tpu.wait_dma2 semaphore(%arg16 : memref<!tpu.dma_semaphore, #tpu.memory_space<semaphore_mem>>) src(%dma_wait3A_383 : memref<128x32xf32, #tpu.memory_space<hbm>>) dst(%dma_wait3A_380 : memref<128x32xf32, #tpu.memory_space<vmem>>)
    "tpu.region"() ({
      %run_scoped3A = tpu.sem_alloc : memref<!tpu.dma_semaphore, #tpu.memory_space<semaphore_mem>>
      %dma_start3A_384 = arith.constant 0 : i32
      %dma_start3A_385 = tpu.memref_slice %arg5[%mul3A_2, %dma_start3A_384] : memref<16384x32xf32, #tpu.memory_space<hbm>> -> memref<512x32xf32, #tpu.memory_space<hbm>>
      %dma_start3A_386 = arith.constant 0 : i32
      %dma_start3A_387 = tpu.memref_slice %arg5[%mul3A_2, %dma_start3A_386] : memref<16384x32xf32, #tpu.memory_space<hbm>> -> memref<512x32xf32, #tpu.memory_space<hbm>>
      tpu.enqueue_dma source(%arg11 : memref<512x32xf32, #tpu.memory_space<vmem>>) target(%dma_start3A_387 : memref<512x32xf32, #tpu.memory_space<hbm>>) target_semaphore(%run_scoped3A : memref<!tpu.dma_semaphore, #tpu.memory_space<semaphore_mem>>)
      %dma_wait3A_388 = arith.constant 0 : i32
      %dma_wait3A_389 = tpu.memref_slice %arg5[%mul3A_2, %dma_wait3A_388] : memref<16384x32xf32, #tpu.memory_space<hbm>> -> memref<512x32xf32, #tpu.memory_space<hbm>>
      %dma_wait3A_390 = arith.constant 0 : i32
      %dma_wait3A_391 = tpu.memref_slice %arg5[%mul3A_2, %dma_wait3A_390] : memref<16384x32xf32, #tpu.memory_space<hbm>> -> memref<512x32xf32, #tpu.memory_space<hbm>>
      tpu.wait_dma2 semaphore(%run_scoped3A : memref<!tpu.dma_semaphore, #tpu.memory_space<semaphore_mem>>) src(%arg11 : memref<512x32xf32, #tpu.memory_space<vmem>>) dst(%dma_wait3A_391 : memref<512x32xf32, #tpu.memory_space<hbm>>)
      tpu.yield
    }) : () -> ()
    "tpu.region"() ({
      %run_scoped3A = tpu.sem_alloc : memref<!tpu.dma_semaphore, #tpu.memory_space<semaphore_mem>>
      %dma_start3A_384 = arith.constant 0 : i32
      %dma_start3A_385 = tpu.memref_slice %arg6[%mul3A_2, %dma_start3A_384] : memref<16384x32xf32, #tpu.memory_space<hbm>> -> memref<512x32xf32, #tpu.memory_space<hbm>>
      %dma_start3A_386 = arith.constant 0 : i32
      %dma_start3A_387 = tpu.memref_slice %arg6[%mul3A_2, %dma_start3A_386] : memref<16384x32xf32, #tpu.memory_space<hbm>> -> memref<512x32xf32, #tpu.memory_space<hbm>>
      tpu.enqueue_dma source(%arg12 : memref<512x32xf32, #tpu.memory_space<vmem>>) target(%dma_start3A_387 : memref<512x32xf32, #tpu.memory_space<hbm>>) target_semaphore(%run_scoped3A : memref<!tpu.dma_semaphore, #tpu.memory_space<semaphore_mem>>)
      %dma_wait3A_388 = arith.constant 0 : i32
      %dma_wait3A_389 = tpu.memref_slice %arg6[%mul3A_2, %dma_wait3A_388] : memref<16384x32xf32, #tpu.memory_space<hbm>> -> memref<512x32xf32, #tpu.memory_space<hbm>>
      %dma_wait3A_390 = arith.constant 0 : i32
      %dma_wait3A_391 = tpu.memref_slice %arg6[%mul3A_2, %dma_wait3A_390] : memref<16384x32xf32, #tpu.memory_space<hbm>> -> memref<512x32xf32, #tpu.memory_space<hbm>>
      tpu.wait_dma2 semaphore(%run_scoped3A : memref<!tpu.dma_semaphore, #tpu.memory_space<semaphore_mem>>) src(%arg12 : memref<512x32xf32, #tpu.memory_space<vmem>>) dst(%dma_wait3A_391 : memref<512x32xf32, #tpu.memory_space<hbm>>)
      tpu.yield
    }) : () -> ()
    "tpu.region"() ({
      %run_scoped3A = tpu.sem_alloc : memref<!tpu.dma_semaphore, #tpu.memory_space<semaphore_mem>>
      %dma_start3A_384 = arith.constant 0 : i32
      %dma_start3A_385 = tpu.memref_slice %arg7[%mul3A_2, %dma_start3A_384] : memref<16384x32xf32, #tpu.memory_space<hbm>> -> memref<512x32xf32, #tpu.memory_space<hbm>>
      %dma_start3A_386 = arith.constant 0 : i32
      %dma_start3A_387 = tpu.memref_slice %arg7[%mul3A_2, %dma_start3A_386] : memref<16384x32xf32, #tpu.memory_space<hbm>> -> memref<512x32xf32, #tpu.memory_space<hbm>>
      tpu.enqueue_dma source(%arg13 : memref<512x32xf32, #tpu.memory_space<vmem>>) target(%dma_start3A_387 : memref<512x32xf32, #tpu.memory_space<hbm>>) target_semaphore(%run_scoped3A : memref<!tpu.dma_semaphore, #tpu.memory_space<semaphore_mem>>)
      %dma_wait3A_388 = arith.constant 0 : i32
      %dma_wait3A_389 = tpu.memref_slice %arg7[%mul3A_2, %dma_wait3A_388] : memref<16384x32xf32, #tpu.memory_space<hbm>> -> memref<512x32xf32, #tpu.memory_space<hbm>>
      %dma_wait3A_390 = arith.constant 0 : i32
      %dma_wait3A_391 = tpu.memref_slice %arg7[%mul3A_2, %dma_wait3A_390] : memref<16384x32xf32, #tpu.memory_space<hbm>> -> memref<512x32xf32, #tpu.memory_space<hbm>>
      tpu.wait_dma2 semaphore(%run_scoped3A : memref<!tpu.dma_semaphore, #tpu.memory_space<semaphore_mem>>) src(%arg13 : memref<512x32xf32, #tpu.memory_space<vmem>>) dst(%dma_wait3A_391 : memref<512x32xf32, #tpu.memory_space<hbm>>)
      tpu.yield
    }) : () -> ()
    "tpu.region"() ({
      %run_scoped3A = tpu.sem_alloc : memref<!tpu.dma_semaphore, #tpu.memory_space<semaphore_mem>>
      %dma_start3A_384 = arith.constant 0 : i32
      %dma_start3A_385 = tpu.memref_slice %arg8[%mul3A_2, %dma_start3A_384] : memref<16384x32xf32, #tpu.memory_space<hbm>> -> memref<512x32xf32, #tpu.memory_space<hbm>>
      %dma_start3A_386 = arith.constant 0 : i32
      %dma_start3A_387 = tpu.memref_slice %arg8[%mul3A_2, %dma_start3A_386] : memref<16384x32xf32, #tpu.memory_space<hbm>> -> memref<512x32xf32, #tpu.memory_space<hbm>>
      tpu.enqueue_dma source(%arg14 : memref<512x32xf32, #tpu.memory_space<vmem>>) target(%dma_start3A_387 : memref<512x32xf32, #tpu.memory_space<hbm>>) target_semaphore(%run_scoped3A : memref<!tpu.dma_semaphore, #tpu.memory_space<semaphore_mem>>)
      %dma_wait3A_388 = arith.constant 0 : i32
      %dma_wait3A_389 = tpu.memref_slice %arg8[%mul3A_2, %dma_wait3A_388] : memref<16384x32xf32, #tpu.memory_space<hbm>> -> memref<512x32xf32, #tpu.memory_space<hbm>>
      %dma_wait3A_390 = arith.constant 0 : i32
      %dma_wait3A_391 = tpu.memref_slice %arg8[%mul3A_2, %dma_wait3A_390] : memref<16384x32xf32, #tpu.memory_space<hbm>> -> memref<512x32xf32, #tpu.memory_space<hbm>>
      tpu.wait_dma2 semaphore(%run_scoped3A : memref<!tpu.dma_semaphore, #tpu.memory_space<semaphore_mem>>) src(%arg14 : memref<512x32xf32, #tpu.memory_space<vmem>>) dst(%dma_wait3A_391 : memref<512x32xf32, #tpu.memory_space<hbm>>)
      tpu.yield
    }) : () -> ()
    return
  }
}

module attributes {stable_mosaic.version = 14 : i64} {
  func.func @body(%arg0: i32, %arg1: memref<32x8192xf32, #tpu.memory_space<vmem>>, %arg2: memref<32x8192xf32, #tpu.memory_space<vmem>>, %arg3: memref<32x8192xf32, #tpu.memory_space<vmem>>, %arg4: memref<32x8192xf32, #tpu.memory_space<vmem>>, %arg5: memref<8192x128xf32, #tpu.memory_space<vmem>>) attributes {dimension_semantics = [#tpu.dimension_semantics<arbitrary>], iteration_bounds = array<i64: 32>, scalar_prefetch = 0 : i64, scratch_operands = 0 : i64, tpu.core_type = #tpu.core_type<tc>, window_params = [{transform_indices = @transform_0, window_bounds = array<i64: 32, 8192>}, {transform_indices = @transform_1, window_bounds = array<i64: 32, 8192>}, {transform_indices = @transform_2, window_bounds = array<i64: 32, 8192>}, {transform_indices = @transform_3, window_bounds = array<i64: 32, 8192>}, {transform_indices = @transform_4, window_bounds = array<i64: 8192, 128>}]} {
    %iota3A = tpu.iota {dimensions = array<i32: 0>} : vector<32x32xi32>
    %iota3A_0 = tpu.iota {dimensions = array<i32: 1>} : vector<32x32xi32>
    %add3A = arith.constant 0 : i32
    %add3A_1 = vector.broadcast %add3A : i32 to vector<32x32xi32>
    %add3A_2 = arith.addi %iota3A, %add3A_1 : vector<32x32xi32>
    %eq3A = arith.cmpi eq, %add3A_2, %iota3A_0 : vector<32x32xi32>
    %convert_element_type3A = arith.extui %eq3A : vector<32x32xi1> to vector<32x32xi32>
    %convert_element_type3A_3 = arith.sitofp %convert_element_type3A : vector<32x32xi32> to vector<32x32xf32>
    %get3A = arith.constant 0 : index
    %get3A_4 = arith.constant 0 : index
    %get3A_5 = vector.load %arg1[%get3A, %get3A_4] : memref<32x8192xf32, #tpu.memory_space<vmem>>, vector<32x8192xf32>
    %dot_general3A = arith.constant dense<0.000000e+00> : vector<8192x32xf32>
    %dot_general3A_6 = tpu.matmul %get3A_5, %convert_element_type3A_3, %dot_general3A {dimension_numbers = #tpu.dot_dimension_numbers<[0], [0], [1], [1], [0, 1, 1, 1], [], []>, transpose_lhs_hint = false} : vector<32x8192xf32>, vector<32x32xf32>, vector<8192x32xf32> -> vector<8192x32xf32>
    %swap3A = arith.constant 0 : index
    %swap3A_7 = arith.constant 0 : index
    %swap3A_8 = vector.load %arg5[%swap3A, %swap3A_7] : memref<8192x128xf32, #tpu.memory_space<vmem>>, vector<8192x32xf32>
    tpu.vector_store %arg5[%swap3A, %swap3A_7], %dot_general3A_6 {strides = array<i32>} : memref<8192x128xf32, #tpu.memory_space<vmem>>, vector<8192x32xf32>,
    %get3A_9 = arith.constant 0 : index
    %get3A_10 = arith.constant 0 : index
    %get3A_11 = vector.load %arg2[%get3A_9, %get3A_10] : memref<32x8192xf32, #tpu.memory_space<vmem>>, vector<32x8192xf32>
    %dot_general3A_12 = arith.constant dense<0.000000e+00> : vector<8192x32xf32>
    %dot_general3A_13 = tpu.matmul %get3A_11, %convert_element_type3A_3, %dot_general3A_12 {dimension_numbers = #tpu.dot_dimension_numbers<[0], [0], [1], [1], [0, 1, 1, 1], [], []>, transpose_lhs_hint = false} : vector<32x8192xf32>, vector<32x32xf32>, vector<8192x32xf32> -> vector<8192x32xf32>
    %swap3A_14 = arith.constant 0 : index
    %swap3A_15 = arith.constant 32 : index
    %swap3A_16 = vector.load %arg5[%swap3A_14, %swap3A_15] : memref<8192x128xf32, #tpu.memory_space<vmem>>, vector<8192x32xf32>
    tpu.vector_store %arg5[%swap3A_14, %swap3A_15], %dot_general3A_13 {strides = array<i32>} : memref<8192x128xf32, #tpu.memory_space<vmem>>, vector<8192x32xf32>,
    %get3A_17 = arith.constant 0 : index
    %get3A_18 = arith.constant 0 : index
    %get3A_19 = vector.load %arg3[%get3A_17, %get3A_18] : memref<32x8192xf32, #tpu.memory_space<vmem>>, vector<32x8192xf32>
    %dot_general3A_20 = arith.constant dense<0.000000e+00> : vector<8192x32xf32>
    %dot_general3A_21 = tpu.matmul %get3A_19, %convert_element_type3A_3, %dot_general3A_20 {dimension_numbers = #tpu.dot_dimension_numbers<[0], [0], [1], [1], [0, 1, 1, 1], [], []>, transpose_lhs_hint = false} : vector<32x8192xf32>, vector<32x32xf32>, vector<8192x32xf32> -> vector<8192x32xf32>
    %swap3A_22 = arith.constant 0 : index
    %swap3A_23 = arith.constant 64 : index
    %swap3A_24 = vector.load %arg5[%swap3A_22, %swap3A_23] : memref<8192x128xf32, #tpu.memory_space<vmem>>, vector<8192x32xf32>
    tpu.vector_store %arg5[%swap3A_22, %swap3A_23], %dot_general3A_21 {strides = array<i32>} : memref<8192x128xf32, #tpu.memory_space<vmem>>, vector<8192x32xf32>,
    %get3A_25 = arith.constant 0 : index
    %get3A_26 = arith.constant 0 : index
    %get3A_27 = vector.load %arg4[%get3A_25, %get3A_26] : memref<32x8192xf32, #tpu.memory_space<vmem>>, vector<32x8192xf32>
    %dot_general3A_28 = arith.constant dense<0.000000e+00> : vector<8192x32xf32>
    %dot_general3A_29 = tpu.matmul %get3A_27, %convert_element_type3A_3, %dot_general3A_28 {dimension_numbers = #tpu.dot_dimension_numbers<[0], [0], [1], [1], [0, 1, 1, 1], [], []>, transpose_lhs_hint = false} : vector<32x8192xf32>, vector<32x32xf32>, vector<8192x32xf32> -> vector<8192x32xf32>
    %swap3A_30 = arith.constant 0 : index
    %swap3A_31 = arith.constant 96 : index
    %swap3A_32 = vector.load %arg5[%swap3A_30, %swap3A_31] : memref<8192x128xf32, #tpu.memory_space<vmem>>, vector<8192x32xf32>
    tpu.vector_store %arg5[%swap3A_30, %swap3A_31], %dot_general3A_29 {strides = array<i32>} : memref<8192x128xf32, #tpu.memory_space<vmem>>, vector<8192x32xf32>,
    return
  }
  func.func @transform_0(%arg0: i32) -> (i32, i32) {
    %add3A = arith.constant 0 : i32
    %add3A_0 = arith.addi %add3A, %arg0 : i32
    %min3A = arith.constant 122 : i32
    %min3A_1 = arith.minsi %add3A_0, %min3A : i32
    %c0_i32 = arith.constant 0 : i32
    %c0_i32_2 = arith.constant 0 : i32
    return %c0_i32, %min3A_1 : i32, i32
  }
  func.func @transform_1(%arg0: i32) -> (i32, i32) {
    %add3A = arith.constant 32 : i32
    %add3A_0 = arith.addi %add3A, %arg0 : i32
    %min3A = arith.constant 122 : i32
    %min3A_1 = arith.minsi %add3A_0, %min3A : i32
    %c0_i32 = arith.constant 0 : i32
    %c0_i32_2 = arith.constant 0 : i32
    return %c0_i32, %min3A_1 : i32, i32
  }
  func.func @transform_2(%arg0: i32) -> (i32, i32) {
    %add3A = arith.constant 64 : i32
    %add3A_0 = arith.addi %add3A, %arg0 : i32
    %min3A = arith.constant 122 : i32
    %min3A_1 = arith.minsi %add3A_0, %min3A : i32
    %c0_i32 = arith.constant 0 : i32
    %c0_i32_2 = arith.constant 0 : i32
    return %c0_i32, %min3A_1 : i32, i32
  }
  func.func @transform_3(%arg0: i32) -> (i32, i32) {
    %add3A = arith.constant 96 : i32
    %add3A_0 = arith.addi %add3A, %arg0 : i32
    %min3A = arith.constant 122 : i32
    %min3A_1 = arith.minsi %add3A_0, %min3A : i32
    %c0_i32 = arith.constant 0 : i32
    %c0_i32_2 = arith.constant 0 : i32
    return %c0_i32, %min3A_1 : i32, i32
  }
  func.func @transform_4(%arg0: i32) -> (i32, i32) {
    %c0_i32 = arith.constant 0 : i32
    %c0_i32_0 = arith.constant 0 : i32
    return %arg0, %c0_i32 : i32, i32
  }
}

module attributes {stable_mosaic.version = 14 : i64} {
  func.func @body(%arg0: i32, %arg1: memref<2048x32xf32, #tpu.memory_space<vmem>>, %arg2: memref<2048x32xf32, #tpu.memory_space<vmem>>, %arg3: memref<2048x32xf32, #tpu.memory_space<vmem>>, %arg4: memref<2048x32xf32, #tpu.memory_space<vmem>>, %arg5: memref<50x2048xi32, #tpu.memory_space<vmem>>, %arg6: memref<50x2048xi32, #tpu.memory_space<vmem>>, %arg7: memref<256x128xf32, #tpu.memory_space<vmem>>, %arg8: memref<1x256xf32, #tpu.memory_space<vmem>>, %arg9: memref<2x256xf32, #tpu.memory_space<vmem>>, %arg10: memref<1x2xf32, #tpu.memory_space<vmem>>, %arg11: memref<2048x2xf32, #tpu.memory_space<vmem>>) attributes {dimension_semantics = [#tpu.dimension_semantics<arbitrary>], iteration_bounds = array<i64: 8>, scalar_prefetch = 0 : i64, scratch_operands = 0 : i64, tpu.core_type = #tpu.core_type<tc>, window_params = [{transform_indices = @transform_0, window_bounds = array<i64: 2048, 32>}, {transform_indices = @transform_1, window_bounds = array<i64: 2048, 32>}, {transform_indices = @transform_2, window_bounds = array<i64: 2048, 32>}, {transform_indices = @transform_3, window_bounds = array<i64: 2048, 32>}, {transform_indices = @transform_4, window_bounds = array<i64: 50, 2048>}, {transform_indices = @transform_5, window_bounds = array<i64: 50, 2048>}, {pipeline_mode = #tpu.pipeline_mode<synchronous>, transform_indices = @transform_6, window_bounds = array<i64: 256, 128>}, {pipeline_mode = #tpu.pipeline_mode<synchronous>, transform_indices = @transform_7, window_bounds = array<i64: 1, 256>}, {pipeline_mode = #tpu.pipeline_mode<synchronous>, transform_indices = @transform_8, window_bounds = array<i64: 2, 256>}, {pipeline_mode = #tpu.pipeline_mode<synchronous>, transform_indices = @transform_9, window_bounds = array<i64: 1, 2>}, {transform_indices = @transform_10, window_bounds = array<i64: 2048, 2>}]} {
    %get3A = arith.constant 0 : index
    %get3A_0 = arith.constant 0 : index
    %get3A_1 = vector.load %arg5[%get3A, %get3A_0] : memref<50x2048xi32, #tpu.memory_space<vmem>>, vector<50x2048xi32>
    %ne3A = arith.constant 1000000 : i32
    %ne3A_2 = vector.broadcast %ne3A : i32 to vector<50x2048xi32>
    %ne3A_3 = arith.cmpi ne, %get3A_1, %ne3A_2 : vector<50x2048xi32>
    %convert_element_type3A = arith.extui %ne3A_3 : vector<50x2048xi1> to vector<50x2048xi32>
    %convert_element_type3A_4 = arith.sitofp %convert_element_type3A : vector<50x2048xi32> to vector<50x2048xf32>
    %reduce_sum3A = arith.constant dense<0.000000e+00> : vector<2048xf32>
    %reduce_sum3A_5 = vector.multi_reduction <add>, %convert_element_type3A_4, %reduce_sum3A [0] : vector<50x2048xf32> to vector<2048xf32>
    %broadcast_in_dim3A = vector.shape_cast %reduce_sum3A_5 : vector<2048xf32> to vector<1x2048xf32>
    %transpose3A = tpu.transpose %broadcast_in_dim3A, [1, 0] : vector<1x2048xf32> -> vector<2048x1xf32>
    %get3A_6 = arith.constant 0 : index
    %get3A_7 = arith.constant 0 : index
    %get3A_8 = vector.load %arg6[%get3A_6, %get3A_7] : memref<50x2048xi32, #tpu.memory_space<vmem>>, vector<50x2048xi32>
    %ne3A_9 = arith.constant 1000000 : i32
    %ne3A_10 = vector.broadcast %ne3A_9 : i32 to vector<50x2048xi32>
    %ne3A_11 = arith.cmpi ne, %get3A_8, %ne3A_10 : vector<50x2048xi32>
    %convert_element_type3A_12 = arith.extui %ne3A_11 : vector<50x2048xi1> to vector<50x2048xi32>
    %convert_element_type3A_13 = arith.sitofp %convert_element_type3A_12 : vector<50x2048xi32> to vector<50x2048xf32>
    %reduce_sum3A_14 = arith.constant dense<0.000000e+00> : vector<2048xf32>
    %reduce_sum3A_15 = vector.multi_reduction <add>, %convert_element_type3A_13, %reduce_sum3A_14 [0] : vector<50x2048xf32> to vector<2048xf32>
    %broadcast_in_dim3A_16 = vector.shape_cast %reduce_sum3A_15 : vector<2048xf32> to vector<1x2048xf32>
    %transpose3A_17 = tpu.transpose %broadcast_in_dim3A_16, [1, 0] : vector<1x2048xf32> -> vector<2048x1xf32>
    %get3A_18 = arith.constant 0 : index
    %get3A_19 = arith.constant 0 : index
    %get3A_20 = vector.load %arg1[%get3A_18, %get3A_19] : memref<2048x32xf32, #tpu.memory_space<vmem>>, vector<2048x32xf32>
    %get3A_21 = arith.constant 0 : index
    %get3A_22 = arith.constant 0 : index
    %get3A_23 = vector.load %arg2[%get3A_21, %get3A_22] : memref<2048x32xf32, #tpu.memory_space<vmem>>, vector<2048x32xf32>
    %add3A = arith.addf %get3A_20, %get3A_23 : vector<2048x32xf32>
    %div3A = vector.broadcast %transpose3A : vector<2048x1xf32> to vector<2048x32xf32>
    %div3A_24 = arith.divf %add3A, %div3A : vector<2048x32xf32>
    %get3A_25 = arith.constant 0 : index
    %get3A_26 = arith.constant 0 : index
    %get3A_27 = vector.load %arg3[%get3A_25, %get3A_26] : memref<2048x32xf32, #tpu.memory_space<vmem>>, vector<2048x32xf32>
    %get3A_28 = arith.constant 0 : index
    %get3A_29 = arith.constant 0 : index
    %get3A_30 = vector.load %arg4[%get3A_28, %get3A_29] : memref<2048x32xf32, #tpu.memory_space<vmem>>, vector<2048x32xf32>
    %add3A_31 = arith.addf %get3A_27, %get3A_30 : vector<2048x32xf32>
    %div3A_32 = vector.broadcast %transpose3A_17 : vector<2048x1xf32> to vector<2048x32xf32>
    %div3A_33 = arith.divf %add3A_31, %div3A_32 : vector<2048x32xf32>
    %mul3A = arith.mulf %div3A_24, %div3A_33 : vector<2048x32xf32>
    %sub3A = arith.subf %div3A_24, %div3A_33 : vector<2048x32xf32>
    %abs3A = math.absf %sub3A : vector<2048x32xf32>
    %concatenate3A = tpu.concatenate %div3A_24, %div3A_33, %mul3A, %abs3A in 1 : vector<2048x32xf32>, vector<2048x32xf32>, vector<2048x32xf32>, vector<2048x32xf32> -> vector<2048x128xf32>
    %get3A_34 = arith.constant 0 : index
    %get3A_35 = arith.constant 0 : index
    %get3A_36 = vector.load %arg7[%get3A_34, %get3A_35] : memref<256x128xf32, #tpu.memory_space<vmem>>, vector<256x128xf32>
    %dot_general3A = arith.constant dense<0.000000e+00> : vector<2048x256xf32>
    %dot_general3A_37 = tpu.matmul %concatenate3A, %get3A_36, %dot_general3A {dimension_numbers = #tpu.dot_dimension_numbers<[1], [1], [0], [0], [0, 0, 1, 0], [], []>, transpose_lhs_hint = false} : vector<2048x128xf32>, vector<256x128xf32>, vector<2048x256xf32> -> vector<2048x256xf32>
    %get3A_38 = arith.constant 0 : index
    %get3A_39 = arith.constant 0 : index
    %get3A_40 = vector.load %arg8[%get3A_38, %get3A_39] : memref<1x256xf32, #tpu.memory_space<vmem>>, vector<1x256xf32>
    %add3A_41 = vector.broadcast %get3A_40 : vector<1x256xf32> to vector<2048x256xf32>
    %add3A_42 = arith.addf %dot_general3A_37, %add3A_41 : vector<2048x256xf32>
    %logistic3A = arith.negf %add3A_42 : vector<2048x256xf32>
    %logistic3A_43 = math.exp %logistic3A : vector<2048x256xf32>
    %logistic3A_44 = arith.constant 1.000000e+00 : f32
    %logistic3A_45 = vector.broadcast %logistic3A_44 : f32 to vector<2048x256xf32>
    %logistic3A_46 = arith.addf %logistic3A_45, %logistic3A_43 : vector<2048x256xf32>
    %logistic3A_47 = arith.divf %logistic3A_45, %logistic3A_46 : vector<2048x256xf32>
    %get3A_48 = arith.constant 0 : index
    %get3A_49 = arith.constant 0 : index
    %get3A_50 = vector.load %arg9[%get3A_48, %get3A_49] : memref<2x256xf32, #tpu.memory_space<vmem>>, vector<2x256xf32>
    %dot_general3A_51 = arith.constant dense<0.000000e+00> : vector<2048x2xf32>
    %dot_general3A_52 = tpu.matmul %logistic3A_47, %get3A_50, %dot_general3A_51 {dimension_numbers = #tpu.dot_dimension_numbers<[1], [1], [0], [0], [0, 0, 1, 0], [], []>, transpose_lhs_hint = false} : vector<2048x256xf32>, vector<2x256xf32>, vector<2048x2xf32> -> vector<2048x2xf32>
    %get3A_53 = arith.constant 0 : index
    %get3A_54 = arith.constant 0 : index
    %get3A_55 = vector.load %arg10[%get3A_53, %get3A_54] : memref<1x2xf32, #tpu.memory_space<vmem>>, vector<1x2xf32>
    %add3A_56 = vector.broadcast %get3A_55 : vector<1x2xf32> to vector<2048x2xf32>
    %add3A_57 = arith.addf %dot_general3A_52, %add3A_56 : vector<2048x2xf32>
    %swap3A = arith.constant 0 : index
    %swap3A_58 = arith.constant 0 : index
    %swap3A_59 = vector.load %arg11[%swap3A, %swap3A_58] : memref<2048x2xf32, #tpu.memory_space<vmem>>, vector<2048x2xf32>
    tpu.vector_store %arg11[%swap3A, %swap3A_58], %add3A_57 {strides = array<i32>} : memref<2048x2xf32, #tpu.memory_space<vmem>>, vector<2048x2xf32>,
    return
  }
  func.func @transform_0(%arg0: i32) -> (i32, i32) {
    %c0_i32 = arith.constant 0 : i32
    %c0_i32_0 = arith.constant 0 : i32
    return %arg0, %c0_i32 : i32, i32
  }
  func.func @transform_1(%arg0: i32) -> (i32, i32) {
    %c0_i32 = arith.constant 0 : i32
    %c0_i32_0 = arith.constant 0 : i32
    return %arg0, %c0_i32 : i32, i32
  }
  func.func @transform_2(%arg0: i32) -> (i32, i32) {
    %c0_i32 = arith.constant 0 : i32
    %c0_i32_0 = arith.constant 0 : i32
    return %arg0, %c0_i32 : i32, i32
  }
  func.func @transform_3(%arg0: i32) -> (i32, i32) {
    %c0_i32 = arith.constant 0 : i32
    %c0_i32_0 = arith.constant 0 : i32
    return %arg0, %c0_i32 : i32, i32
  }
  func.func @transform_4(%arg0: i32) -> (i32, i32) {
    %c0_i32 = arith.constant 0 : i32
    %c0_i32_0 = arith.constant 0 : i32
    return %c0_i32, %arg0 : i32, i32
  }
  func.func @transform_5(%arg0: i32) -> (i32, i32) {
    %c0_i32 = arith.constant 0 : i32
    %c0_i32_0 = arith.constant 0 : i32
    return %c0_i32, %arg0 : i32, i32
  }
  func.func @transform_6(%arg0: i32) -> (i32, i32) {
    %c0_i32 = arith.constant 0 : i32
    %c0_i32_0 = arith.constant 0 : i32
    %c0_i32_1 = arith.constant 0 : i32
    return %c0_i32, %c0_i32_0 : i32, i32
  }
  func.func @transform_7(%arg0: i32) -> (i32, i32) {
    %c0_i32 = arith.constant 0 : i32
    %c0_i32_0 = arith.constant 0 : i32
    %c0_i32_1 = arith.constant 0 : i32
    return %c0_i32, %c0_i32_0 : i32, i32
  }
  func.func @transform_8(%arg0: i32) -> (i32, i32) {
    %c0_i32 = arith.constant 0 : i32
    %c0_i32_0 = arith.constant 0 : i32
    %c0_i32_1 = arith.constant 0 : i32
    return %c0_i32, %c0_i32_0 : i32, i32
  }
  func.func @transform_9(%arg0: i32) -> (i32, i32) {
    %c0_i32 = arith.constant 0 : i32
    %c0_i32_0 = arith.constant 0 : i32
    %c0_i32_1 = arith.constant 0 : i32
    return %c0_i32, %c0_i32_0 : i32, i32
  }
  func.func @transform_10(%arg0: i32) -> (i32, i32) {
    %c0_i32 = arith.constant 0 : i32
    %c0_i32_0 = arith.constant 0 : i32
    return %arg0, %c0_i32 : i32, i32
  }
}

</mosaic_0001>

<sc_bundles>
// kernel: kernel.5.cloned.1.call-start
scs
__scs_entry_jumppad:
0x0: {  	(pc) =	sbr.rel $0x88, $3  }
0x1: {  	(tag) =	ssettag $0x0;
	lr =	simm.s32 $0x1  }
0x2: {  	[smem:$0x3F9A] =	sst lr;
	_ =	strace $0xD0000000  }
0x3: {  	_ = 	snop  }
0x4: {  	_ = 	snop  }
0x5: {  	_ = 	snop  }
0x6: {  	_ = 	snop  }
0x7: {  	_ = 	snop  }
__scs_overlays_trampoline_lowered:
0x8: {  	[smem:$0x3FA9] =	sst s0  }
0x9: {  	[smem:$0x3FAA] =	sst s1  }
0xa: {  	[smem:$0x3FAB] =	sst s2  }
0xb: {  	[smem:$0x3FAC] =	sst s3  }
0xc: {  	[smem:$0x3FAD] =	sst s4  }
0xd: {  	[smem:$0x3FAE] =	sst s5  }
0xe: {  	[smem:$0x3FAF] =	sst s6  }
0xf: {  	[smem:$0x3FB0] =	sst s7  }
0x10: {  	[smem:$0x3FB1] =	sst s8  }
0x11: {  	[smem:$0x3FB2] =	sst s9;
	s0 =	simm.s32 @!p0 $0x0  }
0x12: {  	s1 =	sld [smem:$0x3F98];
	s0 =	simm.s32 @p0 $0x1  }
0x13: {  	[smem:$0x3FB3] =	sst s0;
	s0 =	simm.s32 @!p1 $0x0  }
0x14: {  	s2 =	sld [smem:$0x3F97];
	s0 =	simm.s32 @p1 $0x1  }
0x15: {  	[smem:$0x3FB4] =	sst s0;
	s0 =	simm.s32 @!p2 $0x0  }
0x16: {  	s3 =	sld [smem:$0x3FDB];
	s0 =	simm.s32 @p2 $0x1  }
0x17: {  	s4 =	simm.s32 $0x1BF5;
	[smem:$0x3FB6] =	sst s0  }
0x18: {  	s0 =	sld [smem:$0x3F99];
	_ =	swait.ge [sflag:s4], $0x0  }
0x19: {  	s7 =	sld [smem:$0x3F9A]  }
0x1a: {  	s8 =	sadd.s32 $0xFFFFE003, lr  }
0x1b: {  	s9 =	sadd.s32 $0xFFFFFEF7, lr;
	s5 =	simm.s32 $0xFFFFFFFF;
	p2 =	slt.u32 s8, $0xFFFFF086  }
0x1c: {  	p1 =	slt.u32 s9, $0xF7A;
	s5 =	simm.s32 @!p2 $0x0  }
0x1d: {  	s5 =	simm.s32 @p1 $0x1;
	p0 =	seq.s32 s7, s2  }
0x1e: {  	s7 =	smul.u32 @!p0 $0xF7A, s2;
	p2 =	seq.s32 @!p0 s5, $0x0  }
0x1f: {  	s9 =	smul.u32 $0xF7A, s1;
	s8 =	simm.s32 @!p0 $0x1BF5;
	p2 =	por !p2, p0  }
0x20: {  	[sflag:s8] =	ssyncset.s32 @!p0 $0xFFFFF086;
	s6 =	sadd.s32 @!p0 s3, s7;
	s7 =	simm.s32 @!p0 $0x108  }
0x21: {  	s3 =	sadd.s32 s3, s9;
	s6 =	sadd.s32 @!p0 $0x88, s6;
	s7 =	simm.s32 @p2 $0x1082  }
0x22: {  	[simem:s7], [sflag:s8] =	dma.local @!p0 [hbm:s6], $0xF7A  }
0x23: {  	s9 =	sor.u32 $0xD0000000, s2;
	s6 =	simm.s32 $0x108;
	_ =	swait.ge @!p0 [sflag:s8], $0x0  }
0x24: {  	s3 =	sadd.s32 $0x88, s3;
	s6 =	simm.s32 @!p1 $0x1082;
	[sflag:s4] =	ssyncset.s32 $0xFFFFF086  }
0x25: {  	[simem:s6], [sflag:s4] =	dma.local [hbm:s3], $0xF7A  }
0x26: {  	[smem:$0x3F9A] =	sst s1;
	(tag) =	ssettag s2;
	_ =	strace s9  }
0x27: {  	s1 =	sld [smem:$0x3FAA]  }
0x28: {  	s2 =	sld [smem:$0x3FAB]  }
0x29: {  	s4 =	sld [smem:$0x3FAD]  }
0x2a: {  	p0 =	seq.s32 s5, $0x0;
	s5 =	sld [smem:$0x3FAE]  }
0x2b: {  	s6 =	sld [smem:$0x3FAF]  }
0x2c: {  	s7 =	sld [smem:$0x3FB0]  }
0x2d: {  	s3 =	simm.s32 $0x108;
	s8 =	sld [smem:$0x3FB1]  }
0x2e: {  	s3 =	simm.s32 @!p0 $0x1082;
	s9 =	sld [smem:$0x3FB2]  }
0x2f: {  	lr =	sadd.s32 s0, s3;
	s0 =	sld [smem:$0x3FA9]  }
0x30: {  	s3 =	sld [smem:$0x3FAC]  }
0x31: {  	[smem:$0x3FB5] =	sst s10  }
0x32: {  	s10 =	sld [smem:$0x3FB3];
	_ =	sdelay $0x3  }
0x33: {  	p0 =	seq.s32 s10, $0x1;
	s10 =	sld [smem:$0x3FB5];
	_ =	sdelay $0x3  }
0x34: {  	[smem:$0x3FB5] =	sst s10  }
0x35: {  	s10 =	sld [smem:$0x3FB4];
	_ =	sdelay $0x3  }
0x36: {  	p1 =	seq.s32 s10, $0x1;
	s10 =	sld [smem:$0x3FB5];
	_ =	sdelay $0x3  }
0x37: {  	[smem:$0x3FB5] =	sst s10  }
0x38: {  	s10 =	sld [smem:$0x3FB6]  }
0x39: {  	_ = 	snop;
	(pc) =	sbr.ind lr, $3  }
0x3a: {  	_ = 	snop  }
0x3b: {  	_ = 	snop  }
0x3c: {  	p2 =	seq.s32 s10, $0x1;
	s10 =	sld [smem:$0x3FB5]  }
0x3d: {  	_ =	shalt  }
0x3e: {  	_ =	shalt  }
0x3f: {  	_ =	shalt  }
0x40: {  	_ =	shalt  }
0x41: {  	_ =	shalt  }
0x42: {  	_ =	shalt  }
0x43: {  	_ =	shalt  }
0x44: {  	_ =	shalt  }
0x45: {  	_ =	shalt  }
0x46: {  	_ =	shalt  }
0x47: {  	_ =	shalt  }
0x48: {  	_ =	shalt  }
0x49: {  	_ =	shalt  }
0x4a: {  	_ =	shalt  }
0x4b: {  	_ =	shalt  }
0x4c: {  	_ =	shalt  }
0x4d: {  	_ =	shalt  }
0x4e: {  	_ =	shalt  }
0x4f: {  	_ =	shalt  }
0x50: {  	_ =	shalt  }
0x51: {  	_ =	shalt  }
0x52: {  	_ =	shalt  }
0x53: {  	_ =	shalt  }
0x54: {  	_ =	shalt  }
0x55: {  	_ =	shalt  }
0x56: {  	_ =	shalt  }
0x57: {  	_ =	shalt  }
0x58: {  	_ =	shalt  }
0x59: {  	_ =	shalt  }
0x5a: {  	_ =	shalt  }
0x5b: {  	_ =	shalt  }
0x5c: {  	_ =	shalt  }
0x5d: {  	_ =	shalt  }
0x5e: {  	_ =	shalt  }
0x5f: {  	_ =	shalt  }
0x60: {  	_ =	shalt  }
0x61: {  	_ =	shalt  }
0x62: {  	_ =	shalt  }
0x63: {  	_ =	shalt  }
0x64: {  	_ =	shalt  }
0x65: {  	_ =	shalt  }
0x66: {  	_ =	shalt  }
0x67: {  	_ =	shalt  }
0x68: {  	_ =	shalt  }
0x69: {  	_ =	shalt  }
0x6a: {  	_ =	shalt  }
0x6b: {  	_ =	shalt  }
0x6c: {  	_ =	shalt  }
0x6d: {  	_ =	shalt  }
0x6e: {  	_ =	shalt  }
0x6f: {  	_ =	shalt  }
0x70: {  	_ =	shalt  }
0x71: {  	_ =	shalt  }
0x72: {  	_ =	shalt  }
0x73: {  	_ =	shalt  }
0x74: {  	_ =	shalt  }
0x75: {  	_ =	shalt  }
0x76: {  	_ =	shalt  }
0x77: {  	_ =	shalt  }
0x78: {  	_ =	shalt  }
0x79: {  	_ =	shalt  }
0x7a: {  	_ =	shalt  }
0x7b: {  	_ =	shalt  }
0x7c: {  	_ =	shalt  }
0x7d: {  	_ =	shalt  }
0x7e: {  	_ =	shalt  }
0x7f: {  	_ =	shalt  }
0x80: {  	_ =	shalt  }
0x81: {  	_ =	shalt  }
0x82: {  	_ =	shalt  }
0x83: {  	_ =	shalt  }
0x84: {  	_ =	shalt  }
0x85: {  	_ =	shalt  }
0x86: {  	_ =	shalt  }
0x87: {  	_ =	shalt  }
.Lfunc_end0:
.L_simem_size_0:
called_computation_lowered:
.L_overlay_start_0:
0x88: {  	s2 =	sld [smem:$0x3FD9]  }
0x89: {  	s3 =	sld [smem:$0x3FFE];
	_ =	sdelay $0x1  }
0x8a: {  	s1 =	srdreg.scid  }
0x8b: {  	s0 =	sand.u32 $0x1, s1  }
0x8c: {  	s16 =	sshll.u32 s0, $0xA;
	s2 =	sadd.s32 s3, s2  }
0x8d: {  	s2 =	sadd.s32 s2, s16  }
0x8e: {  	[smem:$0x3FC1] =	sst s2  }
0x8f: {  	_ = 	snop  }
0x90: {  	(tm) =	ssettm $0x1  }
0x91: {  	s17 =	sld [smem:$0x3FFB];
	_ =	sdelay $0x3  }
0x92: {  	_ =	strace s17  }
0x93: {  	s2 =	sld [smem:$0x3FFC];
	_ =	sdelay $0x3  }
0x94: {  	_ =	strace s2  }
0x95: {  	s2 =	sld [smem:$0x3FFD];
	_ =	sdelay $0x3  }
0x96: {  	_ =	strace s2  }
0x97: {  	_ =	strace $0x8FFFFFFF  }
0x98: {  	s18 =	sld [smem:$0x3FDB];
	_ =	sdelay $0x1  }
0x99: {  	s19 =	simm.s32 $_scs_section_size  }
0x9a: {  	s4 =	simm.s32 $_size__tile_overlayer_lowered;
	s5 =	simm.s32 $_tile_overlayer_lowered  }
0x9b: {  	s22 =	simm.s32 $0x1BFF;
	s21 =	sshll.u32 s5, $0x1;
	s2 =	sadd.s32 s19, s18  }
0x9c: {  	s6 =	simm.s32 $0x0;
	s20 =	sshll.u32 s4, $0x1;
	s4 =	sadd.s32 s21, s2  }
0x9d: {  	[timem:s6], [sflag:s22] =	dma.local [hbm:s4], s20  }
0x9e: {  	_ =	swait.ge [sflag:s22], s20  }
0x9f: {  	s3 =	ssub.s32 $0x0, s20;
	[sflag:s22] =	ssyncset.done $0x0  }
0xa0: {  	[sflag:s22] =	ssyncadd.s32 s3;
	_ =	sdelay $0x1  }
0xa1: {  	s23 =	simm.s32 $0x1B8B  }
0xa2: {  	_ =	swait.ge [sflag:s23], $0x1  }
0xa3: {  	[sflag:s23] =	ssyncset.done $0x0  }
0xa4: {  	s25 =	simm.s32 $0x1B8E;
	s24 =	sld [smem:$0x3FFE];
	[sflag:s23] =	ssyncadd.s32 $0xFFFFFFFF  }
0xa5: {  	s26 =	simm.s32 $execute0_lowered;
	[smem:$0x3FD2] =	sst s25  }
0xa6: {  	s4 =	sshll.u32 s26, $0x1;
	_ =	strace $0x80000046;
	[dreg:$0x1] =	wrdreg $0xFFFFFFFF  }
0xa7: {  	s28 =	simm.s32 $_size_execute0_lowered;
	s2 =	sadd.s32 s2, s4;
	[dreg:$0x0] =	wrdreg $0x0  }
0xa8: {  	s4 =	sshll.u32 s28, $0x1;
	[dreg:$0x2] =	wrdreg s2  }
0xa9: {  	[dreg:$0x3] =	wrdreg s4  }
0xaa: {  	[dreg:$0x4] =	wrdreg $0xC0  }
0xab: {  	_ =	task [dreg:s6], $0x5FFFF  }
0xac: {  	[dreg:$0x1] =	wrdreg $0xFFFFFFFF  }
0xad: {  	[dreg:$0x0] =	wrdreg $0x60  }
0xae: {  	[dreg:$0x2] =	wrdreg s24  }
0xaf: {  	[dreg:$0x3] =	wrdreg $0x9  }
0xb0: {  	_ =	task.clear_ibuf [dreg:s6], $0x4FFFF;
	_ =	strace $0x90000046  }
0xb1: {  	s29 =	simm.s32 $0x9;
	_ =	strace $0x80000048  }
0xb2: {  	_ =	swait.ge [sflag:s29], $0x1  }
0xb3: {  	[sflag:s29] =	ssyncadd.s32 $0xFFFFFFFF  }
0xb4: {  	_ =	strace $0x90000048  }
0xb5: {  	_ =	sfence  }
0xb6: {  	s30 =	sld [smem:$0x0];
	_ =	sdelay $0x2  }
0xb7: {  	s31 =	sshll.u32 s1, $0xD;
	s1 =	sshrl.u32 s1, $0x2  }
0xb8: {  	s3 =	sand.u32 $0x4000, s31;
	s1 =	sadd.s32 s1, s30  }
0xb9: {  	s0 =	sor.u32 s3, s0;
	s1 =	sshll.u32 s1, $0x11  }
0xba: {  	s0 =	sor.u32 s1, s0  }
0xbb: {  	s0 =	sadd.s32 $0x8F2B, s0  }
0xbc: {  	[sflag:s0] =	ssyncadd.remote.s32 $0x1  }
0xbd: {  	_ =	sfence.sel $0xFFFF  }
0xbe: {  	[dreg:$0x0] =	wrdreg $0xFFFFFFFF;
	(pc) =	sbr.abs _section_cstart, $3  }
0xbf: {  	[dreg:$0x1] =	wrdreg $0xFFFFFFFF  }
0xc0: {  	_ =	task.clear_ibuf [dreg:s6], $0x2FFFF;
	_ =	strace $0x9FFFFFFF  }
0xc1: {  	(tm) =	ssettm $0x7FFFFFFF  }
tec
execute0_lowered:
.L_overlay_start_1:
0x0: {  	(tag) =	ssettag $0x1  }
0x1: {  	s0 =	srdreg.scid  }
0x2: {  	s2 =	stileid.u32;
	s1 =	rddreg [dreg:$0x0];
	s11 =	simm.s32 $0x200  }
0x3: {  	s13 =	simm.s32 $0x3;
	s15 =	simm.s32 $0x80;
	s16 =	simm.s32 $0xC800  }
0x4: {  	s17 =	simm.s32 $0xD800;
	s19 =	simm.s32 $0xE800;
	s21 =	simm.s32 $0xF800  }
0x5: {  	s22 =	simm.s32 $0x14800;
	s24 =	simm.s32 $0x15800;
	s29 =	simm.s32 $0x17800  }
0x6: {  	s30 =	simm.s32 $0x10800;
	s18 =	simm.s32 $0x12800;
	s23 =	simm.s32 $0x13800  }
0x7: {  	s28 =	simm.s32 $0x18800;
	s20 =	simm.s32 $0x1B800;
	s31 =	simm.s32 $0x1  }
0x8: {  	s0 =	sand.u32 $0x1, s0;
	s3 =	sshll.u32 s2, $0x1;
	s2 =	simm.s32 $0x0  }
0x9: {  	s12 =	simm.s32 $0x2;
	s3 =	sor.u32 s0, s3;
	[smem:$0x7FF] =	sst s2  }
0xa: {  	s0 =	ssub.s32 $0x2, s0;
	s4 =	sshll.u32 s3, $0x6;
	_ =	strace $0x80000047  }
0xb: {  	s5 =	sshll.u32 s3, $0xB;
	s3 =	sadd.s32 $0x33C00, s1;
	s25 =	sshrl.u32 s0, $0x1  }
0xc: {  	s4 =	sadd.s32 s4, s1;
	s1 =	sadd.s32 s5, s1;
	s0 =	ssub.s32 s0, s25  }
0xd: {  	s25 =	simm.s32 $0x1A800;
	s6 =	sadd.s32 $0x1C00, s4;
	s4 =	sadd.s32 $0x1AC00, s4  }
0xe: {  	s14 =	simm.s32 $0x0;
	s26 =	sadd.s32 $0x443C00, s1;
	s7 =	sadd.s32 $0x433C00, s1  }
0xf: {  	s8 =	sadd.s32 $0x453C00, s1;
	s9 =	sadd.s32 $0x463C00, s1;
	[dreg:$0x2] =	wrdreg s6  }
0x10: {  	s10 =	smax.u32 s0, $0x1;
	s1 =	simm.s32 $0x11800;
	[dreg:$0x3] =	wrdreg s4  }
0x11: {  	s0 =	simm.s32 $0x19800;
	[dreg:$0x4] =	wrdreg s26;
	s26 =	simm.s32 $0x16800  }
.LBB2_1:
0x12: {  	s4 =	rddreg [dreg:$0x2];
	s5 =	simm.s32 $0x4000  }
0x13: {  	[tilespmem:s2], [sflag:$0x3] =	stream.strided.gather [hbm4b:s4+s11], $0x6400, s5, s11, $0x38;
	[tilespmem:$0x1C800] =	vst v63  }
0x14: {  	_ =	swait.ge [sflag:s13], $0x6400  }
0x15: {  	[sflag:s13] =	ssyncset.done $0x0  }
0x16: {  	s6 =	simm.s32 $0x6400;
	s4 =	rddreg [dreg:$0x3];
	[sflag:s13] =	ssyncadd.s32 $0xFFFF9C00  }
0x17: {  	[tilespmem:s6], [sflag:$0x3] =	stream.strided.gather [hbm4b:s4+s11], $0x6400, s5, s11, $0x38;
	[tilespmem:$0x1C800] =	vst v63  }
0x18: {  	_ =	swait.ge [sflag:s13], $0x6400  }
0x19: {  	[sflag:s13] =	ssyncset.done $0x0  }
0x1a: {  	s4 =	simm.s32 $0x0;
	[sflag:s13] =	ssyncadd.s32 $0xFFFF9C00  }
0x1b: {  	v0 =	vld [tilespmem:s4+$0x0]  }
0x1c: {  	v1 =	vld [tilespmem:s4+$0x10];
	_ =	sdelay $0x1  }
0x1d: {  	v2 =	vld [tilespmem:s4+$0x20]  }
0x1e: {  	v3 =	vld [tilespmem:s4+$0x30]  }
0x1f: {  	v19 =	vshll.u32 v0, $0x2  }
0x20: {  	v4 =	vld [tilespmem:s4+$0x40];
	v0 =	vshra.s32 v0, $0x12;
	v22 =	vshll.u32 v1, $0x2;
	v19 =	vand.u32 $0xFFFFC, v19  }
0x21: {  	v5 =	vld [tilespmem:s4+$0x50];
	v1 =	vshra.s32 v1, $0x12;
	v22 =	vand.u32 $0xFFFFC, v22;
	v0 =	vadd.s32 v0, v19  }
0x22: {  	v6 =	vld [tilespmem:s4+$0x60];
	[tilespmem:s4+$0x0] =	vst v0;
	v0 =	vadd.s32 v1, v22;
	v1 =	vshll.u32 v2, $0x2  }
0x23: {  	v23 =	vshll.u32 v3, $0x2;
	v2 =	vshra.s32 v2, $0x12;
	v1 =	vand.u32 $0xFFFFC, v1  }
0x24: {  	v7 =	vld [tilespmem:s4+$0x70];
	[tilespmem:s4+$0x10] =	vst v0;
	v0 =	vadd.s32 v2, v1;
	v1 =	vand.u32 $0xFFFFC, v23;
	v2 =	vshra.s32 v3, $0x12  }
0x25: {  	v8 =	vld [tilespmem:s4+$0x80];
	v36 =	vshll.u32 v4, $0x2;
	v1 =	vadd.s32 v2, v1;
	[tilespmem:s4+$0x20] =	vst v0;
	v0 =	vshra.s32 v4, $0x12  }
0x26: {  	v2 =	vand.u32 $0xFFFFC, v36;
	v4 =	vshra.s32 v5, $0x12;
	[tilespmem:s4+$0x30] =	vst v1;
	v1 =	vshll.u32 v5, $0x2  }
0x27: {  	v9 =	vld [tilespmem:s4+$0x90];
	v0 =	vadd.s32 v0, v2;
	v5 =	vshll.u32 v6, $0x2;
	v1 =	vand.u32 $0xFFFFC, v1  }
0x28: {  	v10 =	vld [tilespmem:s4+$0xA0];
	[tilespmem:s4+$0x40] =	vst v0;
	v0 =	vadd.s32 v4, v1;
	v1 =	vshra.s32 v6, $0x12;
	v4 =	vand.u32 $0xFFFFC, v5  }
0x29: {  	v11 =	vld [tilespmem:s4+$0xB0];
	v6 =	vshll.u32 v7, $0x2;
	v1 =	vadd.s32 v1, v4;
	[tilespmem:s4+$0x50] =	vst v0  }
0x2a: {  	v12 =	vld [tilespmem:s4+$0xC0];
	v0 =	vand.u32 $0xFFFFC, v6;
	v4 =	vshra.s32 v7, $0x12;
	[tilespmem:s4+$0x60] =	vst v1;
	v1 =	vshll.u32 v8, $0x2  }
0x2b: {  	v13 =	vld [tilespmem:s4+$0xD0];
	v6 =	vshra.s32 v8, $0x12;
	v0 =	vadd.s32 v4, v0;
	v1 =	vand.u32 $0xFFFFC, v1  }
0x2c: {  	v7 =	vshra.s32 v9, $0x12;
	[tilespmem:s4+$0x70] =	vst v0;
	v0 =	vshll.u32 v9, $0x2;
	v1 =	vadd.s32 v6, v1  }
0x2d: {  	v14 =	vld [tilespmem:s4+$0xE0];
	v8 =	vshra.s32 v10, $0x12;
	v0 =	vand.u32 $0xFFFFC, v0;
	[tilespmem:s4+$0x80] =	vst v1;
	v1 =	vshll.u32 v10, $0x2  }
0x2e: {  	v9 =	vshll.u32 v11, $0x2;
	v0 =	vadd.s32 v7, v0;
	v1 =	vand.u32 $0xFFFFC, v1  }
0x2f: {  	v15 =	vld [tilespmem:s4+$0xF0];
	[tilespmem:s4+$0x90] =	vst v0;
	v0 =	vand.u32 $0xFFFFC, v9;
	v9 =	vshra.s32 v11, $0x12;
	v1 =	vadd.s32 v8, v1  }
0x30: {  	v16 =	vld [tilespmem:s4+$0x100];
	v10 =	vshra.s32 v13, $0x12;
	v0 =	vadd.s32 v9, v0;
	v9 =	vshll.u32 v12, $0x2;
	[tilespmem:s4+$0xA0] =	vst v1  }
0x31: {  	v1 =	vshra.s32 v12, $0x12;
	v9 =	vand.u32 $0xFFFFC, v9;
	[tilespmem:s4+$0xB0] =	vst v0;
	v0 =	vshll.u32 v13, $0x2  }
0x32: {  	v17 =	vld [tilespmem:s4+$0x110];
	v11 =	vshll.u32 v14, $0x2;
	v1 =	vadd.s32 v1, v9;
	v0 =	vand.u32 $0xFFFFC, v0  }
0x33: {  	v18 =	vld [tilespmem:s4+$0x120];
	[tilespmem:s4+$0xC0] =	vst v1;
	v0 =	vadd.s32 v10, v0;
	v1 =	vand.u32 $0xFFFFC, v11;
	v10 =	vshra.s32 v14, $0x12  }
0x34: {  	v20 =	vld [tilespmem:s4+$0x130];
	v37 =	vshll.u32 v15, $0x2;
	v1 =	vadd.s32 v10, v1;
	[tilespmem:s4+$0xD0] =	vst v0  }
0x35: {  	v0 =	vand.u32 $0xFFFFC, v37;
	v10 =	vshra.s32 v15, $0x12;
	[tilespmem:s4+$0xE0] =	vst v1;
	v1 =	vshll.u32 v16, $0x2  }
0x36: {  	v21 =	vld [tilespmem:s4+$0x140];
	v38 =	vshra.s32 v16, $0x12;
	v0 =	vadd.s32 v10, v0;
	v1 =	vand.u32 $0xFFFFC, v1  }
0x37: {  	v34 =	vld [tilespmem:s4+$0x150];
	v40 =	vshra.s32 v17, $0x12;
	[tilespmem:s4+$0xF0] =	vst v0;
	v0 =	vshll.u32 v17, $0x2;
	v1 =	vadd.s32 v38, v1  }
0x38: {  	v35 =	vld [tilespmem:s4+$0x160];
	v42 =	vshra.s32 v18, $0x12;
	v0 =	vand.u32 $0xFFFFC, v0;
	[tilespmem:s4+$0x100] =	vst v1;
	v1 =	vshll.u32 v18, $0x2  }
0x39: {  	v43 =	vshll.u32 v20, $0x2;
	v0 =	vadd.s32 v40, v0;
	v1 =	vand.u32 $0xFFFFC, v1  }
0x3a: {  	v44 =	vshra.s32 v20, $0x12;
	v3 =	vld [tilespmem:s4+$0x170];
	[tilespmem:s4+$0x110] =	vst v0;
	v0 =	vand.u32 $0xFFFFC, v43;
	v1 =	vadd.s32 v42, v1  }
0x3b: {  	v46 =	vshll.u32 v21, $0x2;
	v47 =	vshra.s32 v21, $0x12;
	v2 =	vld [tilespmem:s4+$0x180];
	v0 =	vadd.s32 v44, v0;
	[tilespmem:s4+$0x120] =	vst v1  }
0x3c: {  	v49 =	vshra.s32 v34, $0x12;
	v5 =	vld [tilespmem:s4+$0x190];
	v1 =	vand.u32 $0xFFFFC, v46;
	[tilespmem:s4+$0x130] =	vst v0;
	v0 =	vshll.u32 v34, $0x2  }
0x3d: {  	v50 =	vshll.u32 v35, $0x2;
	v6 =	vld [tilespmem:s4+$0x1B0];
	v1 =	vadd.s32 v47, v1;
	v0 =	vand.u32 $0xFFFFC, v0  }
0x3e: {  	v4 =	vld [tilespmem:s4+$0x1A0];
	v17 =	vand.u32 $0xFFFFC, v50;
	[tilespmem:s4+$0x140] =	vst v1;
	v1 =	vshra.s32 v35, $0x12;
	v0 =	vadd.s32 v49, v0  }
0x3f: {  	v52 =	vshll.u32 v3, $0x2;
	v1 =	vadd.s32 v1, v17;
	[tilespmem:s4+$0x150] =	vst v0  }
0x40: {  	v3 =	vshra.s32 v3, $0x12;
	v0 =	vand.u32 $0xFFFFC, v52;
	[tilespmem:s4+$0x160] =	vst v1;
	v1 =	vshll.u32 v2, $0x2  }
0x41: {  	v7 =	vld [tilespmem:s4+$0x1C0];
	v0 =	vadd.s32 v3, v0;
	v2 =	vshra.s32 v2, $0x12;
	v1 =	vand.u32 $0xFFFFC, v1  }
0x42: {  	v8 =	vld [tilespmem:s4+$0x1D0];
	v53 =	vshll.u32 v6, $0x2;
	[tilespmem:s4+$0x170] =	vst v0;
	v0 =	vshll.u32 v5, $0x2;
	v1 =	vadd.s32 v2, v1  }
0x43: {  	v9 =	vld [tilespmem:s4+$0x1E0];
	v5 =	vshra.s32 v5, $0x12;
	v0 =	vand.u32 $0xFFFFC, v0;
	[tilespmem:s4+$0x180] =	vst v1;
	v1 =	vshll.u32 v4, $0x2  }
0x44: {  	v0 =	vadd.s32 v5, v0;
	v4 =	vshra.s32 v4, $0x12;
	v1 =	vand.u32 $0xFFFFC, v1  }
0x45: {  	v11 =	vld [tilespmem:s4+$0x1F0];
	[tilespmem:s4+$0x190] =	vst v0;
	v0 =	vadd.s32 v4, v1;
	v1 =	vand.u32 $0xFFFFC, v53;
	v4 =	vshra.s32 v6, $0x12  }
0x46: {  	v54 =	vshll.u32 v7, $0x2;
	v10 =	vld [tilespmem:s4+$0x6400];
	v1 =	vadd.s32 v4, v1;
	[tilespmem:s4+$0x1A0] =	vst v0;
	v0 =	vshra.s32 v7, $0x12  }
0x47: {  	v39 =	vld [tilespmem:s4+$0x6410];
	v4 =	vand.u32 $0xFFFFC, v54;
	v7 =	vshra.s32 v8, $0x12;
	[tilespmem:s4+$0x1B0] =	vst v1;
	v1 =	vshll.u32 v8, $0x2  }
0x48: {  	v45 =	vld [tilespmem:s4+$0x6430];
	v0 =	vadd.s32 v0, v4;
	v8 =	vshll.u32 v9, $0x2;
	v1 =	vand.u32 $0xFFFFC, v1  }
0x49: {  	v41 =	vld [tilespmem:s4+$0x6420];
	[tilespmem:s4+$0x1C0] =	vst v0;
	v0 =	vadd.s32 v7, v1;
	v1 =	vshra.s32 v9, $0x12;
	v7 =	vand.u32 $0xFFFFC, v8  }
0x4a: {  	v9 =	vshll.u32 v11, $0x2;
	v1 =	vadd.s32 v1, v7;
	[tilespmem:s4+$0x1D0] =	vst v0  }
0x4b: {  	v48 =	vld [tilespmem:s4+$0x6440];
	v0 =	vand.u32 $0xFFFFC, v9;
	v7 =	vshra.s32 v11, $0x12;
	[tilespmem:s4+$0x1E0] =	vst v1;
	v1 =	vshll.u32 v10, $0x2  }
0x4c: {  	v51 =	vld [tilespmem:s4+$0x6450];
	v9 =	vshra.s32 v10, $0x12;
	v0 =	vadd.s32 v7, v0;
	v1 =	vand.u32 $0xFFFFC, v1  }
0x4d: {  	v55 =	vshll.u32 v45, $0x2;
	[tilespmem:s4+$0x1F0] =	vst v0;
	v0 =	vshll.u32 v39, $0x2;
	v1 =	vadd.s32 v9, v1  }
0x4e: {  	v3 =	vld [tilespmem:s4+$0x6460];
	v10 =	vshra.s32 v39, $0x12;
	v0 =	vand.u32 $0xFFFFC, v0;
	[tilespmem:s4+$0x6400] =	vst v1;
	v1 =	vshll.u32 v41, $0x2  }
0x4f: {  	v11 =	vshra.s32 v41, $0x12;
	v0 =	vadd.s32 v10, v0;
	v1 =	vand.u32 $0xFFFFC, v1  }
0x50: {  	v56 =	vshra.s32 v45, $0x12;
	v2 =	vld [tilespmem:s4+$0x6470];
	[tilespmem:s4+$0x6410] =	vst v0;
	v0 =	vand.u32 $0xFFFFC, v55;
	v1 =	vadd.s32 v11, v1  }
0x51: {  	v57 =	vshll.u32 v48, $0x2;
	v59 =	vshra.s32 v51, $0x12;
	v5 =	vld [tilespmem:s4+$0x6480];
	v0 =	vadd.s32 v56, v0;
	[tilespmem:s4+$0x6420] =	vst v1  }
0x52: {  	v12 =	vand.u32 $0xFFFFC, v57;
	v6 =	vld [tilespmem:s4+$0x6490];
	v1 =	vshra.s32 v48, $0x12;
	[tilespmem:s4+$0x6430] =	vst v0;
	v0 =	vshll.u32 v51, $0x2  }
0x53: {  	v60 =	vshll.u32 v3, $0x2;
	v4 =	vld [tilespmem:s4+$0x64A0];
	v1 =	vadd.s32 v1, v12;
	v0 =	vand.u32 $0xFFFFC, v0  }
0x54: {  	v3 =	vshra.s32 v3, $0x12;
	v8 =	vld [tilespmem:s4+$0x64B0];
	[tilespmem:s4+$0x6440] =	vst v1;
	v0 =	vadd.s32 v59, v0;
	v1 =	vand.u32 $0xFFFFC, v60  }
0x55: {  	v62 =	vshll.u32 v2, $0x2;
	v1 =	vadd.s32 v3, v1;
	[tilespmem:s4+$0x6450] =	vst v0  }
0x56: {  	v2 =	vshra.s32 v2, $0x12;
	v10 =	vld [tilespmem:s4+$0x64E0];
	v0 =	vand.u32 $0xFFFFC, v62;
	[tilespmem:s4+$0x6460] =	vst v1;
	v1 =	vshll.u32 v5, $0x2  }
0x57: {  	v7 =	vld [tilespmem:s4+$0x64C0];
	v3 =	vshra.s32 v5, $0x12;
	v0 =	vadd.s32 v2, v0;
	v1 =	vand.u32 $0xFFFFC, v1  }
0x58: {  	v5 =	vshra.s32 v6, $0x12;
	[tilespmem:s4+$0x6470] =	vst v0;
	v0 =	vshll.u32 v6, $0x2;
	v1 =	vadd.s32 v3, v1  }
0x59: {  	v9 =	vld [tilespmem:s4+$0x64D0];
	v6 =	vshll.u32 v8, $0x2;
	v0 =	vand.u32 $0xFFFFC, v0;
	[tilespmem:s4+$0x6480] =	vst v1;
	v1 =	vshll.u32 v4, $0x2  }
0x5a: {  	v11 =	vld [tilespmem:s4+$0x64F0];
	v0 =	vadd.s32 v5, v0;
	v4 =	vshra.s32 v4, $0x12;
	v1 =	vand.u32 $0xFFFFC, v1  }
0x5b: {  	v61 =	vld [tilespmem:s4+$0x6510];
	[tilespmem:s4+$0x6490] =	vst v0;
	v0 =	vand.u32 $0xFFFFC, v6;
	v6 =	vshra.s32 v8, $0x12;
	v8 =	vshll.u32 v10, $0x2  }
0x5c: {  	v1 =	vadd.s32 v4, v1;
	v0 =	vadd.s32 v6, v0;
	v6 =	vshll.u32 v7, $0x2  }
0x5d: {  	v58 =	vld [tilespmem:s4+$0x6500];
	v8 =	vand.u32 $0xFFFFC, v8;
	[tilespmem:s4+$0x64A0] =	vst v1;
	v1 =	vand.u32 $0xFFFFC, v6  }
0x5e: {  	v4 =	vld [tilespmem:s4+$0x6550];
	v6 =	vshra.s32 v7, $0x12;
	[tilespmem:s4+$0x64B0] =	vst v0;
	v0 =	vshll.u32 v9, $0x2;
	v7 =	vshra.s32 v9, $0x12  }
0x5f: {  	v9 =	vshll.u32 v11, $0x2;
	v1 =	vadd.s32 v6, v1;
	v0 =	vand.u32 $0xFFFFC, v0  }
0x60: {  	v2 =	vld [tilespmem:s4+$0x6520];
	[tilespmem:s4+$0x64C0] =	vst v1;
	v1 =	vshra.s32 v10, $0x12;
	v0 =	vadd.s32 v7, v0;
	v10 =	vshll.u32 v61, $0x2  }
0x61: {  	v3 =	vld [tilespmem:s4+$0x6530];
	v1 =	vadd.s32 v1, v8;
	[tilespmem:s4+$0x64D0] =	vst v0;
	v0 =	vand.u32 $0xFFFFC, v9;
	v8 =	vshra.s32 v11, $0x12  }
0x62: {  	v5 =	vld [tilespmem:s4+$0x6540];
	v9 =	vshra.s32 v58, $0x12;
	v11 =	vshra.s32 v61, $0x12;
	v0 =	vadd.s32 v8, v0  }
0x63: {  	[tilespmem:s4+$0x64E0] =	vst v1;
	v1 =	vshll.u32 v58, $0x2;
	v63 =	vshll.u32 v4, $0x2;
	v4 =	vshra.s32 v4, $0x12  }
0x64: {  	v6 =	vld [tilespmem:s4+$0x6560];
	v1 =	vand.u32 $0xFFFFC, v1;
	[tilespmem:s4+$0x64F0] =	vst v0;
	v0 =	vand.u32 $0xFFFFC, v10;
	v12 =	vand.u32 $0xFFFFC, v63  }
0x65: {  	v7 =	vld [tilespmem:s4+$0x6570];
	v1 =	vadd.s32 v9, v1;
	v9 =	vshll.u32 v2, $0x2;
	v2 =	vshra.s32 v2, $0x12  }
0x66: {  	v0 =	vadd.s32 v11, v0;
	v9 =	vand.u32 $0xFFFFC, v9;
	[tilespmem:s4+$0x6500] =	vst v1;
	v1 =	vshll.u32 v3, $0x2  }
0x67: {  	v8 =	vld [tilespmem:s4+$0x6580];
	v3 =	vshra.s32 v3, $0x12;
	v2 =	vadd.s32 v2, v9;
	v9 =	vshll.u32 v5, $0x2  }
0x68: {  	v10 =	vld [tilespmem:s4+$0x6590];
	v1 =	vand.u32 $0xFFFFC, v1;
	v5 =	vshra.s32 v5, $0x12;
	v9 =	vand.u32 $0xFFFFC, v9  }
0x69: {  	v11 =	vld [tilespmem:s4+$0x65A0];
	[tilespmem:s4+$0x6510] =	vst v0;
	v1 =	vadd.s32 v3, v1;
	v3 =	vadd.s32 v4, v12;
	v4 =	vshll.u32 v6, $0x2  }
0x6a: {  	v0 =	vld [tilespmem:s4+$0x65B0];
	[tilespmem:s4+$0x6520] =	vst v2;
	v2 =	vadd.s32 v5, v9;
	v5 =	vshra.s32 v6, $0x12;
	v6 =	vshll.u32 v7, $0x2  }
0x6b: {  	v4 =	vand.u32 $0xFFFFC, v4;
	v7 =	vshra.s32 v7, $0x12;
	v6 =	vand.u32 $0xFFFFC, v6  }
0x6c: {  	[tilespmem:s4+$0x6530] =	vst v1;
	v1 =	vld [tilespmem:s4+$0x65C0];
	v9 =	vadd.s32 v5, v4;
	v5 =	vshll.u32 v8, $0x2;
	v4 =	vadd.s32 v7, v6  }
0x6d: {  	[tilespmem:s4+$0x6540] =	vst v2;
	v2 =	vld [tilespmem:s4+$0x65D0];
	v5 =	vand.u32 $0xFFFFC, v5;
	v6 =	vshra.s32 v8, $0x12;
	v7 =	vshll.u32 v10, $0x2  }
0x6e: {  	[tilespmem:s4+$0x6560] =	vst v9;
	v9 =	vshll.u32 v11, $0x2;
	v8 =	vshra.s32 v11, $0x12;
	v5 =	vadd.s32 v6, v5  }
0x6f: {  	s5 =	simm.s32 $0x800;
	[tilespmem:s4+$0x6550] =	vst v3;
	v3 =	vld [tilespmem:s4+$0x65E0];
	v6 =	vand.u32 $0xFFFFC, v7;
	v7 =	vshra.s32 v10, $0x12;
	v10 =	vshll.u32 v0, $0x2  }
.LBB2_2:
0x70: {  	p0 =	sne.s32 s5, $0x18800;
	[tilespmem:s4+$0x6570] =	vst v4;
	v4 =	vand.u32 $0xFFFFC, v9;
	v9 =	vand.u32 $0xFFFFC, v10;
	v0 =	vshra.s32 v0, $0x12;
	v10 =	vld [tilespmem:s4+$0x65F0]  }
0x71: {  	s6 =	sshra.s32 s5, $0x2;
	[tilespmem:s4+$0x6580] =	vst v5;
	v5 =	vadd.s32 v7, v6;
	v4 =	vadd.s32 v8, v4;
	v0 =	vadd.s32 v0, v9  }
0x72: {  	v6 =	vld [tilespmem:s6+$0x0];
	[tilespmem:s4+$0x6590] =	vst v5;
	v5 =	vshll.u32 v1, $0x2;
	v1 =	vshra.s32 v1, $0x12;
	v7 =	vshll.u32 v2, $0x2  }
0x73: {  	v2 =	vshra.s32 v2, $0x12;
	v8 =	vld [tilespmem:s6+$0x10];
	[tilespmem:s4+$0x65A0] =	vst v4;
	v4 =	vand.u32 $0xFFFFC, v5;
	v5 =	vand.u32 $0xFFFFC, v7  }
0x74: {  	[tilespmem:s4+$0x65B0] =	vst v0;
	v0 =	vadd.s32 v1, v4;
	v1 =	vadd.s32 v2, v5;
	v2 =	vshll.u32 v3, $0x2  }
0x75: {  	v4 =	vld [tilespmem:s6+$0x20];
	[tilespmem:s4+$0x65C0] =	vst v0;
	v0 =	vand.u32 $0xFFFFC, v2;
	v2 =	vshra.s32 v3, $0x12;
	v3 =	vshll.u32 v10, $0x2  }
0x76: {  	v5 =	vld [tilespmem:s6+$0x30];
	[tilespmem:s4+$0x65D0] =	vst v1;
	v0 =	vadd.s32 v2, v0;
	v1 =	vand.u32 $0xFFFFC, v3;
	v2 =	vshra.s32 v10, $0x12  }
0x77: {  	v3 =	vld [tilespmem:s6+$0x40];
	[tilespmem:s4+$0x65E0] =	vst v0;
	v0 =	vadd.s32 v2, v1  }
0x78: {  	v1 =	vshll.u32 v6, $0x2;
	v2 =	vshra.s32 v6, $0x12;
	v6 =	vshll.u32 v8, $0x2;
	v7 =	vld [tilespmem:s6+$0x50];
	[tilespmem:s4+$0x65F0] =	vst v0;
	s4 =	smov.u32 s6  }
0x79: {  	v0 =	vand.u32 $0xFFFFC, v1;
	v1 =	vand.u32 $0xFFFFC, v6;
	v6 =	vshra.s32 v8, $0x12  }
0x7a: {  	v0 =	vadd.s32 v2, v0;
	v1 =	vadd.s32 v6, v1;
	v2 =	vshll.u32 v4, $0x2;
	v6 =	vld [tilespmem:s4+$0x60]  }
0x7b: {  	v4 =	vshra.s32 v4, $0x12;
	v2 =	vand.u32 $0xFFFFC, v2;
	v8 =	vshll.u32 v5, $0x2;
	v9 =	vld [tilespmem:s4+$0x70]  }
0x7c: {  	v5 =	vshra.s32 v5, $0x12;
	v2 =	vadd.s32 v4, v2;
	v4 =	vand.u32 $0xFFFFC, v8  }
0x7d: {  	v8 =	vshll.u32 v3, $0x2;
	v3 =	vshra.s32 v3, $0x12;
	v10 =	vshll.u32 v7, $0x2;
	v11 =	vld [tilespmem:s4+$0x80]  }
0x7e: {  	v8 =	vand.u32 $0xFFFFC, v8;
	v7 =	vshra.s32 v7, $0x12;
	v10 =	vand.u32 $0xFFFFC, v10;
	v12 =	vld [tilespmem:s4+$0x90]  }
0x7f: {  	v4 =	vadd.s32 v5, v4;
	v3 =	vadd.s32 v3, v8;
	v5 =	vadd.s32 v7, v10;
	v7 =	vld [tilespmem:s4+$0xA0]  }
0x80: {  	v8 =	vshll.u32 v6, $0x2;
	v6 =	vshra.s32 v6, $0x12;
	v10 =	vshll.u32 v9, $0x2;
	v13 =	vld [tilespmem:s4+$0xB0]  }
0x81: {  	v8 =	vand.u32 $0xFFFFC, v8;
	v9 =	vshra.s32 v9, $0x12;
	v10 =	vand.u32 $0xFFFFC, v10  }
0x82: {  	v6 =	vadd.s32 v6, v8;
	v8 =	vadd.s32 v9, v10;
	v9 =	vshll.u32 v11, $0x2;
	v10 =	vld [tilespmem:s4+$0xC0]  }
0x83: {  	v11 =	vshra.s32 v11, $0x12;
	v9 =	vand.u32 $0xFFFFC, v9;
	v14 =	vshll.u32 v12, $0x2;
	v15 =	vld [tilespmem:s4+$0xD0]  }
0x84: {  	v12 =	vshra.s32 v12, $0x12;
	v9 =	vadd.s32 v11, v9;
	v11 =	vand.u32 $0xFFFFC, v14  }
0x85: {  	v14 =	vshll.u32 v7, $0x2;
	v7 =	vshra.s32 v7, $0x12;
	v16 =	vshll.u32 v13, $0x2;
	v17 =	vld [tilespmem:s4+$0xE0]  }
0x86: {  	v14 =	vand.u32 $0xFFFFC, v14;
	v13 =	vshra.s32 v13, $0x12;
	v16 =	vand.u32 $0xFFFFC, v16;
	v18 =	vld [tilespmem:s4+$0xF0]  }
0x87: {  	v11 =	vadd.s32 v12, v11;
	v7 =	vadd.s32 v7, v14;
	v12 =	vadd.s32 v13, v16;
	v13 =	vld [tilespmem:s4+$0x100]  }
0x88: {  	v14 =	vshll.u32 v10, $0x2;
	v10 =	vshra.s32 v10, $0x12;
	v16 =	vshll.u32 v15, $0x2;
	v19 =	vld [tilespmem:s4+$0x110]  }
0x89: {  	v14 =	vand.u32 $0xFFFFC, v14;
	v15 =	vshra.s32 v15, $0x12;
	v16 =	vand.u32 $0xFFFFC, v16  }
0x8a: {  	v10 =	vadd.s32 v10, v14;
	v14 =	vadd.s32 v15, v16;
	v15 =	vshll.u32 v17, $0x2;
	v16 =	vld [tilespmem:s4+$0x120]  }
0x8b: {  	v17 =	vshra.s32 v17, $0x12;
	v15 =	vand.u32 $0xFFFFC, v15;
	v20 =	vshll.u32 v18, $0x2;
	v21 =	vld [tilespmem:s4+$0x130]  }
0x8c: {  	v18 =	vshra.s32 v18, $0x12;
	v15 =	vadd.s32 v17, v15;
	v17 =	vand.u32 $0xFFFFC, v20  }
0x8d: {  	v20 =	vshll.u32 v13, $0x2;
	v13 =	vshra.s32 v13, $0x12;
	v22 =	vshll.u32 v19, $0x2;
	v23 =	vld [tilespmem:s4+$0x140]  }
0x8e: {  	v20 =	vand.u32 $0xFFFFC, v20;
	v19 =	vshra.s32 v19, $0x12;
	v22 =	vand.u32 $0xFFFFC, v22;
	v24 =	vld [tilespmem:s4+$0x150]  }
0x8f: {  	v13 =	vadd.s32 v13, v20;
	[tilespmem:s4+$0x0] =	vst v0;
	v0 =	vadd.s32 v18, v17;
	v17 =	vadd.s32 v19, v22;
	v18 =	vld [tilespmem:s4+$0x160]  }
0x90: {  	[tilespmem:s4+$0x10] =	vst v1;
	v1 =	vshll.u32 v16, $0x2;
	v16 =	vshra.s32 v16, $0x12;
	v19 =	vshll.u32 v21, $0x2;
	v20 =	vld [tilespmem:s4+$0x170]  }
0x91: {  	[tilespmem:s4+$0x20] =	vst v2;
	v1 =	vand.u32 $0xFFFFC, v1;
	v2 =	vand.u32 $0xFFFFC, v19;
	v19 =	vshra.s32 v21, $0x12  }
0x92: {  	[tilespmem:s4+$0x30] =	vst v4;
	v1 =	vadd.s32 v16, v1;
	v2 =	vadd.s32 v19, v2;
	v4 =	vshll.u32 v23, $0x2;
	v16 =	vld [tilespmem:s4+$0x180]  }
0x93: {  	[tilespmem:s4+$0x40] =	vst v3;
	v3 =	vand.u32 $0xFFFFC, v4;
	v4 =	vshra.s32 v23, $0x12;
	v19 =	vshll.u32 v24, $0x2;
	v21 =	vld [tilespmem:s4+$0x190]  }
0x94: {  	[tilespmem:s4+$0x50] =	vst v5;
	v3 =	vadd.s32 v4, v3;
	v4 =	vand.u32 $0xFFFFC, v19;
	v5 =	vshra.s32 v24, $0x12  }
0x95: {  	[tilespmem:s4+$0x60] =	vst v6;
	v6 =	vshll.u32 v18, $0x2;
	v18 =	vshra.s32 v18, $0x12;
	v19 =	vshll.u32 v20, $0x2;
	v22 =	vld [tilespmem:s4+$0x1A0]  }
0x96: {  	[tilespmem:s4+$0x70] =	vst v8;
	v6 =	vand.u32 $0xFFFFC, v6;
	v8 =	vand.u32 $0xFFFFC, v19;
	v19 =	vshra.s32 v20, $0x12;
	v20 =	vld [tilespmem:s4+$0x1B0]  }
0x97: {  	v4 =	vadd.s32 v5, v4;
	[tilespmem:s4+$0x80] =	vst v9;
	v5 =	vadd.s32 v18, v6;
	v6 =	vadd.s32 v19, v8;
	v8 =	vld [tilespmem:s4+$0x1C0]  }
0x98: {  	v9 =	vshll.u32 v16, $0x2;
	[tilespmem:s4+$0x90] =	vst v11;
	v11 =	vshra.s32 v16, $0x12;
	v16 =	vshll.u32 v21, $0x2;
	v18 =	vld [tilespmem:s4+$0x1D0]  }
0x99: {  	[tilespmem:s4+$0xA0] =	vst v7;
	v7 =	vand.u32 $0xFFFFC, v9;
	v9 =	vand.u32 $0xFFFFC, v16;
	v16 =	vshra.s32 v21, $0x12  }
0x9a: {  	[tilespmem:s4+$0xB0] =	vst v12;
	v7 =	vadd.s32 v11, v7;
	v9 =	vadd.s32 v16, v9;
	v11 =	vshll.u32 v22, $0x2;
	v12 =	vld [tilespmem:s4+$0x1E0]  }
0x9b: {  	[tilespmem:s4+$0xC0] =	vst v10;
	v10 =	vand.u32 $0xFFFFC, v11;
	v11 =	vshra.s32 v22, $0x12;
	v16 =	vshll.u32 v20, $0x2;
	v19 =	vld [tilespmem:s4+$0x1F0]  }
0x9c: {  	[tilespmem:s4+$0xD0] =	vst v14;
	v10 =	vadd.s32 v11, v10;
	v11 =	vand.u32 $0xFFFFC, v16;
	v14 =	vshra.s32 v20, $0x12  }
0x9d: {  	[tilespmem:s4+$0xE0] =	vst v15;
	v15 =	vshll.u32 v8, $0x2;
	v8 =	vshra.s32 v8, $0x12;
	v16 =	vshll.u32 v18, $0x2;
	v20 =	vld [tilespmem:s4+$0x6400]  }
0x9e: {  	[tilespmem:s4+$0xF0] =	vst v0;
	v0 =	vand.u32 $0xFFFFC, v15;
	v15 =	vand.u32 $0xFFFFC, v16;
	v16 =	vshra.s32 v18, $0x12;
	v18 =	vld [tilespmem:s4+$0x6410]  }
0x9f: {  	v11 =	vadd.s32 v14, v11;
	[tilespmem:s4+$0x100] =	vst v13;
	v0 =	vadd.s32 v8, v0;
	v8 =	vadd.s32 v16, v15;
	v13 =	vld [tilespmem:s4+$0x6420]  }
0xa0: {  	v14 =	vshll.u32 v12, $0x2;
	v12 =	vshra.s32 v12, $0x12;
	[tilespmem:s4+$0x110] =	vst v17;
	v15 =	vshll.u32 v19, $0x2;
	v16 =	vld [tilespmem:s4+$0x6430]  }
0xa1: {  	[tilespmem:s4+$0x120] =	vst v1;
	v1 =	vand.u32 $0xFFFFC, v14;
	v14 =	vand.u32 $0xFFFFC, v15;
	v15 =	vshra.s32 v19, $0x12  }
0xa2: {  	[tilespmem:s4+$0x130] =	vst v2;
	v1 =	vadd.s32 v12, v1;
	v2 =	vadd.s32 v15, v14;
	v12 =	vshll.u32 v20, $0x2;
	v14 =	vld [tilespmem:s4+$0x6440]  }
0xa3: {  	[tilespmem:s4+$0x140] =	vst v3;
	v3 =	vand.u32 $0xFFFFC, v12;
	v12 =	vshra.s32 v20, $0x12;
	v15 =	vshll.u32 v18, $0x2;
	v17 =	vld [tilespmem:s4+$0x6450]  }
0xa4: {  	[tilespmem:s4+$0x150] =	vst v4;
	v3 =	vadd.s32 v12, v3;
	v4 =	vand.u32 $0xFFFFC, v15;
	v12 =	vshra.s32 v18, $0x12  }
0xa5: {  	[tilespmem:s4+$0x160] =	vst v5;
	v5 =	vshll.u32 v13, $0x2;
	v13 =	vshra.s32 v13, $0x12;
	v15 =	vshll.u32 v16, $0x2;
	v18 =	vld [tilespmem:s4+$0x6460]  }
0xa6: {  	[tilespmem:s4+$0x170] =	vst v6;
	v5 =	vand.u32 $0xFFFFC, v5;
	v6 =	vand.u32 $0xFFFFC, v15;
	v15 =	vshra.s32 v16, $0x12;
	v16 =	vld [tilespmem:s4+$0x6470]  }
0xa7: {  	v4 =	vadd.s32 v12, v4;
	[tilespmem:s4+$0x180] =	vst v7;
	v5 =	vadd.s32 v13, v5;
	v6 =	vadd.s32 v15, v6;
	v7 =	vld [tilespmem:s4+$0x6480]  }
0xa8: {  	v12 =	vshra.s32 v14, $0x12;
	[tilespmem:s4+$0x190] =	vst v9;
	v9 =	vshll.u32 v14, $0x2;
	v13 =	vshll.u32 v17, $0x2;
	v14 =	vld [tilespmem:s4+$0x6490]  }
0xa9: {  	[tilespmem:s4+$0x1A0] =	vst v10;
	v9 =	vand.u32 $0xFFFFC, v9;
	v10 =	vand.u32 $0xFFFFC, v13;
	v13 =	vshra.s32 v17, $0x12  }
0xaa: {  	[tilespmem:s4+$0x1B0] =	vst v11;
	v9 =	vadd.s32 v12, v9;
	v10 =	vadd.s32 v13, v10;
	v11 =	vshll.u32 v18, $0x2;
	v12 =	vld [tilespmem:s4+$0x64A0]  }
0xab: {  	[tilespmem:s4+$0x1C0] =	vst v0;
	v0 =	vand.u32 $0xFFFFC, v11;
	v11 =	vshra.s32 v18, $0x12;
	v13 =	vshll.u32 v16, $0x2;
	v15 =	vld [tilespmem:s4+$0x64B0]  }
0xac: {  	[tilespmem:s4+$0x1D0] =	vst v8;
	v0 =	vadd.s32 v11, v0;
	v8 =	vand.u32 $0xFFFFC, v13;
	v11 =	vshra.s32 v16, $0x12  }
0xad: {  	[tilespmem:s4+$0x1E0] =	vst v1;
	v1 =	vshll.u32 v7, $0x2;
	v7 =	vshra.s32 v7, $0x12;
	v13 =	vshll.u32 v14, $0x2;
	v16 =	vld [tilespmem:s4+$0x64C0]  }
0xae: {  	[tilespmem:s4+$0x1F0] =	vst v2;
	v1 =	vand.u32 $0xFFFFC, v1;
	v2 =	vand.u32 $0xFFFFC, v13;
	v13 =	vshra.s32 v14, $0x12;
	v14 =	vld [tilespmem:s4+$0x64D0]  }
0xaf: {  	[tilespmem:s4+$0x6400] =	vst v3;
	v3 =	vadd.s32 v11, v8;
	v1 =	vadd.s32 v7, v1;
	v2 =	vadd.s32 v13, v2;
	v7 =	vld [tilespmem:s4+$0x64E0]  }
0xb0: {  	v8 =	vshra.s32 v12, $0x12;
	[tilespmem:s4+$0x6410] =	vst v4;
	v4 =	vshll.u32 v12, $0x2;
	v11 =	vshll.u32 v15, $0x2;
	v12 =	vld [tilespmem:s4+$0x64F0]  }
0xb1: {  	[tilespmem:s4+$0x6420] =	vst v5;
	v4 =	vand.u32 $0xFFFFC, v4;
	v5 =	vand.u32 $0xFFFFC, v11;
	v11 =	vshra.s32 v15, $0x12  }
0xb2: {  	[tilespmem:s4+$0x6430] =	vst v6;
	v4 =	vadd.s32 v8, v4;
	v5 =	vadd.s32 v11, v5;
	v6 =	vshll.u32 v16, $0x2;
	v8 =	vld [tilespmem:s4+$0x6500]  }
0xb3: {  	[tilespmem:s4+$0x6440] =	vst v9;
	v6 =	vand.u32 $0xFFFFC, v6;
	v9 =	vshra.s32 v16, $0x12;
	v11 =	vshll.u32 v14, $0x2;
	v13 =	vld [tilespmem:s4+$0x6510]  }
0xb4: {  	[tilespmem:s4+$0x6450] =	vst v10;
	v6 =	vadd.s32 v9, v6;
	v9 =	vand.u32 $0xFFFFC, v11;
	v10 =	vshra.s32 v14, $0x12  }
0xb5: {  	[tilespmem:s4+$0x6460] =	vst v0;
	v0 =	vshll.u32 v7, $0x2;
	v7 =	vshra.s32 v7, $0x12;
	v11 =	vshll.u32 v12, $0x2;
	v14 =	vld [tilespmem:s4+$0x6520]  }
0xb6: {  	[tilespmem:s4+$0x6470] =	vst v3;
	v0 =	vand.u32 $0xFFFFC, v0;
	v3 =	vand.u32 $0xFFFFC, v11;
	v11 =	vshra.s32 v12, $0x12;
	v12 =	vld [tilespmem:s4+$0x6530]  }
0xb7: {  	[tilespmem:s4+$0x6480] =	vst v1;
	v1 =	vadd.s32 v10, v9;
	v0 =	vadd.s32 v7, v0;
	v3 =	vadd.s32 v11, v3;
	v7 =	vld [tilespmem:s4+$0x6540]  }
0xb8: {  	[tilespmem:s4+$0x6490] =	vst v2;
	v2 =	vshll.u32 v8, $0x2;
	v8 =	vshra.s32 v8, $0x12;
	v9 =	vshll.u32 v13, $0x2;
	v10 =	vld [tilespmem:s4+$0x6550]  }
0xb9: {  	[tilespmem:s4+$0x64A0] =	vst v4;
	v2 =	vand.u32 $0xFFFFC, v2;
	v4 =	vand.u32 $0xFFFFC, v9;
	v9 =	vshra.s32 v13, $0x12  }
0xba: {  	[tilespmem:s4+$0x64B0] =	vst v5;
	v2 =	vadd.s32 v8, v2;
	v4 =	vadd.s32 v9, v4;
	v5 =	vshll.u32 v14, $0x2;
	v8 =	vld [tilespmem:s4+$0x6560]  }
0xbb: {  	[tilespmem:s4+$0x64C0] =	vst v6;
	v5 =	vand.u32 $0xFFFFC, v5;
	v6 =	vshra.s32 v14, $0x12;
	v9 =	vshll.u32 v12, $0x2;
	v11 =	vld [tilespmem:s4+$0x6570]  }
0xbc: {  	[tilespmem:s4+$0x64D0] =	vst v1;
	v1 =	vadd.s32 v6, v5;
	v5 =	vand.u32 $0xFFFFC, v9;
	v6 =	vshra.s32 v12, $0x12  }
0xbd: {  	[tilespmem:s4+$0x64E0] =	vst v0;
	v0 =	vshll.u32 v7, $0x2;
	v7 =	vshra.s32 v7, $0x12;
	v9 =	vshll.u32 v10, $0x2;
	v12 =	vld [tilespmem:s4+$0x6580]  }
0xbe: {  	[tilespmem:s4+$0x64F0] =	vst v3;
	v0 =	vand.u32 $0xFFFFC, v0;
	v3 =	vand.u32 $0xFFFFC, v9;
	v9 =	vshra.s32 v10, $0x12;
	v10 =	vld [tilespmem:s4+$0x6590]  }
0xbf: {  	[tilespmem:s4+$0x6500] =	vst v2;
	v2 =	vadd.s32 v6, v5;
	v5 =	vadd.s32 v7, v0;
	v3 =	vadd.s32 v9, v3;
	v13 =	vld [tilespmem:s4+$0x65A0]  }
0xc0: {  	v6 =	vshra.s32 v8, $0x12;
	[tilespmem:s4+$0x6510] =	vst v4;
	v4 =	vshll.u32 v8, $0x2;
	v7 =	vshll.u32 v11, $0x2;
	v0 =	vld [tilespmem:s4+$0x65B0]  }
.Ltmp0:
0xc1: {  	[tilespmem:s4+$0x6520] =	vst v1;
	v1 =	vand.u32 $0xFFFFC, v4;
	v4 =	vand.u32 $0xFFFFC, v7;
	v7 =	vshra.s32 v11, $0x12;
	(pc) =	sbr.rel @p0 .LBB2_2-.Ltmp0, $4  }
0xc2: {  	[tilespmem:s4+$0x6530] =	vst v2;
	v8 =	vadd.s32 v6, v1;
	v4 =	vadd.s32 v7, v4;
	v2 =	vshll.u32 v12, $0x2;
	v1 =	vld [tilespmem:s4+$0x65C0]  }
0xc3: {  	v6 =	vshra.s32 v12, $0x12;
	[tilespmem:s4+$0x6540] =	vst v5;
	v5 =	vand.u32 $0xFFFFC, v2;
	v7 =	vshll.u32 v10, $0x2;
	v2 =	vld [tilespmem:s4+$0x65D0]  }
0xc4: {  	[tilespmem:s4+$0x6550] =	vst v3;
	v5 =	vadd.s32 v6, v5;
	v6 =	vand.u32 $0xFFFFC, v7;
	v7 =	vshra.s32 v10, $0x12  }
0xc5: {  	s5 =	sadd.s32 $0x800, s5;
	v9 =	vshll.u32 v13, $0x2;
	[tilespmem:s4+$0x6560] =	vst v8;
	v8 =	vshra.s32 v13, $0x12;
	v10 =	vshll.u32 v0, $0x2;
	v3 =	vld [tilespmem:s4+$0x65E0]  }
0xc6: {  	[tilespmem:s4+$0x6570] =	vst v4;
	v45 =	vand.u32 $0xFFFFC, v9;
	v46 =	vand.u32 $0xFFFFC, v10;
	v0 =	vshra.s32 v0, $0x12;
	v47 =	vld [tilespmem:s4+$0x65F0]  }
0xc7: {  	[tilespmem:s4+$0x6580] =	vst v5;
	v48 =	vadd.s32 v7, v6;
	v4 =	vadd.s32 v8, v45;
	v0 =	vadd.s32 v0, v46  }
0xc8: {  	[tilespmem:s4+$0x6590] =	vst v48;
	v49 =	vshll.u32 v1, $0x2;
	v50 =	vshra.s32 v1, $0x12;
	v51 =	vshll.u32 v2, $0x2  }
0xc9: {  	[tilespmem:s4+$0x65A0] =	vst v4;
	v52 =	vand.u32 $0xFFFFC, v49;
	v54 =	vshra.s32 v2, $0x12;
	v53 =	vand.u32 $0xFFFFC, v51  }
0xca: {  	[tilespmem:s4+$0x65B0] =	vst v0;
	v55 =	vadd.s32 v50, v52;
	v56 =	vadd.s32 v54, v53;
	v57 =	vshll.u32 v3, $0x2  }
0xcb: {  	[tilespmem:s4+$0x65C0] =	vst v55;
	v59 =	vshra.s32 v3, $0x12;
	v58 =	vand.u32 $0xFFFFC, v57;
	v60 =	vshll.u32 v47, $0x2  }
0xcc: {  	[tilespmem:s4+$0x65D0] =	vst v56;
	v62 =	vshra.s32 v47, $0x12;
	v0 =	vadd.s32 v59, v58;
	v61 =	vand.u32 $0xFFFFC, v60  }
0xcd: {  	[tilespmem:s4+$0x65E0] =	vst v0;
	v63 =	vadd.s32 v62, v61  }
0xce: {  	s6 =	simm.s32 $0x0;
	[tilespmem:s4+$0x65F0] =	vst v63  }
0xcf: {  	[tilespmem:s16], [sflag:$0x1] =	stream.indirect.gather [hbm4b:s3+s15], $0x20, s6, s15, $0xb8;
	[tilespmem:$0x1C800] =	vst v63  }
0xd0: {  	_ = 	snop  }
0xd1: {  	[tilespmem:s17], [sflag:$0x1] =	stream.indirect.gather [hbm4b:s3+s15], $0x20, s15, s15, $0xb8;
	[tilespmem:$0x1C800] =	vst v63  }
0xd2: {  	s5 =	simm.s32 $0x100  }
0xd3: {  	[tilespmem:s19], [sflag:$0x1] =	stream.indirect.gather [hbm4b:s3+s15], $0x20, s5, s15, $0xb8;
	[tilespmem:$0x1C800] =	vst v63  }
0xd4: {  	s6 =	simm.s32 $0x180  }
0xd5: {  	[tilespmem:s21], [sflag:$0x1] =	stream.indirect.gather [hbm4b:s3+s15], $0x20, s6, s15, $0xb8;
	[tilespmem:$0x1C800] =	vst v63  }
0xd6: {  	s5 =	simm.s32 $0x6400  }
0xd7: {  	[tilespmem:s22], [sflag:$0x1] =	stream.indirect.gather [hbm4b:s3+s15], $0x20, s5, s15, $0xb8;
	[tilespmem:$0x1C800] =	vst v63  }
0xd8: {  	s6 =	simm.s32 $0x6480  }
0xd9: {  	[tilespmem:s24], [sflag:$0x1] =	stream.indirect.gather [hbm4b:s3+s15], $0x20, s6, s15, $0xb8;
	[tilespmem:$0x1C800] =	vst v63  }
0xda: {  	s5 =	simm.s32 $0x6500  }
0xdb: {  	[tilespmem:s26], [sflag:$0x1] =	stream.indirect.gather [hbm4b:s3+s15], $0x20, s5, s15, $0xb8;
	[tilespmem:$0x1C800] =	vst v63  }
0xdc: {  	s6 =	simm.s32 $0x6580  }
0xdd: {  	[tilespmem:s29], [sflag:$0x1] =	stream.indirect.gather [hbm4b:s3+s15], $0x20, s6, s15, $0xb8;
	[tilespmem:$0x1C800] =	vst v63  }
0xde: {  	_ = 	snop  }
0xdf: {  	[tilespmem:s30], [sflag:$0x2] =	stream.indirect.gather [hbm4b:s3+s15], $0x20, s11, s15, $0xb8;
	[tilespmem:$0x1C800] =	vst v63  }
0xe0: {  	s5 =	simm.s32 $0x280  }
0xe1: {  	[tilespmem:s1], [sflag:$0x2] =	stream.indirect.gather [hbm4b:s3+s15], $0x20, s5, s15, $0xb8;
	[tilespmem:$0x1C800] =	vst v63  }
0xe2: {  	s6 =	simm.s32 $0x300  }
0xe3: {  	[tilespmem:s18], [sflag:$0x2] =	stream.indirect.gather [hbm4b:s3+s15], $0x20, s6, s15, $0xb8;
	[tilespmem:$0x1C800] =	vst v63  }
0xe4: {  	s5 =	simm.s32 $0x380  }
0xe5: {  	[tilespmem:s23], [sflag:$0x2] =	stream.indirect.gather [hbm4b:s3+s15], $0x20, s5, s15, $0xb8;
	[tilespmem:$0x1C800] =	vst v63  }
0xe6: {  	s6 =	simm.s32 $0x6600  }
0xe7: {  	[tilespmem:s28], [sflag:$0x2] =	stream.indirect.gather [hbm4b:s3+s15], $0x20, s6, s15, $0xb8;
	[tilespmem:$0x1C800] =	vst v63  }
0xe8: {  	s5 =	simm.s32 $0x6680  }
0xe9: {  	[tilespmem:s0], [sflag:$0x2] =	stream.indirect.gather [hbm4b:s3+s15], $0x20, s5, s15, $0xb8;
	[tilespmem:$0x1C800] =	vst v63  }
0xea: {  	s6 =	simm.s32 $0x6700  }
0xeb: {  	[tilespmem:s25], [sflag:$0x2] =	stream.indirect.gather [hbm4b:s3+s15], $0x20, s6, s15, $0xb8;
	[tilespmem:$0x1C800] =	vst v63  }
0xec: {  	s5 =	simm.s32 $0x6780  }
0xed: {  	[tilespmem:s20], [sflag:$0x2] =	stream.indirect.gather [hbm4b:s3+s15], $0x20, s5, s15, $0xb8;
	[tilespmem:$0x1C800] =	vst v63  }
0xee: {  	_ =	swait.ge [sflag:s31], $0x1000  }
0xef: {  	[sflag:s31] =	ssyncset.done $0x0  }
0xf0: {  	[sflag:s31] =	ssyncadd.s32 $0xFFFFF000  }
0xf1: {  	_ =	swait.ge [sflag:s31], $0x1000  }
0xf2: {  	[sflag:s31] =	ssyncset.done $0x0  }
0xf3: {  	[sflag:s31] =	ssyncadd.s32 $0xFFFFF000  }
0xf4: {  	_ =	swait.ge [sflag:s31], $0x1000  }
0xf5: {  	[sflag:s31] =	ssyncset.done $0x0  }
0xf6: {  	[sflag:s31] =	ssyncadd.s32 $0xFFFFF000  }
0xf7: {  	_ =	swait.ge [sflag:s31], $0x1000  }
0xf8: {  	[sflag:s31] =	ssyncset.done $0x0  }
0xf9: {  	[sflag:s31] =	ssyncadd.s32 $0xFFFFF000  }
0xfa: {  	_ =	swait.ge [sflag:s31], $0x1000  }
0xfb: {  	[sflag:s31] =	ssyncset.done $0x0  }
0xfc: {  	[sflag:s31] =	ssyncadd.s32 $0xFFFFF000  }
0xfd: {  	_ =	swait.ge [sflag:s31], $0x1000  }
0xfe: {  	[sflag:s31] =	ssyncset.done $0x0  }
0xff: {  	[sflag:s31] =	ssyncadd.s32 $0xFFFFF000  }
0x100: {  	_ =	swait.ge [sflag:s31], $0x1000  }
0x101: {  	[sflag:s31] =	ssyncset.done $0x0  }
0x102: {  	[sflag:s31] =	ssyncadd.s32 $0xFFFFF000  }
0x103: {  	_ =	swait.ge [sflag:s31], $0x1000  }
0x104: {  	[sflag:s31] =	ssyncset.done $0x0  }
0x105: {  	s6 =	simm.s32 $0x400;
	[sflag:s31] =	ssyncadd.s32 $0xFFFFF000  }
0x106: {  	[tilespmem:s16], [sflag:$0x1] =	stream.indirect.gather.add.f32 [hbm:s3], $0x20, s6, s15, $0xb8;
	[tilespmem:$0x1C800] =	vst v63  }
0x107: {  	s5 =	simm.s32 $0x480  }
0x108: {  	[tilespmem:s17], [sflag:$0x1] =	stream.indirect.gather.add.f32 [hbm:s3], $0x20, s5, s15, $0xb8;
	[tilespmem:$0x1C800] =	vst v63  }
0x109: {  	s6 =	simm.s32 $0x500  }
0x10a: {  	[tilespmem:s19], [sflag:$0x1] =	stream.indirect.gather.add.f32 [hbm:s3], $0x20, s6, s15, $0xb8;
	[tilespmem:$0x1C800] =	vst v63  }
0x10b: {  	s5 =	simm.s32 $0x580  }
0x10c: {  	[tilespmem:s21], [sflag:$0x1] =	stream.indirect.gather.add.f32 [hbm:s3], $0x20, s5, s15, $0xb8;
	[tilespmem:$0x1C800] =	vst v63  }
0x10d: {  	s6 =	simm.s32 $0x6800  }
0x10e: {  	[tilespmem:s22], [sflag:$0x1] =	stream.indirect.gather.add.f32 [hbm:s3], $0x20, s6, s15, $0xb8;
	[tilespmem:$0x1C800] =	vst v63  }
0x10f: {  	s5 =	simm.s32 $0x6880  }
0x110: {  	[tilespmem:s24], [sflag:$0x1] =	stream.indirect.gather.add.f32 [hbm:s3], $0x20, s5, s15, $0xb8;
	[tilespmem:$0x1C800] =	vst v63  }
0x111: {  	s6 =	simm.s32 $0x6900  }
0x112: {  	[tilespmem:s26], [sflag:$0x1] =	stream.indirect.gather.add.f32 [hbm:s3], $0x20, s6, s15, $0xb8;
	[tilespmem:$0x1C800] =	vst v63  }
0x113: {  	s5 =	simm.s32 $0x6980  }
0x114: {  	[tilespmem:s29], [sflag:$0x1] =	stream.indirect.gather.add.f32 [hbm:s3], $0x20, s5, s15, $0xb8;
	[tilespmem:$0x1C800] =	vst v63  }
0x115: {  	_ =	swait.ge [sflag:s12], $0x1000  }
0x116: {  	[sflag:s12] =	ssyncset.done $0x0  }
0x117: {  	[sflag:s12] =	ssyncadd.s32 $0xFFFFF000  }
0x118: {  	_ =	swait.ge [sflag:s12], $0x1000  }
0x119: {  	[sflag:s12] =	ssyncset.done $0x0  }
0x11a: {  	[sflag:s12] =	ssyncadd.s32 $0xFFFFF000  }
0x11b: {  	_ =	swait.ge [sflag:s12], $0x1000  }
0x11c: {  	[sflag:s12] =	ssyncset.done $0x0  }
0x11d: {  	[sflag:s12] =	ssyncadd.s32 $0xFFFFF000  }
0x11e: {  	_ =	swait.ge [sflag:s12], $0x1000  }
0x11f: {  	[sflag:s12] =	ssyncset.done $0x0  }
0x120: {  	[sflag:s12] =	ssyncadd.s32 $0xFFFFF000  }
0x121: {  	_ =	swait.ge [sflag:s12], $0x1000  }
0x122: {  	[sflag:s12] =	ssyncset.done $0x0  }
0x123: {  	[sflag:s12] =	ssyncadd.s32 $0xFFFFF000  }
0x124: {  	_ =	swait.ge [sflag:s12], $0x1000  }
0x125: {  	[sflag:s12] =	ssyncset.done $0x0  }
0x126: {  	[sflag:s12] =	ssyncadd.s32 $0xFFFFF000  }
0x127: {  	_ =	swait.ge [sflag:s12], $0x1000  }
0x128: {  	[sflag:s12] =	ssyncset.done $0x0  }
0x129: {  	[sflag:s12] =	ssyncadd.s32 $0xFFFFF000  }
0x12a: {  	_ =	swait.ge [sflag:s12], $0x1000  }
0x12b: {  	[sflag:s12] =	ssyncset.done $0x0  }
0x12c: {  	s6 =	simm.s32 $0x600;
	[sflag:s12] =	ssyncadd.s32 $0xFFFFF000  }
0x12d: {  	[tilespmem:s30], [sflag:$0x2] =	stream.indirect.gather.add.f32 [hbm:s3], $0x20, s6, s15, $0xb8;
	[tilespmem:$0x1C800] =	vst v63  }
0x12e: {  	s5 =	simm.s32 $0x680  }
0x12f: {  	[tilespmem:s1], [sflag:$0x2] =	stream.indirect.gather.add.f32 [hbm:s3], $0x20, s5, s15, $0xb8;
	[tilespmem:$0x1C800] =	vst v63  }
0x130: {  	s6 =	simm.s32 $0x700  }
0x131: {  	[tilespmem:s18], [sflag:$0x2] =	stream.indirect.gather.add.f32 [hbm:s3], $0x20, s6, s15, $0xb8;
	[tilespmem:$0x1C800] =	vst v63  }
0x132: {  	s5 =	simm.s32 $0x780  }
0x133: {  	[tilespmem:s23], [sflag:$0x2] =	stream.indirect.gather.add.f32 [hbm:s3], $0x20, s5, s15, $0xb8;
	[tilespmem:$0x1C800] =	vst v63  }
0x134: {  	s6 =	simm.s32 $0x6A00  }
0x135: {  	[tilespmem:s28], [sflag:$0x2] =	stream.indirect.gather.add.f32 [hbm:s3], $0x20, s6, s15, $0xb8;
	[tilespmem:$0x1C800] =	vst v63  }
0x136: {  	s5 =	simm.s32 $0x6A80  }
0x137: {  	[tilespmem:s0], [sflag:$0x2] =	stream.indirect.gather.add.f32 [hbm:s3], $0x20, s5, s15, $0xb8;
	[tilespmem:$0x1C800] =	vst v63  }
0x138: {  	s4 =	simm.s32 $0x1000;
	s6 =	simm.s32 $0x6B00;
	s5 =	simm.s32 $0x6B80  }
0x139: {  	[tilespmem:s25], [sflag:$0x2] =	stream.indirect.gather.add.f32 [hbm:s3], $0x20, s6, s15, $0xb8;
	[tilespmem:$0x1C800] =	vst v63  }
.LBB2_4:
0x13a: {  	[tilespmem:s20], [sflag:$0x2] =	stream.indirect.gather.add.f32 [hbm:s3], $0x20, s5, s15, $0xb8;
	[tilespmem:$0x1C800] =	vst v63  }
0x13b: {  	s5 =	smov.u32 s4  }
0x13c: {  	p0 =	sne.s32 s4, $0x17000;
	s4 =	sadd.s32 $0x1000, s4;
	_ =	swait.ge [sflag:s31], $0x1000  }
0x13d: {  	[sflag:s31] =	ssyncset.done $0x0  }
0x13e: {  	[sflag:s31] =	ssyncadd.s32 $0xFFFFF000  }
0x13f: {  	_ =	swait.ge [sflag:s31], $0x1000  }
0x140: {  	[sflag:s31] =	ssyncset.done $0x0  }
0x141: {  	[sflag:s31] =	ssyncadd.s32 $0xFFFFF000  }
0x142: {  	_ =	swait.ge [sflag:s31], $0x1000  }
0x143: {  	[sflag:s31] =	ssyncset.done $0x0  }
0x144: {  	[sflag:s31] =	ssyncadd.s32 $0xFFFFF000  }
0x145: {  	_ =	swait.ge [sflag:s31], $0x1000  }
0x146: {  	[sflag:s31] =	ssyncset.done $0x0  }
0x147: {  	[sflag:s31] =	ssyncadd.s32 $0xFFFFF000  }
0x148: {  	_ =	swait.ge [sflag:s31], $0x1000  }
0x149: {  	[sflag:s31] =	ssyncset.done $0x0  }
0x14a: {  	[sflag:s31] =	ssyncadd.s32 $0xFFFFF000  }
0x14b: {  	_ =	swait.ge [sflag:s31], $0x1000  }
0x14c: {  	[sflag:s31] =	ssyncset.done $0x0  }
0x14d: {  	[sflag:s31] =	ssyncadd.s32 $0xFFFFF000  }
0x14e: {  	_ =	swait.ge [sflag:s31], $0x1000  }
0x14f: {  	[sflag:s31] =	ssyncset.done $0x0  }
0x150: {  	[sflag:s31] =	ssyncadd.s32 $0xFFFFF000  }
0x151: {  	_ =	swait.ge [sflag:s31], $0x1000  }
0x152: {  	s5 =	sshra.s32 s5, $0x2;
	[sflag:s31] =	ssyncset.done $0x0  }
0x153: {  	s6 =	sadd.s32 $0x400, s5;
	[sflag:s31] =	ssyncadd.s32 $0xFFFFF000  }
0x154: {  	[tilespmem:s16], [sflag:$0x1] =	stream.indirect.gather.add.f32 [hbm:s3], $0x20, s6, s15, $0xb8;
	[tilespmem:$0x1C800] =	vst v63  }
0x155: {  	s6 =	sadd.s32 $0x480, s5  }
0x156: {  	[tilespmem:s17], [sflag:$0x1] =	stream.indirect.gather.add.f32 [hbm:s3], $0x20, s6, s15, $0xb8;
	[tilespmem:$0x1C800] =	vst v63  }
0x157: {  	s6 =	sadd.s32 $0x500, s5  }
0x158: {  	[tilespmem:s19], [sflag:$0x1] =	stream.indirect.gather.add.f32 [hbm:s3], $0x20, s6, s15, $0xb8;
	[tilespmem:$0x1C800] =	vst v63  }
0x159: {  	s6 =	sadd.s32 $0x580, s5  }
0x15a: {  	[tilespmem:s21], [sflag:$0x1] =	stream.indirect.gather.add.f32 [hbm:s3], $0x20, s6, s15, $0xb8;
	[tilespmem:$0x1C800] =	vst v63  }
0x15b: {  	s6 =	sadd.s32 $0x6800, s5  }
0x15c: {  	[tilespmem:s22], [sflag:$0x1] =	stream.indirect.gather.add.f32 [hbm:s3], $0x20, s6, s15, $0xb8;
	[tilespmem:$0x1C800] =	vst v63  }
0x15d: {  	s6 =	sadd.s32 $0x6880, s5  }
0x15e: {  	[tilespmem:s24], [sflag:$0x1] =	stream.indirect.gather.add.f32 [hbm:s3], $0x20, s6, s15, $0xb8;
	[tilespmem:$0x1C800] =	vst v63  }
0x15f: {  	s6 =	sadd.s32 $0x6900, s5  }
0x160: {  	[tilespmem:s26], [sflag:$0x1] =	stream.indirect.gather.add.f32 [hbm:s3], $0x20, s6, s15, $0xb8;
	[tilespmem:$0x1C800] =	vst v63  }
0x161: {  	s6 =	sadd.s32 $0x6980, s5  }
0x162: {  	[tilespmem:s29], [sflag:$0x1] =	stream.indirect.gather.add.f32 [hbm:s3], $0x20, s6, s15, $0xb8;
	[tilespmem:$0x1C800] =	vst v63  }
0x163: {  	_ =	swait.ge [sflag:s12], $0x1000  }
0x164: {  	[sflag:s12] =	ssyncset.done $0x0  }
0x165: {  	[sflag:s12] =	ssyncadd.s32 $0xFFFFF000  }
0x166: {  	_ =	swait.ge [sflag:s12], $0x1000  }
0x167: {  	[sflag:s12] =	ssyncset.done $0x0  }
0x168: {  	[sflag:s12] =	ssyncadd.s32 $0xFFFFF000  }
0x169: {  	_ =	swait.ge [sflag:s12], $0x1000  }
0x16a: {  	[sflag:s12] =	ssyncset.done $0x0  }
0x16b: {  	[sflag:s12] =	ssyncadd.s32 $0xFFFFF000  }
0x16c: {  	_ =	swait.ge [sflag:s12], $0x1000  }
0x16d: {  	[sflag:s12] =	ssyncset.done $0x0  }
0x16e: {  	[sflag:s12] =	ssyncadd.s32 $0xFFFFF000  }
0x16f: {  	_ =	swait.ge [sflag:s12], $0x1000  }
0x170: {  	[sflag:s12] =	ssyncset.done $0x0  }
0x171: {  	[sflag:s12] =	ssyncadd.s32 $0xFFFFF000  }
0x172: {  	_ =	swait.ge [sflag:s12], $0x1000  }
0x173: {  	[sflag:s12] =	ssyncset.done $0x0  }
0x174: {  	[sflag:s12] =	ssyncadd.s32 $0xFFFFF000  }
0x175: {  	_ =	swait.ge [sflag:s12], $0x1000  }
0x176: {  	[sflag:s12] =	ssyncset.done $0x0  }
0x177: {  	[sflag:s12] =	ssyncadd.s32 $0xFFFFF000  }
0x178: {  	_ =	swait.ge [sflag:s12], $0x1000  }
0x179: {  	[sflag:s12] =	ssyncset.done $0x0  }
0x17a: {  	s6 =	sadd.s32 $0x600, s5;
	[sflag:s12] =	ssyncadd.s32 $0xFFFFF000  }
0x17b: {  	[tilespmem:s30], [sflag:$0x2] =	stream.indirect.gather.add.f32 [hbm:s3], $0x20, s6, s15, $0xb8;
	[tilespmem:$0x1C800] =	vst v63  }
0x17c: {  	s6 =	sadd.s32 $0x680, s5  }
0x17d: {  	[tilespmem:s1], [sflag:$0x2] =	stream.indirect.gather.add.f32 [hbm:s3], $0x20, s6, s15, $0xb8;
	[tilespmem:$0x1C800] =	vst v63  }
0x17e: {  	s6 =	sadd.s32 $0x700, s5  }
0x17f: {  	[tilespmem:s18], [sflag:$0x2] =	stream.indirect.gather.add.f32 [hbm:s3], $0x20, s6, s15, $0xb8;
	[tilespmem:$0x1C800] =	vst v63  }
0x180: {  	s6 =	sadd.s32 $0x780, s5  }
0x181: {  	[tilespmem:s23], [sflag:$0x2] =	stream.indirect.gather.add.f32 [hbm:s3], $0x20, s6, s15, $0xb8;
	[tilespmem:$0x1C800] =	vst v63  }
0x182: {  	s6 =	sadd.s32 $0x6A00, s5  }
0x183: {  	[tilespmem:s28], [sflag:$0x2] =	stream.indirect.gather.add.f32 [hbm:s3], $0x20, s6, s15, $0xb8;
	[tilespmem:$0x1C800] =	vst v63  }
.Ltmp1:
0x184: {  	s6 =	sadd.s32 $0x6A80, s5;
	(pc) =	sbr.rel @p0 .LBB2_4-.Ltmp1, $4  }
0x185: {  	[tilespmem:s0], [sflag:$0x2] =	stream.indirect.gather.add.f32 [hbm:s3], $0x20, s6, s15, $0xb8;
	[tilespmem:$0x1C800] =	vst v63  }
0x186: {  	s6 =	sadd.s32 $0x6B00, s5  }
0x187: {  	[tilespmem:s25], [sflag:$0x2] =	stream.indirect.gather.add.f32 [hbm:s3], $0x20, s6, s15, $0xb8;
	[tilespmem:$0x1C800] =	vst v63  }
0x188: {  	s5 =	sadd.s32 $0x6B80, s5  }
0x189: {  	[tilespmem:s20], [sflag:$0x2] =	stream.indirect.gather.add.f32 [hbm:s3], $0x20, s5, s15, $0xb8;
	[tilespmem:$0x1C800] =	vst v63  }
0x18a: {  	_ =	swait.ge [sflag:s31], $0x1000  }
0x18b: {  	[sflag:s31] =	ssyncset.done $0x0  }
0x18c: {  	[sflag:s31] =	ssyncadd.s32 $0xFFFFF000  }
0x18d: {  	_ =	swait.ge [sflag:s31], $0x1000  }
0x18e: {  	[sflag:s31] =	ssyncset.done $0x0  }
0x18f: {  	[sflag:s31] =	ssyncadd.s32 $0xFFFFF000  }
0x190: {  	_ =	swait.ge [sflag:s31], $0x1000  }
0x191: {  	[sflag:s31] =	ssyncset.done $0x0  }
0x192: {  	[sflag:s31] =	ssyncadd.s32 $0xFFFFF000  }
0x193: {  	_ =	swait.ge [sflag:s31], $0x1000  }
0x194: {  	[sflag:s31] =	ssyncset.done $0x0  }
0x195: {  	[sflag:s31] =	ssyncadd.s32 $0xFFFFF000  }
0x196: {  	_ =	swait.ge [sflag:s31], $0x1000  }
0x197: {  	[sflag:s31] =	ssyncset.done $0x0  }
0x198: {  	[sflag:s31] =	ssyncadd.s32 $0xFFFFF000  }
0x199: {  	_ =	swait.ge [sflag:s31], $0x1000  }
0x19a: {  	[sflag:s31] =	ssyncset.done $0x0  }
0x19b: {  	[sflag:s31] =	ssyncadd.s32 $0xFFFFF000  }
0x19c: {  	_ =	swait.ge [sflag:s31], $0x1000  }
0x19d: {  	[sflag:s31] =	ssyncset.done $0x0  }
0x19e: {  	[sflag:s31] =	ssyncadd.s32 $0xFFFFF000  }
0x19f: {  	_ =	swait.ge [sflag:s31], $0x1000  }
0x1a0: {  	[sflag:s31] =	ssyncset.done $0x0  }
0x1a1: {  	[sflag:s31] =	ssyncadd.s32 $0xFFFFF000  }
0x1a2: {  	_ =	swait.ge [sflag:s12], $0x1000  }
0x1a3: {  	[sflag:s12] =	ssyncset.done $0x0  }
0x1a4: {  	[sflag:s12] =	ssyncadd.s32 $0xFFFFF000  }
0x1a5: {  	_ =	swait.ge [sflag:s12], $0x1000  }
0x1a6: {  	[sflag:s12] =	ssyncset.done $0x0  }
0x1a7: {  	[sflag:s12] =	ssyncadd.s32 $0xFFFFF000  }
0x1a8: {  	_ =	swait.ge [sflag:s12], $0x1000  }
0x1a9: {  	[sflag:s12] =	ssyncset.done $0x0  }
0x1aa: {  	[sflag:s12] =	ssyncadd.s32 $0xFFFFF000  }
0x1ab: {  	_ =	swait.ge [sflag:s12], $0x1000  }
0x1ac: {  	[sflag:s12] =	ssyncset.done $0x0  }
0x1ad: {  	[sflag:s12] =	ssyncadd.s32 $0xFFFFF000  }
0x1ae: {  	_ =	swait.ge [sflag:s12], $0x1000  }
0x1af: {  	[sflag:s12] =	ssyncset.done $0x0  }
0x1b0: {  	[sflag:s12] =	ssyncadd.s32 $0xFFFFF000  }
0x1b1: {  	_ =	swait.ge [sflag:s12], $0x1000  }
0x1b2: {  	[sflag:s12] =	ssyncset.done $0x0  }
0x1b3: {  	[sflag:s12] =	ssyncadd.s32 $0xFFFFF000  }
0x1b4: {  	_ =	swait.ge [sflag:s12], $0x1000  }
0x1b5: {  	[sflag:s12] =	ssyncset.done $0x0  }
0x1b6: {  	[sflag:s12] =	ssyncadd.s32 $0xFFFFF000  }
0x1b7: {  	_ =	swait.ge [sflag:s12], $0x1000  }
0x1b8: {  	[sflag:s12] =	ssyncset.done $0x0  }
0x1b9: {  	s4 =	rddreg [dreg:$0x4];
	[sflag:s12] =	ssyncadd.s32 $0xFFFFF000  }
0x1ba: {  	[hbm4b:s4+s2] =	stream.linear.scatter [tilespmem:s16], [sflag:$0x3], $0x4000, $0x38;
	[tilespmem:$0x1C800] =	vst v63  }
0x1bb: {  	_ =	swait.ge [sflag:s13], $0x4000  }
0x1bc: {  	[sflag:s13] =	ssyncset.done $0x0  }
0x1bd: {  	[sflag:s13] =	ssyncadd.s32 $0xFFFFC000  }
0x1be: {  	[hbm4b:s7+s2] =	stream.linear.scatter [tilespmem:s30], [sflag:$0x3], $0x4000, $0x38;
	[tilespmem:$0x1C800] =	vst v63  }
0x1bf: {  	_ =	swait.ge [sflag:s13], $0x4000  }
0x1c0: {  	[sflag:s13] =	ssyncset.done $0x0  }
0x1c1: {  	[sflag:s13] =	ssyncadd.s32 $0xFFFFC000  }
0x1c2: {  	[hbm4b:s8+s2] =	stream.linear.scatter [tilespmem:s22], [sflag:$0x3], $0x4000, $0x38;
	[tilespmem:$0x1C800] =	vst v63  }
0x1c3: {  	s14 =	sadd.s32 $0x1, s14;
	_ =	swait.ge [sflag:s13], $0x4000  }
0x1c4: {  	p0 =	sne.s32 s14, s10;
	[sflag:s13] =	ssyncset.done $0x0  }
.Ltmp2:
0x1c5: {  	[sflag:s13] =	ssyncadd.s32 $0xFFFFC000;
	(pc) =	sbr.rel @p0 .LBB2_1-.Ltmp2, $4  }
0x1c6: {  	[hbm4b:s9+s2] =	stream.linear.scatter [tilespmem:s28], [sflag:$0x3], $0x4000, $0x38;
	[tilespmem:$0x1C800] =	vst v63  }
0x1c7: {  	_ =	swait.ge [sflag:s13], $0x4000  }
0x1c8: {  	[sflag:s13] =	ssyncset.done $0x0  }
0x1c9: {  	[sflag:s13] =	ssyncadd.s32 $0xFFFFC000  }
0x1ca: {  	_ =	sfence.sel $0x180000  }
0x1cb: {  	[bflag:$0x0] =	sbarrier.arrive $0xFFFF  }
0x1cc: {  	_ =	strace $0x90000047  }
0x1cd: {  	s0 =	stileid.u32;
	[bflag:$0x2] =	sbarrier.arrive $0xFFFF  }
0x1ce: {  	p0 =	sne.s32 s0, $0x0;
	s0 =	rddreg [dreg:$0x1]  }
0x1cf: {  	s0 =	sadd.s32 @!p0 $0x100000, s0  }
0x1d0: {  	[sflag:s0] =	ssyncadd.tile.s32 @!p0 $0x1;
	_ =	shalt  }
.Lfunc_end2:
_tile_overlayer_lowered:
.L_overlay_start_2:
0x1d1: {  	(tag) =	ssettag $0x2  }
0x1d2: {  	s0 =	rddreg [dreg:$0x0];
	s2 =	stileid.u32  }
0x1d3: {  	s1 =	rddreg [dreg:$0x1];
	p0 =	sne.s32 s2, $0x0  }
0x1d4: {  	s3 =	rddreg [dreg:$0x2];
	[bflag:$0x3] =	sbarrier.arrive $0xFFFF;
	s2 =	simm.s32 @!p0 $0x1C03  }
0x1d5: {  	[timem:s3], [sflag:s2] =	dma.local @!p0 [hbm:s0], s1  }
0x1d6: {  	s0 =	simm.s32 @!p0 $0x3  }
0x1d7: {  	_ =	swait.ge @!p0 [sflag:s0], s1  }
0x1d8: {  	s1 =	ssub.s32 @!p0 $0x0, s1;
	[sflag:s0] =	ssyncset.done @!p0 $0x0  }
0x1d9: {  	[sflag:s0] =	ssyncadd.s32 @!p0 s1  }
0x1da: {  	[bflag:$0x3] =	sbarrier.arrive $0xFFFF  }
0x1db: {  	_ =	shalt  }

</sc_bundles>
